<compile_context>
chip_gen: v7x
topology: tpu7x:2x2x1
jax: 0.10.2.dev20260603
libtpu: 0.0.44.dev20260713+nightly
codegen_flags: <defaults>
</compile_context>

<pallas_src>
import functools

import jax
import jax.numpy as jnp
from jax import lax
from jax.experimental import pallas as pl
from jax.experimental.pallas import tpu as pltpu
from jax.experimental.pallas import tpu_sc as plsc

NC = 2
NS = 16
NW = NC * NS

B_SEG = 64


def _acc_pad(n_rows):
    rpt = ((-(-(n_rows + 1) // NS)) + 7) // 8 * 8
    return rpt * NS, rpt


def _make_sc_agg(n_rows, d, nchunk, chunk, nbuf):
    CHUNK = chunk
    npad, rpt = _acc_pad(n_rows)
    full, rem = divmod(rpt, CHUNK)

    mesh = plsc.VectorSubcoreMesh(
        core_axis_name="c", subcore_axis_name="s",
        num_cores=NC, num_subcores=NS)

    @functools.partial(
        pl.kernel,
        out_type=jax.ShapeDtypeStruct((NC, npad, d), jnp.float32),
        mesh=mesh,
        scratch_types=[
            pltpu.VMEM((nchunk, CHUNK), jnp.int32),
            pltpu.VMEM((nchunk, CHUNK), jnp.int32),
            [pltpu.VMEM((CHUNK, d), jnp.float32) for _ in range(nbuf)],
            pltpu.VMEM_SHARED((npad, d), jnp.float32),
            [pltpu.SemaphoreType.DMA for _ in range(nbuf)],
        ],
        compiler_params=pltpu.CompilerParams(use_tc_tiling_on_sc=False),
    )
    def sc_agg(h_hbm, src_hbm, dst_hbm, out_hbm, idx_s, idx_d,
               bufs, acc, sems):
        cid = lax.axis_index("c")
        sid = lax.axis_index("s")
        wid = sid * NC + cid

        pltpu.async_copy(src_hbm.at[wid], idx_s, sems[0])
        pltpu.async_copy(dst_hbm.at[wid], idx_d, sems[1])

        zbuf = bufs[nbuf - 1]

        def zero_body(i, _):
            r = i // (d // 16)
            col = (i % (d // 16)) * 16
            zbuf[r, pl.ds(col, 16)] = jnp.zeros((16,), jnp.float32)
            return 0
        lax.fori_loop(0, CHUNK * d // 16, zero_body, 0)
        zbase = sid * rpt
        for k in range(full):
            pltpu.sync_copy(zbuf, acc.at[pl.ds(zbase + k * CHUNK, CHUNK)])
        if rem:
            pltpu.sync_copy(zbuf.at[pl.ds(0, rem)],
                            acc.at[pl.ds(zbase + full * CHUNK, rem)])

        pltpu.make_async_copy(src_hbm.at[wid], idx_s, sems[0]).wait()
        pltpu.make_async_copy(dst_hbm.at[wid], idx_d, sems[1]).wait()

        for j in range(nbuf):
            pltpu.async_copy(h_hbm.at[idx_s.at[j]], bufs[j], sems[j])
        plsc.subcore_barrier()

        ngroups = nchunk // nbuf

        def group_body(g, _):
            base = nbuf * g
            for j in range(nbuf):
                c = base + j
                pltpu.make_async_copy(h_hbm.at[idx_s.at[c]], bufs[j],
                                      sems[j]).wait()
                pltpu.sync_copy(bufs[j], acc.at[idx_d.at[c]], add=True)

                @pl.when(c + nbuf < nchunk)
                def _():
                    pltpu.async_copy(h_hbm.at[idx_s.at[c + nbuf]], bufs[j],
                                     sems[j])
            return 0
        lax.fori_loop(0, ngroups, group_body, 0)
        plsc.subcore_barrier()

        pltpu.sync_copy(acc.at[pl.ds(zbase, rpt)],
                        out_hbm.at[cid, pl.ds(zbase, rpt)])

    return sc_agg


def _pick_bm(n):
    for bm in (2000, 1000, 512, 400, 256, 200, 128, 80, 40, 16, 8):
        if n % bm == 0:
            return bm
    return n


def _mlp_body(h_ref, agg_ref, w1_ref, b1_ref, w2_ref, b2_ref, o_ref):
    hs = h_ref[...] + agg_ref[0] + agg_ref[1]
    z = jnp.dot(hs, w1_ref[...], preferred_element_type=jnp.float32) + b1_ref[...]
    z = jnp.maximum(z, 0.0)
    z = jnp.dot(z, w2_ref[...], preferred_element_type=jnp.float32) + b2_ref[...]
    o_ref[...] = jnp.maximum(z, 0.0)


def _mlp_layer(h, agg, w1, b1, w2, b2):
    n, din = h.shape
    hdim = w1.shape[1]
    bm = _pick_bm(n)
    return pl.pallas_call(
        _mlp_body,
        grid=(n // bm,),
        in_specs=[
            pl.BlockSpec((bm, din), lambda i: (i, 0)),
            pl.BlockSpec((2, bm, din), lambda i: (0, i, 0)),
            pl.BlockSpec((din, hdim), lambda i: (0, 0)),
            pl.BlockSpec((1, hdim), lambda i: (0, 0)),
            pl.BlockSpec((hdim, hdim), lambda i: (0, 0)),
            pl.BlockSpec((1, hdim), lambda i: (0, 0)),
        ],
        out_specs=pl.BlockSpec((bm, hdim), lambda i: (i, 0)),
        out_shape=jax.ShapeDtypeStruct((n, hdim), jnp.float32),
    )(h, agg, w1, b1.reshape(1, -1), w2, b2.reshape(1, -1))


def _final_layer(h, agg, w1, b1, w2, b2, lin_w, lin_b, batch_i32):
    n, din = h.shape
    hdim = w1.shape[1]
    bm = _pick_bm(n)

    nsteps = n // bm

    def body(h_ref, agg_ref, w1_ref, b1_ref, w2_ref, b2_ref,
             lw_ref, lb_ref, bt_ref, o_ref, pool_scr):
        hs = h_ref[...] + agg_ref[0] + agg_ref[1]
        z = jnp.dot(hs, w1_ref[...], preferred_element_type=jnp.float32) + b1_ref[...]
        z = jnp.maximum(z, 0.0)
        z = jnp.dot(z, w2_ref[...], preferred_element_type=jnp.float32) + b2_ref[...]
        hh = jnp.maximum(z, 0.0)
        seg = lax.broadcasted_iota(jnp.int32, (bm, B_SEG), 1)
        oh = (bt_ref[...] == seg).astype(jnp.float32)
        contrib = lax.dot_general(
            oh, hh, (((0,), (0,)), ((), ())),
            precision=lax.Precision.HIGHEST,
            preferred_element_type=jnp.float32)

        @pl.when(pl.program_id(0) == 0)
        def _():
            pool_scr[...] = contrib

        @pl.when(pl.program_id(0) != 0)
        def _():
            pool_scr[...] = pool_scr[...] + contrib

        @pl.when(pl.program_id(0) == nsteps - 1)
        def _():
            o_ref[...] = jnp.dot(pool_scr[...], lw_ref[...],
                                 preferred_element_type=jnp.float32) + lb_ref[...]

    out = pl.pallas_call(
        body,
        grid=(nsteps,),
        in_specs=[
            pl.BlockSpec((bm, din), lambda i: (i, 0)),
            pl.BlockSpec((2, bm, din), lambda i: (0, i, 0)),
            pl.BlockSpec((din, hdim), lambda i: (0, 0)),
            pl.BlockSpec((1, hdim), lambda i: (0, 0)),
            pl.BlockSpec((hdim, hdim), lambda i: (0, 0)),
            pl.BlockSpec((1, hdim), lambda i: (0, 0)),
            pl.BlockSpec((hdim, 1), lambda i: (0, 0)),
            pl.BlockSpec((1, 1), lambda i: (0, 0)),
            pl.BlockSpec((bm, 1), lambda i: (i, 0)),
        ],
        out_specs=pl.BlockSpec((B_SEG, 1), lambda i: (0, 0)),
        out_shape=jax.ShapeDtypeStruct((B_SEG, 1), jnp.float32),
        scratch_shapes=[pltpu.VMEM((B_SEG, hdim), jnp.float32)],
    )(h, agg, w1, b1.reshape(1, -1), w2, b2.reshape(1, -1),
      lin_w, lin_b.reshape(1, 1), batch_i32)
    return out.reshape(-1)


def kernel(x, edge_index, edge_attr, batch,
           W1_0, b1_0, W2_0, b2_0, W1_1, b1_1, W2_1, b2_1,
           W1_2, b1_2, W2_2, b2_2, lin_W, lin_b):
    n, d = x.shape
    e = edge_index.shape[1]
    npad, _ = _acc_pad(n)

    def pad_edges(chunk, nbuf):
        nchunk = -(-e // (NW * chunk))
        nchunk = -(-nchunk // nbuf) * nbuf
        e_pad = NW * nchunk * chunk
        src = edge_index[0]
        dst = edge_index[1]
        if e_pad > e:
            fill = jnp.arange(e_pad - e, dtype=jnp.int32)
            src = jnp.concatenate([src, fill % n])
            dst = jnp.concatenate([dst, n + (fill % (npad - n))])
        return src.reshape(NW, nchunk, chunk), dst.reshape(NW, nchunk, chunk), nchunk

    plans = {128: (112, 2), 64: (128, 4)}
    edge_plans = {dd: (cfg[0], cfg[1]) + pad_edges(*cfg)
                  for dd, cfg in plans.items()}

    batch_i32 = batch.astype(jnp.int32).reshape(n, 1)

    layers = [(W1_0, b1_0, W2_0, b2_0), (W1_1, b1_1, W2_1, b2_1),
              (W1_2, b1_2, W2_2, b2_2)]

    h = x
    for li, (w1, bb1, w2, bb2) in enumerate(layers):
        chunk, nbuf, src_p, dst_p, nchunk = edge_plans[min(h.shape[1], 128)]
        sc_agg = _make_sc_agg(n, h.shape[1], nchunk, chunk, nbuf)
        agg = sc_agg(h, src_p, dst_p)
        if li < 2:
            h = _mlp_layer(h, agg, w1, bb1, w2, bb2)
        else:
            out = _final_layer(h, agg, w1, bb1, w2, bb2, lin_W, lin_b,
                               batch_i32)
    return out

# --- scband reference (transcript-rebuilt; emitter-appended) ---
"""Pipeline reference for scband-ginnet-21165598834941 (READ-ONLY COPY).

The authoritative reference and input builder live on the scoring server;
editing this copy changes nothing except your own understanding.
"""

import jax, jax.numpy as jnp
import numpy as np

N = 10000
E = 320000
D = 128
H = 64
B = 64


def setup_inputs(seed: int = 0) -> dict:
    key = jax.random.key(seed)
    ks = jax.random.split(key, 24)
    inp = {}
    inp['x'] = jax.random.normal(ks[0], (N, D), dtype=jnp.float32)
    inp['edge_index'] = jax.random.randint(ks[1], (2, E), 0, N, dtype=jnp.int32)
    inp['edge_attr'] = jax.random.normal(ks[2], (E, 4), dtype=jnp.float32)
    inp['batch'] = jnp.sort(jax.random.randint(ks[3], (N,), 0, B, dtype=jnp.int32))
    dims = [D, H, H]
    k = 4
    for i in range(3):
        din = dims[i]
        inp['W1_%d' % i] = jax.random.normal(ks[k], (din, H), dtype=jnp.float32) * (1.0 / np.sqrt(din)); k += 1
        inp['b1_%d' % i] = jnp.zeros((H,), dtype=jnp.float32)
        inp['W2_%d' % i] = jax.random.normal(ks[k], (H, H), dtype=jnp.float32) * (1.0 / np.sqrt(H)); k += 1
        inp['b2_%d' % i] = jnp.zeros((H,), dtype=jnp.float32)
    inp['lin_W'] = jax.random.normal(ks[k], (H, 1), dtype=jnp.float32) * (1.0 / np.sqrt(H))
    inp['lin_b'] = jnp.zeros((1,), dtype=jnp.float32)
    return inp


def reference(x, edge_index, edge_attr, batch, W1_0, b1_0, W2_0, b2_0, W1_1, b1_1, W2_1, b2_1, W1_2, b1_2, W2_2, b2_2, lin_W, lin_b):
    # GINConv with eps=0 (PyG default, train_eps=False):
    #   h' = MLP((1+eps)*h + sum_{j in N(i)} h_j)
    # edge_attr is accepted by the module forward but unused by GINConv.
    layers = [(W1_0, b1_0, W2_0, b2_0), (W1_1, b1_1, W2_1, b2_1), (W1_2, b1_2, W2_2, b2_2)]
    src = edge_index[0]
    dst = edge_index[1]
    h = x
    for (w1, bb1, w2, bb2) in layers:
        msgs = jnp.take(h, src, axis=0)                      # gather (SparseCore)
        agg = jax.ops.segment_sum(msgs, dst, num_segments=N)  # scatter-add
        z = (h + agg) @ w1 + bb1
        z = jax.nn.relu(z)
        z = z @ w2 + bb2
        h = jax.nn.relu(z)
    pooled = jax.ops.segment_sum(h, batch, num_segments=B)    # global_add_pool
    out = pooled @ lin_W + lin_b
    return out.squeeze(-1)

if __name__ == "__main__":
    import jax
    _d = setup_inputs()
    print(jax.jit(kernel)(*tuple(_d.values())))

</pallas_src>

<mosaic_0001>
#map = affine_map<(d0, d1) -> (0, 0)>
#map1 = affine_map<(d0, d1) -> (0, 0, 0)>
module attributes {stable_mosaic.version = 14 : i64} {
  func.func @sc_agg(%arg0: i32, %arg1: i32, %arg2: memref<10000x128xf32, #tpu.memory_space<hbm>>, %arg3: memref<32x90x112xi32, #tpu.memory_space<hbm>>, %arg4: memref<32x90x112xi32, #tpu.memory_space<hbm>>, %arg5: memref<2x10112x128xf32, #tpu.memory_space<hbm>>, %arg6: memref<90x112xi32, #tpu.memory_space<vmem>>, %arg7: memref<90x112xi32, #tpu.memory_space<vmem>>, %arg8: memref<112x128xf32, #tpu.memory_space<vmem>>, %arg9: memref<112x128xf32, #tpu.memory_space<vmem>>, %arg10: memref<10112x128xf32, #tpu.memory_space<vmem_shared>>, %arg11: memref<!tpu.dma_semaphore, #tpu.memory_space<semaphore_mem>>, %arg12: memref<!tpu.dma_semaphore, #tpu.memory_space<semaphore_mem>>) attributes {dimension_semantics = [#tpu.dimension_semantics<core_parallel>, #tpu.dimension_semantics<subcore_parallel>], iteration_bounds = array<i64: 2, 16>, scalar_prefetch = 0 : i64, scratch_operands = 7 : i64, tpu.core_type = #tpu.core_type<sc_vector_subcore>, window_params = [{transform_indices = #map}, {transform_indices = #map1}, {transform_indices = #map1}, {transform_indices = #map1}]} {
    %mul3A = arith.constant 2 : i32
    %mul3A_0 = arith.muli %arg1, %mul3A : i32
    %add3A = arith.addi %mul3A_0, %arg0 : i32
    %dma_start3A = arith.constant 0 : i32
    %dma_start3A_1 = arith.constant 0 : i32
    %dma_start3A_2 = tpu.memref_slice %arg3[%add3A, %dma_start3A, %dma_start3A_1] : memref<32x90x112xi32, #tpu.memory_space<hbm>> -> memref<1x90x112xi32, #tpu.memory_space<hbm>>
    %dma_start3A_3 = tpu.memref_squeeze %dma_start3A_2 : memref<1x90x112xi32, #tpu.memory_space<hbm>> -> memref<90x112xi32, #tpu.memory_space<hbm>>
    %dma_start3A_4 = arith.constant 0 : i32
    %dma_start3A_5 = arith.constant 0 : i32
    %dma_start3A_6 = tpu.memref_slice %arg3[%add3A, %dma_start3A_4, %dma_start3A_5] : memref<32x90x112xi32, #tpu.memory_space<hbm>> -> memref<1x90x112xi32, #tpu.memory_space<hbm>>
    %dma_start3A_7 = tpu.memref_squeeze %dma_start3A_6 : memref<1x90x112xi32, #tpu.memory_space<hbm>> -> memref<90x112xi32, #tpu.memory_space<hbm>>
    tpu.enqueue_dma source(%dma_start3A_7 : memref<90x112xi32, #tpu.memory_space<hbm>>) target(%arg6 : memref<90x112xi32, #tpu.memory_space<vmem>>) target_semaphore(%arg11 : memref<!tpu.dma_semaphore, #tpu.memory_space<semaphore_mem>>)
    %dma_start3A_8 = arith.constant 0 : i32
    %dma_start3A_9 = arith.constant 0 : i32
    %dma_start3A_10 = tpu.memref_slice %arg4[%add3A, %dma_start3A_8, %dma_start3A_9] : memref<32x90x112xi32, #tpu.memory_space<hbm>> -> memref<1x90x112xi32, #tpu.memory_space<hbm>>
    %dma_start3A_11 = tpu.memref_squeeze %dma_start3A_10 : memref<1x90x112xi32, #tpu.memory_space<hbm>> -> memref<90x112xi32, #tpu.memory_space<hbm>>
    %dma_start3A_12 = arith.constant 0 : i32
    %dma_start3A_13 = arith.constant 0 : i32
    %dma_start3A_14 = tpu.memref_slice %arg4[%add3A, %dma_start3A_12, %dma_start3A_13] : memref<32x90x112xi32, #tpu.memory_space<hbm>> -> memref<1x90x112xi32, #tpu.memory_space<hbm>>
    %dma_start3A_15 = tpu.memref_squeeze %dma_start3A_14 : memref<1x90x112xi32, #tpu.memory_space<hbm>> -> memref<90x112xi32, #tpu.memory_space<hbm>>
    tpu.enqueue_dma source(%dma_start3A_15 : memref<90x112xi32, #tpu.memory_space<hbm>>) target(%arg7 : memref<90x112xi32, #tpu.memory_space<vmem>>) target_semaphore(%arg12 : memref<!tpu.dma_semaphore, #tpu.memory_space<semaphore_mem>>)
    %scan3A = arith.constant 0 : i32
    %scan3A_16 = arith.constant 0 : i32
    %scan3A_17 = arith.constant 896 : i32
    %scan3A_18 = arith.addi %scan3A_16, %scan3A_17 : i32
    %scan3A_19 = arith.constant 1 : i32
    %scan3A_20 = scf.for %scan3A_73 = %scan3A_16 to %scan3A_18 step %scan3A_19 iter_args(%scan3A_74 = %scan3A) -> (i32)  : i32 {
      %jit3A = arith.constant 8 : i32
      %div3A = arith.divsi %scan3A_73, %jit3A : i32
      %sign3A = arith.constant 0 : i32
      %sign3A_75 = arith.cmpi sgt, %scan3A_73, %sign3A : i32
      %sign3A_76 = arith.extui %sign3A_75 : i1 to i32
      %sign3A_77 = arith.constant 0 : i32
      %sign3A_78 = arith.cmpi slt, %scan3A_73, %sign3A_77 : i32
      %sign3A_79 = arith.extui %sign3A_78 : i1 to i32
      %sign3A_80 = arith.subi %sign3A_76, %sign3A_79 : i32
      %sign3A_81 = arith.constant 0 : i32
      %sign3A_82 = arith.cmpi sgt, %jit3A, %sign3A_81 : i32
      %sign3A_83 = arith.extui %sign3A_82 : i1 to i32
      %sign3A_84 = arith.constant 0 : i32
      %sign3A_85 = arith.cmpi slt, %jit3A, %sign3A_84 : i32
      %sign3A_86 = arith.extui %sign3A_85 : i1 to i32
      %sign3A_87 = arith.subi %sign3A_83, %sign3A_86 : i32
      %ne3A = arith.cmpi ne, %sign3A_80, %sign3A_87 : i32
      %rem3A = arith.remsi %scan3A_73, %jit3A : i32
      %ne3A_88 = arith.constant 0 : i32
      %ne3A_89 = arith.cmpi ne, %rem3A, %ne3A_88 : i32
      %and3A = arith.andi %ne3A, %ne3A_89 : i1
      %sub3A = arith.constant 1 : i32
      %sub3A_90 = arith.subi %div3A, %sub3A : i32
      %select_n3A = arith.select %and3A, %sub3A_90, %div3A : i32
      %jit3A_91 = arith.constant 8 : i32
      %eq3A = arith.constant 0 : i32
      %eq3A_92 = arith.cmpi eq, %jit3A_91, %eq3A : i32
      %jit3A_93 = arith.constant 1 : i32
      %select_n3A_94 = arith.select %eq3A_92, %jit3A_93, %jit3A_91 : i32
      %rem3A_95 = arith.remsi %scan3A_73, %select_n3A_94 : i32
      %ne3A_96 = arith.constant 0 : i32
      %ne3A_97 = arith.cmpi ne, %rem3A_95, %ne3A_96 : i32
      %lt3A = arith.constant 0 : i32
      %lt3A_98 = arith.cmpi slt, %rem3A_95, %lt3A : i32
      %lt3A_99 = arith.constant 0 : i32
      %lt3A_100 = arith.cmpi slt, %select_n3A_94, %lt3A_99 : i32
      %ne3A_101 = arith.xori %lt3A_98, %lt3A_100 : i1
      %and3A_102 = arith.andi %ne3A_101, %ne3A_97 : i1
      %add3A_103 = arith.addi %rem3A_95, %select_n3A_94 : i32
      %select_n3A_104 = arith.select %and3A_102, %add3A_103, %rem3A_95 : i32
      %mul3A_105 = arith.constant 16 : i32
      %mul3A_106 = arith.muli %select_n3A_104, %mul3A_105 : i32
      %broadcast_in_dim3A = arith.constant 0.000000e+00 : f32
      %broadcast_in_dim3A_107 = vector.broadcast %broadcast_in_dim3A : f32 to vector<16xf32>
      %swap3A = arith.index_cast %select_n3A : i32 to index
      %swap3A_108 = arith.index_cast %mul3A_106 : i32 to index
      %swap3A_109 = tpu.vector_load %arg9[%swap3A, %swap3A_108] {strides = array<i32>} : memref<112x128xf32, #tpu.memory_space<vmem>>, vector<1x16xf32>,
      %swap3A_110 = vector.shape_cast %swap3A_109 : vector<1x16xf32> to vector<16xf32>
      %swap3A_111 = vector.shape_cast %broadcast_in_dim3A_107 : vector<16xf32> to vector<1x16xf32>
      tpu.vector_store %arg9[%swap3A, %swap3A_108], %swap3A_111 {strides = array<i32>} : memref<112x128xf32, #tpu.memory_space<vmem>>, vector<1x16xf32>,
      %scan3A_112 = arith.constant 0 : i32
      scf.yield %scan3A_112 : i32
    }
    %scan3A_21 = arith.constant 896 : i32
    %mul3A_22 = arith.constant 632 : i32
    %mul3A_23 = arith.muli %arg1, %mul3A_22 : i32
    %add3A_24 = arith.constant 0 : i32
    %add3A_25 = arith.addi %mul3A_23, %add3A_24 : i32
    "tpu.region"() ({
      %run_scoped3A = tpu.sem_alloc : memref<!tpu.dma_semaphore, #tpu.memory_space<semaphore_mem>>
      %dma_start3A_73 = arith.constant 0 : i32
      %dma_start3A_74 = tpu.memref_slice %arg10[%add3A_25, %dma_start3A_73] : memref<10112x128xf32, #tpu.memory_space<vmem_shared>> -> memref<112x128xf32, #tpu.memory_space<vmem_shared>>
      %dma_start3A_75 = arith.constant 0 : i32
      %dma_start3A_76 = tpu.memref_slice %arg10[%add3A_25, %dma_start3A_75] : memref<10112x128xf32, #tpu.memory_space<vmem_shared>> -> memref<112x128xf32, #tpu.memory_space<vmem_shared>>
      tpu.enqueue_dma source(%arg9 : memref<112x128xf32, #tpu.memory_space<vmem>>) target(%dma_start3A_76 : memref<112x128xf32, #tpu.memory_space<vmem_shared>>) target_semaphore(%run_scoped3A : memref<!tpu.dma_semaphore, #tpu.memory_space<semaphore_mem>>)
      %dma_wait3A_77 = arith.constant 0 : i32
      %dma_wait3A_78 = tpu.memref_slice %arg10[%add3A_25, %dma_wait3A_77] : memref<10112x128xf32, #tpu.memory_space<vmem_shared>> -> memref<112x128xf32, #tpu.memory_space<vmem_shared>>
      %dma_wait3A_79 = arith.constant 0 : i32
      %dma_wait3A_80 = tpu.memref_slice %arg10[%add3A_25, %dma_wait3A_79] : memref<10112x128xf32, #tpu.memory_space<vmem_shared>> -> memref<112x128xf32, #tpu.memory_space<vmem_shared>>
      tpu.wait_dma2 semaphore(%run_scoped3A : memref<!tpu.dma_semaphore, #tpu.memory_space<semaphore_mem>>) src(%arg9 : memref<112x128xf32, #tpu.memory_space<vmem>>) dst(%dma_wait3A_80 : memref<112x128xf32, #tpu.memory_space<vmem_shared>>)
      tpu.yield
    }) : () -> ()
    %add3A_26 = arith.constant 112 : i32
    %add3A_27 = arith.addi %mul3A_23, %add3A_26 : i32
    "tpu.region"() ({
      %run_scoped3A = tpu.sem_alloc : memref<!tpu.dma_semaphore, #tpu.memory_space<semaphore_mem>>
      %dma_start3A_73 = arith.constant 0 : i32
      %dma_start3A_74 = tpu.memref_slice %arg10[%add3A_27, %dma_start3A_73] : memref<10112x128xf32, #tpu.memory_space<vmem_shared>> -> memref<112x128xf32, #tpu.memory_space<vmem_shared>>
      %dma_start3A_75 = arith.constant 0 : i32
      %dma_start3A_76 = tpu.memref_slice %arg10[%add3A_27, %dma_start3A_75] : memref<10112x128xf32, #tpu.memory_space<vmem_shared>> -> memref<112x128xf32, #tpu.memory_space<vmem_shared>>
      tpu.enqueue_dma source(%arg9 : memref<112x128xf32, #tpu.memory_space<vmem>>) target(%dma_start3A_76 : memref<112x128xf32, #tpu.memory_space<vmem_shared>>) target_semaphore(%run_scoped3A : memref<!tpu.dma_semaphore, #tpu.memory_space<semaphore_mem>>)
      %dma_wait3A_77 = arith.constant 0 : i32
      %dma_wait3A_78 = tpu.memref_slice %arg10[%add3A_27, %dma_wait3A_77] : memref<10112x128xf32, #tpu.memory_space<vmem_shared>> -> memref<112x128xf32, #tpu.memory_space<vmem_shared>>
      %dma_wait3A_79 = arith.constant 0 : i32
      %dma_wait3A_80 = tpu.memref_slice %arg10[%add3A_27, %dma_wait3A_79] : memref<10112x128xf32, #tpu.memory_space<vmem_shared>> -> memref<112x128xf32, #tpu.memory_space<vmem_shared>>
      tpu.wait_dma2 semaphore(%run_scoped3A : memref<!tpu.dma_semaphore, #tpu.memory_space<semaphore_mem>>) src(%arg9 : memref<112x128xf32, #tpu.memory_space<vmem>>) dst(%dma_wait3A_80 : memref<112x128xf32, #tpu.memory_space<vmem_shared>>)
      tpu.yield
    }) : () -> ()
    %add3A_28 = arith.constant 224 : i32
    %add3A_29 = arith.addi %mul3A_23, %add3A_28 : i32
    "tpu.region"() ({
      %run_scoped3A = tpu.sem_alloc : memref<!tpu.dma_semaphore, #tpu.memory_space<semaphore_mem>>
      %dma_start3A_73 = arith.constant 0 : i32
      %dma_start3A_74 = tpu.memref_slice %arg10[%add3A_29, %dma_start3A_73] : memref<10112x128xf32, #tpu.memory_space<vmem_shared>> -> memref<112x128xf32, #tpu.memory_space<vmem_shared>>
      %dma_start3A_75 = arith.constant 0 : i32
      %dma_start3A_76 = tpu.memref_slice %arg10[%add3A_29, %dma_start3A_75] : memref<10112x128xf32, #tpu.memory_space<vmem_shared>> -> memref<112x128xf32, #tpu.memory_space<vmem_shared>>
      tpu.enqueue_dma source(%arg9 : memref<112x128xf32, #tpu.memory_space<vmem>>) target(%dma_start3A_76 : memref<112x128xf32, #tpu.memory_space<vmem_shared>>) target_semaphore(%run_scoped3A : memref<!tpu.dma_semaphore, #tpu.memory_space<semaphore_mem>>)
      %dma_wait3A_77 = arith.constant 0 : i32
      %dma_wait3A_78 = tpu.memref_slice %arg10[%add3A_29, %dma_wait3A_77] : memref<10112x128xf32, #tpu.memory_space<vmem_shared>> -> memref<112x128xf32, #tpu.memory_space<vmem_shared>>
      %dma_wait3A_79 = arith.constant 0 : i32
      %dma_wait3A_80 = tpu.memref_slice %arg10[%add3A_29, %dma_wait3A_79] : memref<10112x128xf32, #tpu.memory_space<vmem_shared>> -> memref<112x128xf32, #tpu.memory_space<vmem_shared>>
      tpu.wait_dma2 semaphore(%run_scoped3A : memref<!tpu.dma_semaphore, #tpu.memory_space<semaphore_mem>>) src(%arg9 : memref<112x128xf32, #tpu.memory_space<vmem>>) dst(%dma_wait3A_80 : memref<112x128xf32, #tpu.memory_space<vmem_shared>>)
      tpu.yield
    }) : () -> ()
    %add3A_30 = arith.constant 336 : i32
    %add3A_31 = arith.addi %mul3A_23, %add3A_30 : i32
    "tpu.region"() ({
      %run_scoped3A = tpu.sem_alloc : memref<!tpu.dma_semaphore, #tpu.memory_space<semaphore_mem>>
      %dma_start3A_73 = arith.constant 0 : i32
      %dma_start3A_74 = tpu.memref_slice %arg10[%add3A_31, %dma_start3A_73] : memref<10112x128xf32, #tpu.memory_space<vmem_shared>> -> memref<112x128xf32, #tpu.memory_space<vmem_shared>>
      %dma_start3A_75 = arith.constant 0 : i32
      %dma_start3A_76 = tpu.memref_slice %arg10[%add3A_31, %dma_start3A_75] : memref<10112x128xf32, #tpu.memory_space<vmem_shared>> -> memref<112x128xf32, #tpu.memory_space<vmem_shared>>
      tpu.enqueue_dma source(%arg9 : memref<112x128xf32, #tpu.memory_space<vmem>>) target(%dma_start3A_76 : memref<112x128xf32, #tpu.memory_space<vmem_shared>>) target_semaphore(%run_scoped3A : memref<!tpu.dma_semaphore, #tpu.memory_space<semaphore_mem>>)
      %dma_wait3A_77 = arith.constant 0 : i32
      %dma_wait3A_78 = tpu.memref_slice %arg10[%add3A_31, %dma_wait3A_77] : memref<10112x128xf32, #tpu.memory_space<vmem_shared>> -> memref<112x128xf32, #tpu.memory_space<vmem_shared>>
      %dma_wait3A_79 = arith.constant 0 : i32
      %dma_wait3A_80 = tpu.memref_slice %arg10[%add3A_31, %dma_wait3A_79] : memref<10112x128xf32, #tpu.memory_space<vmem_shared>> -> memref<112x128xf32, #tpu.memory_space<vmem_shared>>
      tpu.wait_dma2 semaphore(%run_scoped3A : memref<!tpu.dma_semaphore, #tpu.memory_space<semaphore_mem>>) src(%arg9 : memref<112x128xf32, #tpu.memory_space<vmem>>) dst(%dma_wait3A_80 : memref<112x128xf32, #tpu.memory_space<vmem_shared>>)
      tpu.yield
    }) : () -> ()
    %add3A_32 = arith.constant 448 : i32
    %add3A_33 = arith.addi %mul3A_23, %add3A_32 : i32
    "tpu.region"() ({
      %run_scoped3A = tpu.sem_alloc : memref<!tpu.dma_semaphore, #tpu.memory_space<semaphore_mem>>
      %dma_start3A_73 = arith.constant 0 : i32
      %dma_start3A_74 = tpu.memref_slice %arg10[%add3A_33, %dma_start3A_73] : memref<10112x128xf32, #tpu.memory_space<vmem_shared>> -> memref<112x128xf32, #tpu.memory_space<vmem_shared>>
      %dma_start3A_75 = arith.constant 0 : i32
      %dma_start3A_76 = tpu.memref_slice %arg10[%add3A_33, %dma_start3A_75] : memref<10112x128xf32, #tpu.memory_space<vmem_shared>> -> memref<112x128xf32, #tpu.memory_space<vmem_shared>>
      tpu.enqueue_dma source(%arg9 : memref<112x128xf32, #tpu.memory_space<vmem>>) target(%dma_start3A_76 : memref<112x128xf32, #tpu.memory_space<vmem_shared>>) target_semaphore(%run_scoped3A : memref<!tpu.dma_semaphore, #tpu.memory_space<semaphore_mem>>)
      %dma_wait3A_77 = arith.constant 0 : i32
      %dma_wait3A_78 = tpu.memref_slice %arg10[%add3A_33, %dma_wait3A_77] : memref<10112x128xf32, #tpu.memory_space<vmem_shared>> -> memref<112x128xf32, #tpu.memory_space<vmem_shared>>
      %dma_wait3A_79 = arith.constant 0 : i32
      %dma_wait3A_80 = tpu.memref_slice %arg10[%add3A_33, %dma_wait3A_79] : memref<10112x128xf32, #tpu.memory_space<vmem_shared>> -> memref<112x128xf32, #tpu.memory_space<vmem_shared>>
      tpu.wait_dma2 semaphore(%run_scoped3A : memref<!tpu.dma_semaphore, #tpu.memory_space<semaphore_mem>>) src(%arg9 : memref<112x128xf32, #tpu.memory_space<vmem>>) dst(%dma_wait3A_80 : memref<112x128xf32, #tpu.memory_space<vmem_shared>>)
      tpu.yield
    }) : () -> ()
    %add3A_34 = arith.constant 560 : i32
    %add3A_35 = arith.addi %mul3A_23, %add3A_34 : i32
    "tpu.region"() ({
      %run_scoped3A = tpu.sem_alloc : memref<!tpu.dma_semaphore, #tpu.memory_space<semaphore_mem>>
      %dma_start3A_73 = arith.constant 0 : i32
      %dma_start3A_74 = arith.constant 0 : i32
      %dma_start3A_75 = tpu.memref_slice %arg9[%dma_start3A_73, %dma_start3A_74] : memref<112x128xf32, #tpu.memory_space<vmem>> -> memref<72x128xf32, #tpu.memory_space<vmem>>
      %dma_start3A_76 = arith.constant 0 : i32
      %dma_start3A_77 = tpu.memref_slice %arg10[%add3A_35, %dma_start3A_76] : memref<10112x128xf32, #tpu.memory_space<vmem_shared>> -> memref<72x128xf32, #tpu.memory_space<vmem_shared>>
      %dma_start3A_78 = arith.constant 0 : i32
      %dma_start3A_79 = tpu.memref_slice %arg10[%add3A_35, %dma_start3A_78] : memref<10112x128xf32, #tpu.memory_space<vmem_shared>> -> memref<72x128xf32, #tpu.memory_space<vmem_shared>>
      %dma_start3A_80 = arith.constant 0 : i32
      %dma_start3A_81 = arith.constant 0 : i32
      %dma_start3A_82 = tpu.memref_slice %arg9[%dma_start3A_80, %dma_start3A_81] : memref<112x128xf32, #tpu.memory_space<vmem>> -> memref<72x128xf32, #tpu.memory_space<vmem>>
      tpu.enqueue_dma source(%dma_start3A_82 : memref<72x128xf32, #tpu.memory_space<vmem>>) target(%dma_start3A_79 : memref<72x128xf32, #tpu.memory_space<vmem_shared>>) target_semaphore(%run_scoped3A : memref<!tpu.dma_semaphore, #tpu.memory_space<semaphore_mem>>)
      %dma_wait3A_83 = arith.constant 0 : i32
      %dma_wait3A_84 = arith.constant 0 : i32
      %dma_wait3A_85 = tpu.memref_slice %arg9[%dma_wait3A_83, %dma_wait3A_84] : memref<112x128xf32, #tpu.memory_space<vmem>> -> memref<72x128xf32, #tpu.memory_space<vmem>>
      %dma_wait3A_86 = arith.constant 0 : i32
      %dma_wait3A_87 = tpu.memref_slice %arg10[%add3A_35, %dma_wait3A_86] : memref<10112x128xf32, #tpu.memory_space<vmem_shared>> -> memref<72x128xf32, #tpu.memory_space<vmem_shared>>
      %dma_wait3A_88 = arith.constant 0 : i32
      %dma_wait3A_89 = tpu.memref_slice %arg10[%add3A_35, %dma_wait3A_88] : memref<10112x128xf32, #tpu.memory_space<vmem_shared>> -> memref<72x128xf32, #tpu.memory_space<vmem_shared>>
      %dma_wait3A_90 = arith.constant 0 : i32
      %dma_wait3A_91 = arith.constant 0 : i32
      %dma_wait3A_92 = tpu.memref_slice %arg9[%dma_wait3A_90, %dma_wait3A_91] : memref<112x128xf32, #tpu.memory_space<vmem>> -> memref<72x128xf32, #tpu.memory_space<vmem>>
      tpu.wait_dma2 semaphore(%run_scoped3A : memref<!tpu.dma_semaphore, #tpu.memory_space<semaphore_mem>>) src(%dma_wait3A_92 : memref<72x128xf32, #tpu.memory_space<vmem>>) dst(%dma_wait3A_89 : memref<72x128xf32, #tpu.memory_space<vmem_shared>>)
      tpu.yield
    }) : () -> ()
    %dma_wait3A = arith.constant 0 : i32
    %dma_wait3A_36 = arith.constant 0 : i32
    %dma_wait3A_37 = tpu.memref_slice %arg3[%add3A, %dma_wait3A, %dma_wait3A_36] : memref<32x90x112xi32, #tpu.memory_space<hbm>> -> memref<1x90x112xi32, #tpu.memory_space<hbm>>
    %dma_wait3A_38 = tpu.memref_squeeze %dma_wait3A_37 : memref<1x90x112xi32, #tpu.memory_space<hbm>> -> memref<90x112xi32, #tpu.memory_space<hbm>>
    %dma_wait3A_39 = arith.constant 0 : i32
    %dma_wait3A_40 = arith.constant 0 : i32
    %dma_wait3A_41 = tpu.memref_slice %arg3[%add3A, %dma_wait3A_39, %dma_wait3A_40] : memref<32x90x112xi32, #tpu.memory_space<hbm>> -> memref<1x90x112xi32, #tpu.memory_space<hbm>>
    %dma_wait3A_42 = tpu.memref_squeeze %dma_wait3A_41 : memref<1x90x112xi32, #tpu.memory_space<hbm>> -> memref<90x112xi32, #tpu.memory_space<hbm>>
    tpu.wait_dma2 semaphore(%arg11 : memref<!tpu.dma_semaphore, #tpu.memory_space<semaphore_mem>>) src(%dma_wait3A_42 : memref<90x112xi32, #tpu.memory_space<hbm>>) dst(%arg6 : memref<90x112xi32, #tpu.memory_space<vmem>>)
    %dma_wait3A_43 = arith.constant 0 : i32
    %dma_wait3A_44 = arith.constant 0 : i32
    %dma_wait3A_45 = tpu.memref_slice %arg4[%add3A, %dma_wait3A_43, %dma_wait3A_44] : memref<32x90x112xi32, #tpu.memory_space<hbm>> -> memref<1x90x112xi32, #tpu.memory_space<hbm>>
    %dma_wait3A_46 = tpu.memref_squeeze %dma_wait3A_45 : memref<1x90x112xi32, #tpu.memory_space<hbm>> -> memref<90x112xi32, #tpu.memory_space<hbm>>
    %dma_wait3A_47 = arith.constant 0 : i32
    %dma_wait3A_48 = arith.constant 0 : i32
    %dma_wait3A_49 = tpu.memref_slice %arg4[%add3A, %dma_wait3A_47, %dma_wait3A_48] : memref<32x90x112xi32, #tpu.memory_space<hbm>> -> memref<1x90x112xi32, #tpu.memory_space<hbm>>
    %dma_wait3A_50 = tpu.memref_squeeze %dma_wait3A_49 : memref<1x90x112xi32, #tpu.memory_space<hbm>> -> memref<90x112xi32, #tpu.memory_space<hbm>>
    tpu.wait_dma2 semaphore(%arg12 : memref<!tpu.dma_semaphore, #tpu.memory_space<semaphore_mem>>) src(%dma_wait3A_50 : memref<90x112xi32, #tpu.memory_space<hbm>>) dst(%arg7 : memref<90x112xi32, #tpu.memory_space<vmem>>)
    %dma_start3A_51 = arith.constant 0 : i32
    %dma_start3A_52 = arith.constant 0 : i32
    %dma_start3A_53 = tpu.memref_slice %arg6[%dma_start3A_51, %dma_start3A_52] : memref<90x112xi32, #tpu.memory_space<vmem>> -> memref<1x112xi32, #tpu.memory_space<vmem>>
    %dma_start3A_54 = tpu.memref_squeeze %dma_start3A_53 : memref<1x112xi32, #tpu.memory_space<vmem>> -> memref<112xi32, #tpu.memory_space<vmem>>
    %dma_start3A_55 = arith.constant 0 : i32
    %dma_start3A_56 = arith.constant 0 : i32
    %dma_start3A_57 = tpu.memref_slice %arg2[%dma_start3A_55, %dma_start3A_56] : memref<10000x128xf32, #tpu.memory_space<hbm>> -> memref<10000x128xf32, #tpu.memory_space<hbm>>
    tpu.enqueue_indirect_dma source(%dma_start3A_57 : memref<10000x128xf32, #tpu.memory_space<hbm>>) target(%arg8 : memref<112x128xf32, #tpu.memory_space<vmem>>) offsets(%dma_start3A_54 : memref<112xi32, #tpu.memory_space<vmem>>) semaphore(%arg11 : memref<!tpu.dma_semaphore, #tpu.memory_space<semaphore_mem>>)
    %dma_start3A_58 = arith.constant 1 : i32
    %dma_start3A_59 = arith.constant 0 : i32
    %dma_start3A_60 = tpu.memref_slice %arg6[%dma_start3A_58, %dma_start3A_59] : memref<90x112xi32, #tpu.memory_space<vmem>> -> memref<1x112xi32, #tpu.memory_space<vmem>>
    %dma_start3A_61 = tpu.memref_squeeze %dma_start3A_60 : memref<1x112xi32, #tpu.memory_space<vmem>> -> memref<112xi32, #tpu.memory_space<vmem>>
    %dma_start3A_62 = arith.constant 0 : i32
    %dma_start3A_63 = arith.constant 0 : i32
    %dma_start3A_64 = tpu.memref_slice %arg2[%dma_start3A_62, %dma_start3A_63] : memref<10000x128xf32, #tpu.memory_space<hbm>> -> memref<10000x128xf32, #tpu.memory_space<hbm>>
    tpu.enqueue_indirect_dma source(%dma_start3A_64 : memref<10000x128xf32, #tpu.memory_space<hbm>>) target(%arg9 : memref<112x128xf32, #tpu.memory_space<vmem>>) offsets(%dma_start3A_61 : memref<112xi32, #tpu.memory_space<vmem>>) semaphore(%arg12 : memref<!tpu.dma_semaphore, #tpu.memory_space<semaphore_mem>>)
    %barrier3A = arith.constant 0 : index
    tpu.barrier barrier_id(%barrier3A)
    %scan3A_65 = arith.constant 0 : i32
    %scan3A_66 = arith.constant 0 : i32
    %scan3A_67 = arith.constant 45 : i32
    %scan3A_68 = arith.addi %scan3A_66, %scan3A_67 : i32
    %scan3A_69 = arith.constant 1 : i32
    %scan3A_70 = scf.for %scan3A_73 = %scan3A_66 to %scan3A_68 step %scan3A_69 iter_args(%scan3A_74 = %scan3A_65) -> (i32)  : i32 {
      %mul3A_75 = arith.constant 2 : i32
      %mul3A_76 = arith.muli %mul3A_75, %scan3A_73 : i32
      %add3A_77 = arith.constant 0 : i32
      %add3A_78 = arith.addi %mul3A_76, %add3A_77 : i32
      %dma_wait3A_79 = arith.constant 0 : i32
      %dma_wait3A_80 = tpu.memref_slice %arg6[%add3A_78, %dma_wait3A_79] : memref<90x112xi32, #tpu.memory_space<vmem>> -> memref<1x112xi32, #tpu.memory_space<vmem>>
      %dma_wait3A_81 = tpu.memref_squeeze %dma_wait3A_80 : memref<1x112xi32, #tpu.memory_space<vmem>> -> memref<112xi32, #tpu.memory_space<vmem>>
      %dma_wait3A_82 = arith.constant 0 : i32
      %dma_wait3A_83 = arith.constant 0 : i32
      %dma_wait3A_84 = tpu.memref_slice %arg2[%dma_wait3A_82, %dma_wait3A_83] : memref<10000x128xf32, #tpu.memory_space<hbm>> -> memref<10000x128xf32, #tpu.memory_space<hbm>>
      tpu.wait_indirect_dma semaphore(%arg11 : memref<!tpu.dma_semaphore, #tpu.memory_space<semaphore_mem>>) src(%dma_wait3A_84 : memref<10000x128xf32, #tpu.memory_space<hbm>>) dst(%arg8 : memref<112x128xf32, #tpu.memory_space<vmem>>)
      "tpu.region"() ({
        %run_scoped3A = tpu.sem_alloc : memref<!tpu.dma_semaphore, #tpu.memory_space<semaphore_mem>>
        %dma_start3A_105 = arith.constant 0 : i32
        %dma_start3A_106 = tpu.memref_slice %arg7[%add3A_78, %dma_start3A_105] : memref<90x112xi32, #tpu.memory_space<vmem>> -> memref<1x112xi32, #tpu.memory_space<vmem>>
        %dma_start3A_107 = tpu.memref_squeeze %dma_start3A_106 : memref<1x112xi32, #tpu.memory_space<vmem>> -> memref<112xi32, #tpu.memory_space<vmem>>
        %dma_start3A_108 = arith.constant 0 : i32
        %dma_start3A_109 = arith.constant 0 : i32
        %dma_start3A_110 = tpu.memref_slice %arg10[%dma_start3A_108, %dma_start3A_109] : memref<10112x128xf32, #tpu.memory_space<vmem_shared>> -> memref<10112x128xf32, #tpu.memory_space<vmem_shared>>
        tpu.enqueue_indirect_dma source(%arg8 : memref<112x128xf32, #tpu.memory_space<vmem>>) target(%dma_start3A_110 : memref<10112x128xf32, #tpu.memory_space<vmem_shared>>) offsets(%dma_start3A_107 : memref<112xi32, #tpu.memory_space<vmem>>) semaphore(%run_scoped3A : memref<!tpu.dma_semaphore, #tpu.memory_space<semaphore_mem>>) {add = true}
        %dma_wait3A_111 = arith.constant 0 : i32
        %dma_wait3A_112 = tpu.memref_slice %arg7[%add3A_78, %dma_wait3A_111] : memref<90x112xi32, #tpu.memory_space<vmem>> -> memref<1x112xi32, #tpu.memory_space<vmem>>
        %dma_wait3A_113 = tpu.memref_squeeze %dma_wait3A_112 : memref<1x112xi32, #tpu.memory_space<vmem>> -> memref<112xi32, #tpu.memory_space<vmem>>
        %dma_wait3A_114 = arith.constant 0 : i32
        %dma_wait3A_115 = arith.constant 0 : i32
        %dma_wait3A_116 = tpu.memref_slice %arg10[%dma_wait3A_114, %dma_wait3A_115] : memref<10112x128xf32, #tpu.memory_space<vmem_shared>> -> memref<10112x128xf32, #tpu.memory_space<vmem_shared>>
        tpu.wait_indirect_dma semaphore(%run_scoped3A : memref<!tpu.dma_semaphore, #tpu.memory_space<semaphore_mem>>) src(%arg8 : memref<112x128xf32, #tpu.memory_space<vmem>>) dst(%dma_wait3A_116 : memref<10112x128xf32, #tpu.memory_space<vmem_shared>>)
        tpu.yield
      }) : () -> ()
      %add3A_85 = arith.constant 2 : i32
      %add3A_86 = arith.addi %add3A_78, %add3A_85 : i32
      %lt3A = arith.constant 90 : i32
      %lt3A_87 = arith.cmpi slt, %add3A_86, %lt3A : i32
      %convert_element_type3A = arith.extui %lt3A_87 : i1 to i32
      %cond3A = arith.constant 0 : i32
      %cond3A_88 = arith.cmpi ne, %convert_element_type3A, %cond3A : i32
      scf.if %cond3A_88 {
        %add3A_105 = arith.constant 2 : i32
        %add3A_106 = arith.addi %add3A_78, %add3A_105 : i32
        %dma_start3A_107 = arith.constant 0 : i32
        %dma_start3A_108 = tpu.memref_slice %arg6[%add3A_106, %dma_start3A_107] : memref<90x112xi32, #tpu.memory_space<vmem>> -> memref<1x112xi32, #tpu.memory_space<vmem>>
        %dma_start3A_109 = tpu.memref_squeeze %dma_start3A_108 : memref<1x112xi32, #tpu.memory_space<vmem>> -> memref<112xi32, #tpu.memory_space<vmem>>
        %dma_start3A_110 = arith.constant 0 : i32
        %dma_start3A_111 = arith.constant 0 : i32
        %dma_start3A_112 = tpu.memref_slice %arg2[%dma_start3A_110, %dma_start3A_111] : memref<10000x128xf32, #tpu.memory_space<hbm>> -> memref<10000x128xf32, #tpu.memory_space<hbm>>
        tpu.enqueue_indirect_dma source(%dma_start3A_112 : memref<10000x128xf32, #tpu.memory_space<hbm>>) target(%arg8 : memref<112x128xf32, #tpu.memory_space<vmem>>) offsets(%dma_start3A_109 : memref<112xi32, #tpu.memory_space<vmem>>) semaphore(%arg11 : memref<!tpu.dma_semaphore, #tpu.memory_space<semaphore_mem>>)
      } else {
      }
      %add3A_89 = arith.constant 1 : i32
      %add3A_90 = arith.addi %mul3A_76, %add3A_89 : i32
      %dma_wait3A_91 = arith.constant 0 : i32
      %dma_wait3A_92 = tpu.memref_slice %arg6[%add3A_90, %dma_wait3A_91] : memref<90x112xi32, #tpu.memory_space<vmem>> -> memref<1x112xi32, #tpu.memory_space<vmem>>
      %dma_wait3A_93 = tpu.memref_squeeze %dma_wait3A_92 : memref<1x112xi32, #tpu.memory_space<vmem>> -> memref<112xi32, #tpu.memory_space<vmem>>
      %dma_wait3A_94 = arith.constant 0 : i32
      %dma_wait3A_95 = arith.constant 0 : i32
      %dma_wait3A_96 = tpu.memref_slice %arg2[%dma_wait3A_94, %dma_wait3A_95] : memref<10000x128xf32, #tpu.memory_space<hbm>> -> memref<10000x128xf32, #tpu.memory_space<hbm>>
      tpu.wait_indirect_dma semaphore(%arg12 : memref<!tpu.dma_semaphore, #tpu.memory_space<semaphore_mem>>) src(%dma_wait3A_96 : memref<10000x128xf32, #tpu.memory_space<hbm>>) dst(%arg9 : memref<112x128xf32, #tpu.memory_space<vmem>>)
      "tpu.region"() ({
        %run_scoped3A = tpu.sem_alloc : memref<!tpu.dma_semaphore, #tpu.memory_space<semaphore_mem>>
        %dma_start3A_105 = arith.constant 0 : i32
        %dma_start3A_106 = tpu.memref_slice %arg7[%add3A_90, %dma_start3A_105] : memref<90x112xi32, #tpu.memory_space<vmem>> -> memref<1x112xi32, #tpu.memory_space<vmem>>
        %dma_start3A_107 = tpu.memref_squeeze %dma_start3A_106 : memref<1x112xi32, #tpu.memory_space<vmem>> -> memref<112xi32, #tpu.memory_space<vmem>>
        %dma_start3A_108 = arith.constant 0 : i32
        %dma_start3A_109 = arith.constant 0 : i32
        %dma_start3A_110 = tpu.memref_slice %arg10[%dma_start3A_108, %dma_start3A_109] : memref<10112x128xf32, #tpu.memory_space<vmem_shared>> -> memref<10112x128xf32, #tpu.memory_space<vmem_shared>>
        tpu.enqueue_indirect_dma source(%arg9 : memref<112x128xf32, #tpu.memory_space<vmem>>) target(%dma_start3A_110 : memref<10112x128xf32, #tpu.memory_space<vmem_shared>>) offsets(%dma_start3A_107 : memref<112xi32, #tpu.memory_space<vmem>>) semaphore(%run_scoped3A : memref<!tpu.dma_semaphore, #tpu.memory_space<semaphore_mem>>) {add = true}
        %dma_wait3A_111 = arith.constant 0 : i32
        %dma_wait3A_112 = tpu.memref_slice %arg7[%add3A_90, %dma_wait3A_111] : memref<90x112xi32, #tpu.memory_space<vmem>> -> memref<1x112xi32, #tpu.memory_space<vmem>>
        %dma_wait3A_113 = tpu.memref_squeeze %dma_wait3A_112 : memref<1x112xi32, #tpu.memory_space<vmem>> -> memref<112xi32, #tpu.memory_space<vmem>>
        %dma_wait3A_114 = arith.constant 0 : i32
        %dma_wait3A_115 = arith.constant 0 : i32
        %dma_wait3A_116 = tpu.memref_slice %arg10[%dma_wait3A_114, %dma_wait3A_115] : memref<10112x128xf32, #tpu.memory_space<vmem_shared>> -> memref<10112x128xf32, #tpu.memory_space<vmem_shared>>
        tpu.wait_indirect_dma semaphore(%run_scoped3A : memref<!tpu.dma_semaphore, #tpu.memory_space<semaphore_mem>>) src(%arg9 : memref<112x128xf32, #tpu.memory_space<vmem>>) dst(%dma_wait3A_116 : memref<10112x128xf32, #tpu.memory_space<vmem_shared>>)
        tpu.yield
      }) : () -> ()
      %add3A_97 = arith.constant 2 : i32
      %add3A_98 = arith.addi %add3A_90, %add3A_97 : i32
      %lt3A_99 = arith.constant 90 : i32
      %lt3A_100 = arith.cmpi slt, %add3A_98, %lt3A_99 : i32
      %convert_element_type3A_101 = arith.extui %lt3A_100 : i1 to i32
      %cond3A_102 = arith.constant 0 : i32
      %cond3A_103 = arith.cmpi ne, %convert_element_type3A_101, %cond3A_102 : i32
      scf.if %cond3A_103 {
        %add3A_105 = arith.constant 2 : i32
        %add3A_106 = arith.addi %add3A_90, %add3A_105 : i32
        %dma_start3A_107 = arith.constant 0 : i32
        %dma_start3A_108 = tpu.memref_slice %arg6[%add3A_106, %dma_start3A_107] : memref<90x112xi32, #tpu.memory_space<vmem>> -> memref<1x112xi32, #tpu.memory_space<vmem>>
        %dma_start3A_109 = tpu.memref_squeeze %dma_start3A_108 : memref<1x112xi32, #tpu.memory_space<vmem>> -> memref<112xi32, #tpu.memory_space<vmem>>
        %dma_start3A_110 = arith.constant 0 : i32
        %dma_start3A_111 = arith.constant 0 : i32
        %dma_start3A_112 = tpu.memref_slice %arg2[%dma_start3A_110, %dma_start3A_111] : memref<10000x128xf32, #tpu.memory_space<hbm>> -> memref<10000x128xf32, #tpu.memory_space<hbm>>
        tpu.enqueue_indirect_dma source(%dma_start3A_112 : memref<10000x128xf32, #tpu.memory_space<hbm>>) target(%arg9 : memref<112x128xf32, #tpu.memory_space<vmem>>) offsets(%dma_start3A_109 : memref<112xi32, #tpu.memory_space<vmem>>) semaphore(%arg12 : memref<!tpu.dma_semaphore, #tpu.memory_space<semaphore_mem>>)
      } else {
      }
      %scan3A_104 = arith.constant 0 : i32
      scf.yield %scan3A_104 : i32
    }
    %scan3A_71 = arith.constant 45 : i32
    %barrier3A_72 = arith.constant 0 : index
    tpu.barrier barrier_id(%barrier3A_72)
    "tpu.region"() ({
      %run_scoped3A = tpu.sem_alloc : memref<!tpu.dma_semaphore, #tpu.memory_space<semaphore_mem>>
      %dma_start3A_73 = arith.constant 0 : i32
      %dma_start3A_74 = tpu.memref_slice %arg5[%arg0, %mul3A_23, %dma_start3A_73] : memref<2x10112x128xf32, #tpu.memory_space<hbm>> -> memref<1x632x128xf32, #tpu.memory_space<hbm>>
      %dma_start3A_75 = tpu.memref_squeeze %dma_start3A_74 : memref<1x632x128xf32, #tpu.memory_space<hbm>> -> memref<632x128xf32, #tpu.memory_space<hbm>>
      %dma_start3A_76 = arith.constant 0 : i32
      %dma_start3A_77 = tpu.memref_slice %arg10[%mul3A_23, %dma_start3A_76] : memref<10112x128xf32, #tpu.memory_space<vmem_shared>> -> memref<632x128xf32, #tpu.memory_space<vmem_shared>>
      tpu.enqueue_dma source(%dma_start3A_77 : memref<632x128xf32, #tpu.memory_space<vmem_shared>>) target(%dma_start3A_75 : memref<632x128xf32, #tpu.memory_space<hbm>>) target_semaphore(%run_scoped3A : memref<!tpu.dma_semaphore, #tpu.memory_space<semaphore_mem>>)
      %dma_wait3A_78 = arith.constant 0 : i32
      %dma_wait3A_79 = tpu.memref_slice %arg5[%arg0, %mul3A_23, %dma_wait3A_78] : memref<2x10112x128xf32, #tpu.memory_space<hbm>> -> memref<1x632x128xf32, #tpu.memory_space<hbm>>
      %dma_wait3A_80 = tpu.memref_squeeze %dma_wait3A_79 : memref<1x632x128xf32, #tpu.memory_space<hbm>> -> memref<632x128xf32, #tpu.memory_space<hbm>>
      %dma_wait3A_81 = arith.constant 0 : i32
      %dma_wait3A_82 = tpu.memref_slice %arg10[%mul3A_23, %dma_wait3A_81] : memref<10112x128xf32, #tpu.memory_space<vmem_shared>> -> memref<632x128xf32, #tpu.memory_space<vmem_shared>>
      tpu.wait_dma2 semaphore(%run_scoped3A : memref<!tpu.dma_semaphore, #tpu.memory_space<semaphore_mem>>) src(%dma_wait3A_82 : memref<632x128xf32, #tpu.memory_space<vmem_shared>>) dst(%dma_wait3A_80 : memref<632x128xf32, #tpu.memory_space<hbm>>)
      tpu.yield
    }) : () -> ()
    return
  }
}

#map = affine_map<(d0, d1) -> (0, 0)>
#map1 = affine_map<(d0, d1) -> (0, 0, 0)>
module attributes {stable_mosaic.version = 14 : i64} {
  func.func @sc_agg(%arg0: i32, %arg1: i32, %arg2: memref<10000x64xf32, #tpu.memory_space<hbm>>, %arg3: memref<32x80x128xi32, #tpu.memory_space<hbm>>, %arg4: memref<32x80x128xi32, #tpu.memory_space<hbm>>, %arg5: memref<2x10112x64xf32, #tpu.memory_space<hbm>>, %arg6: memref<80x128xi32, #tpu.memory_space<vmem>>, %arg7: memref<80x128xi32, #tpu.memory_space<vmem>>, %arg8: memref<128x64xf32, #tpu.memory_space<vmem>>, %arg9: memref<128x64xf32, #tpu.memory_space<vmem>>, %arg10: memref<128x64xf32, #tpu.memory_space<vmem>>, %arg11: memref<128x64xf32, #tpu.memory_space<vmem>>, %arg12: memref<10112x64xf32, #tpu.memory_space<vmem_shared>>, %arg13: memref<!tpu.dma_semaphore, #tpu.memory_space<semaphore_mem>>, %arg14: memref<!tpu.dma_semaphore, #tpu.memory_space<semaphore_mem>>, %arg15: memref<!tpu.dma_semaphore, #tpu.memory_space<semaphore_mem>>, %arg16: memref<!tpu.dma_semaphore, #tpu.memory_space<semaphore_mem>>) attributes {dimension_semantics = [#tpu.dimension_semantics<core_parallel>, #tpu.dimension_semantics<subcore_parallel>], iteration_bounds = array<i64: 2, 16>, scalar_prefetch = 0 : i64, scratch_operands = 11 : i64, tpu.core_type = #tpu.core_type<sc_vector_subcore>, window_params = [{transform_indices = #map}, {transform_indices = #map1}, {transform_indices = #map1}, {transform_indices = #map1}]} {
    %mul3A = arith.constant 2 : i32
    %mul3A_0 = arith.muli %arg1, %mul3A : i32
    %add3A = arith.addi %mul3A_0, %arg0 : i32
    %dma_start3A = arith.constant 0 : i32
    %dma_start3A_1 = arith.constant 0 : i32
    %dma_start3A_2 = tpu.memref_slice %arg3[%add3A, %dma_start3A, %dma_start3A_1] : memref<32x80x128xi32, #tpu.memory_space<hbm>> -> memref<1x80x128xi32, #tpu.memory_space<hbm>>
    %dma_start3A_3 = tpu.memref_squeeze %dma_start3A_2 : memref<1x80x128xi32, #tpu.memory_space<hbm>> -> memref<80x128xi32, #tpu.memory_space<hbm>>
    %dma_start3A_4 = arith.constant 0 : i32
    %dma_start3A_5 = arith.constant 0 : i32
    %dma_start3A_6 = tpu.memref_slice %arg3[%add3A, %dma_start3A_4, %dma_start3A_5] : memref<32x80x128xi32, #tpu.memory_space<hbm>> -> memref<1x80x128xi32, #tpu.memory_space<hbm>>
    %dma_start3A_7 = tpu.memref_squeeze %dma_start3A_6 : memref<1x80x128xi32, #tpu.memory_space<hbm>> -> memref<80x128xi32, #tpu.memory_space<hbm>>
    tpu.enqueue_dma source(%dma_start3A_7 : memref<80x128xi32, #tpu.memory_space<hbm>>) target(%arg6 : memref<80x128xi32, #tpu.memory_space<vmem>>) target_semaphore(%arg13 : memref<!tpu.dma_semaphore, #tpu.memory_space<semaphore_mem>>)
    %dma_start3A_8 = arith.constant 0 : i32
    %dma_start3A_9 = arith.constant 0 : i32
    %dma_start3A_10 = tpu.memref_slice %arg4[%add3A, %dma_start3A_8, %dma_start3A_9] : memref<32x80x128xi32, #tpu.memory_space<hbm>> -> memref<1x80x128xi32, #tpu.memory_space<hbm>>
    %dma_start3A_11 = tpu.memref_squeeze %dma_start3A_10 : memref<1x80x128xi32, #tpu.memory_space<hbm>> -> memref<80x128xi32, #tpu.memory_space<hbm>>
    %dma_start3A_12 = arith.constant 0 : i32
    %dma_start3A_13 = arith.constant 0 : i32
    %dma_start3A_14 = tpu.memref_slice %arg4[%add3A, %dma_start3A_12, %dma_start3A_13] : memref<32x80x128xi32, #tpu.memory_space<hbm>> -> memref<1x80x128xi32, #tpu.memory_space<hbm>>
    %dma_start3A_15 = tpu.memref_squeeze %dma_start3A_14 : memref<1x80x128xi32, #tpu.memory_space<hbm>> -> memref<80x128xi32, #tpu.memory_space<hbm>>
    tpu.enqueue_dma source(%dma_start3A_15 : memref<80x128xi32, #tpu.memory_space<hbm>>) target(%arg7 : memref<80x128xi32, #tpu.memory_space<vmem>>) target_semaphore(%arg14 : memref<!tpu.dma_semaphore, #tpu.memory_space<semaphore_mem>>)
    %scan3A = arith.constant 0 : i32
    %scan3A_16 = arith.constant 0 : i32
    %scan3A_17 = arith.constant 512 : i32
    %scan3A_18 = arith.addi %scan3A_16, %scan3A_17 : i32
    %scan3A_19 = arith.constant 1 : i32
    %scan3A_20 = scf.for %scan3A_85 = %scan3A_16 to %scan3A_18 step %scan3A_19 iter_args(%scan3A_86 = %scan3A) -> (i32)  : i32 {
      %jit3A = arith.constant 4 : i32
      %div3A = arith.divsi %scan3A_85, %jit3A : i32
      %sign3A = arith.constant 0 : i32
      %sign3A_87 = arith.cmpi sgt, %scan3A_85, %sign3A : i32
      %sign3A_88 = arith.extui %sign3A_87 : i1 to i32
      %sign3A_89 = arith.constant 0 : i32
      %sign3A_90 = arith.cmpi slt, %scan3A_85, %sign3A_89 : i32
      %sign3A_91 = arith.extui %sign3A_90 : i1 to i32
      %sign3A_92 = arith.subi %sign3A_88, %sign3A_91 : i32
      %sign3A_93 = arith.constant 0 : i32
      %sign3A_94 = arith.cmpi sgt, %jit3A, %sign3A_93 : i32
      %sign3A_95 = arith.extui %sign3A_94 : i1 to i32
      %sign3A_96 = arith.constant 0 : i32
      %sign3A_97 = arith.cmpi slt, %jit3A, %sign3A_96 : i32
      %sign3A_98 = arith.extui %sign3A_97 : i1 to i32
      %sign3A_99 = arith.subi %sign3A_95, %sign3A_98 : i32
      %ne3A = arith.cmpi ne, %sign3A_92, %sign3A_99 : i32
      %rem3A = arith.remsi %scan3A_85, %jit3A : i32
      %ne3A_100 = arith.constant 0 : i32
      %ne3A_101 = arith.cmpi ne, %rem3A, %ne3A_100 : i32
      %and3A = arith.andi %ne3A, %ne3A_101 : i1
      %sub3A = arith.constant 1 : i32
      %sub3A_102 = arith.subi %div3A, %sub3A : i32
      %select_n3A = arith.select %and3A, %sub3A_102, %div3A : i32
      %jit3A_103 = arith.constant 4 : i32
      %eq3A = arith.constant 0 : i32
      %eq3A_104 = arith.cmpi eq, %jit3A_103, %eq3A : i32
      %jit3A_105 = arith.constant 1 : i32
      %select_n3A_106 = arith.select %eq3A_104, %jit3A_105, %jit3A_103 : i32
      %rem3A_107 = arith.remsi %scan3A_85, %select_n3A_106 : i32
      %ne3A_108 = arith.constant 0 : i32
      %ne3A_109 = arith.cmpi ne, %rem3A_107, %ne3A_108 : i32
      %lt3A = arith.constant 0 : i32
      %lt3A_110 = arith.cmpi slt, %rem3A_107, %lt3A : i32
      %lt3A_111 = arith.constant 0 : i32
      %lt3A_112 = arith.cmpi slt, %select_n3A_106, %lt3A_111 : i32
      %ne3A_113 = arith.xori %lt3A_110, %lt3A_112 : i1
      %and3A_114 = arith.andi %ne3A_113, %ne3A_109 : i1
      %add3A_115 = arith.addi %rem3A_107, %select_n3A_106 : i32
      %select_n3A_116 = arith.select %and3A_114, %add3A_115, %rem3A_107 : i32
      %mul3A_117 = arith.constant 16 : i32
      %mul3A_118 = arith.muli %select_n3A_116, %mul3A_117 : i32
      %broadcast_in_dim3A = arith.constant 0.000000e+00 : f32
      %broadcast_in_dim3A_119 = vector.broadcast %broadcast_in_dim3A : f32 to vector<16xf32>
      %swap3A = arith.index_cast %select_n3A : i32 to index
      %swap3A_120 = arith.index_cast %mul3A_118 : i32 to index
      %swap3A_121 = tpu.vector_load %arg11[%swap3A, %swap3A_120] {strides = array<i32>} : memref<128x64xf32, #tpu.memory_space<vmem>>, vector<1x16xf32>,
      %swap3A_122 = vector.shape_cast %swap3A_121 : vector<1x16xf32> to vector<16xf32>
      %swap3A_123 = vector.shape_cast %broadcast_in_dim3A_119 : vector<16xf32> to vector<1x16xf32>
      tpu.vector_store %arg11[%swap3A, %swap3A_120], %swap3A_123 {strides = array<i32>} : memref<128x64xf32, #tpu.memory_space<vmem>>, vector<1x16xf32>,
      %scan3A_124 = arith.constant 0 : i32
      scf.yield %scan3A_124 : i32
    }
    %scan3A_21 = arith.constant 512 : i32
    %mul3A_22 = arith.constant 632 : i32
    %mul3A_23 = arith.muli %arg1, %mul3A_22 : i32
    %add3A_24 = arith.constant 0 : i32
    %add3A_25 = arith.addi %mul3A_23, %add3A_24 : i32
    "tpu.region"() ({
      %run_scoped3A = tpu.sem_alloc : memref<!tpu.dma_semaphore, #tpu.memory_space<semaphore_mem>>
      %dma_start3A_85 = arith.constant 0 : i32
      %dma_start3A_86 = tpu.memref_slice %arg12[%add3A_25, %dma_start3A_85] : memref<10112x64xf32, #tpu.memory_space<vmem_shared>> -> memref<128x64xf32, #tpu.memory_space<vmem_shared>>
      %dma_start3A_87 = arith.constant 0 : i32
      %dma_start3A_88 = tpu.memref_slice %arg12[%add3A_25, %dma_start3A_87] : memref<10112x64xf32, #tpu.memory_space<vmem_shared>> -> memref<128x64xf32, #tpu.memory_space<vmem_shared>>
      tpu.enqueue_dma source(%arg11 : memref<128x64xf32, #tpu.memory_space<vmem>>) target(%dma_start3A_88 : memref<128x64xf32, #tpu.memory_space<vmem_shared>>) target_semaphore(%run_scoped3A : memref<!tpu.dma_semaphore, #tpu.memory_space<semaphore_mem>>)
      %dma_wait3A_89 = arith.constant 0 : i32
      %dma_wait3A_90 = tpu.memref_slice %arg12[%add3A_25, %dma_wait3A_89] : memref<10112x64xf32, #tpu.memory_space<vmem_shared>> -> memref<128x64xf32, #tpu.memory_space<vmem_shared>>
      %dma_wait3A_91 = arith.constant 0 : i32
      %dma_wait3A_92 = tpu.memref_slice %arg12[%add3A_25, %dma_wait3A_91] : memref<10112x64xf32, #tpu.memory_space<vmem_shared>> -> memref<128x64xf32, #tpu.memory_space<vmem_shared>>
      tpu.wait_dma2 semaphore(%run_scoped3A : memref<!tpu.dma_semaphore, #tpu.memory_space<semaphore_mem>>) src(%arg11 : memref<128x64xf32, #tpu.memory_space<vmem>>) dst(%dma_wait3A_92 : memref<128x64xf32, #tpu.memory_space<vmem_shared>>)
      tpu.yield
    }) : () -> ()
    %add3A_26 = arith.constant 128 : i32
    %add3A_27 = arith.addi %mul3A_23, %add3A_26 : i32
    "tpu.region"() ({
      %run_scoped3A = tpu.sem_alloc : memref<!tpu.dma_semaphore, #tpu.memory_space<semaphore_mem>>
      %dma_start3A_85 = arith.constant 0 : i32
      %dma_start3A_86 = tpu.memref_slice %arg12[%add3A_27, %dma_start3A_85] : memref<10112x64xf32, #tpu.memory_space<vmem_shared>> -> memref<128x64xf32, #tpu.memory_space<vmem_shared>>
      %dma_start3A_87 = arith.constant 0 : i32
      %dma_start3A_88 = tpu.memref_slice %arg12[%add3A_27, %dma_start3A_87] : memref<10112x64xf32, #tpu.memory_space<vmem_shared>> -> memref<128x64xf32, #tpu.memory_space<vmem_shared>>
      tpu.enqueue_dma source(%arg11 : memref<128x64xf32, #tpu.memory_space<vmem>>) target(%dma_start3A_88 : memref<128x64xf32, #tpu.memory_space<vmem_shared>>) target_semaphore(%run_scoped3A : memref<!tpu.dma_semaphore, #tpu.memory_space<semaphore_mem>>)
      %dma_wait3A_89 = arith.constant 0 : i32
      %dma_wait3A_90 = tpu.memref_slice %arg12[%add3A_27, %dma_wait3A_89] : memref<10112x64xf32, #tpu.memory_space<vmem_shared>> -> memref<128x64xf32, #tpu.memory_space<vmem_shared>>
      %dma_wait3A_91 = arith.constant 0 : i32
      %dma_wait3A_92 = tpu.memref_slice %arg12[%add3A_27, %dma_wait3A_91] : memref<10112x64xf32, #tpu.memory_space<vmem_shared>> -> memref<128x64xf32, #tpu.memory_space<vmem_shared>>
      tpu.wait_dma2 semaphore(%run_scoped3A : memref<!tpu.dma_semaphore, #tpu.memory_space<semaphore_mem>>) src(%arg11 : memref<128x64xf32, #tpu.memory_space<vmem>>) dst(%dma_wait3A_92 : memref<128x64xf32, #tpu.memory_space<vmem_shared>>)
      tpu.yield
    }) : () -> ()
    %add3A_28 = arith.constant 256 : i32
    %add3A_29 = arith.addi %mul3A_23, %add3A_28 : i32
    "tpu.region"() ({
      %run_scoped3A = tpu.sem_alloc : memref<!tpu.dma_semaphore, #tpu.memory_space<semaphore_mem>>
      %dma_start3A_85 = arith.constant 0 : i32
      %dma_start3A_86 = tpu.memref_slice %arg12[%add3A_29, %dma_start3A_85] : memref<10112x64xf32, #tpu.memory_space<vmem_shared>> -> memref<128x64xf32, #tpu.memory_space<vmem_shared>>
      %dma_start3A_87 = arith.constant 0 : i32
      %dma_start3A_88 = tpu.memref_slice %arg12[%add3A_29, %dma_start3A_87] : memref<10112x64xf32, #tpu.memory_space<vmem_shared>> -> memref<128x64xf32, #tpu.memory_space<vmem_shared>>
      tpu.enqueue_dma source(%arg11 : memref<128x64xf32, #tpu.memory_space<vmem>>) target(%dma_start3A_88 : memref<128x64xf32, #tpu.memory_space<vmem_shared>>) target_semaphore(%run_scoped3A : memref<!tpu.dma_semaphore, #tpu.memory_space<semaphore_mem>>)
      %dma_wait3A_89 = arith.constant 0 : i32
      %dma_wait3A_90 = tpu.memref_slice %arg12[%add3A_29, %dma_wait3A_89] : memref<10112x64xf32, #tpu.memory_space<vmem_shared>> -> memref<128x64xf32, #tpu.memory_space<vmem_shared>>
      %dma_wait3A_91 = arith.constant 0 : i32
      %dma_wait3A_92 = tpu.memref_slice %arg12[%add3A_29, %dma_wait3A_91] : memref<10112x64xf32, #tpu.memory_space<vmem_shared>> -> memref<128x64xf32, #tpu.memory_space<vmem_shared>>
      tpu.wait_dma2 semaphore(%run_scoped3A : memref<!tpu.dma_semaphore, #tpu.memory_space<semaphore_mem>>) src(%arg11 : memref<128x64xf32, #tpu.memory_space<vmem>>) dst(%dma_wait3A_92 : memref<128x64xf32, #tpu.memory_space<vmem_shared>>)
      tpu.yield
    }) : () -> ()
    %add3A_30 = arith.constant 384 : i32
    %add3A_31 = arith.addi %mul3A_23, %add3A_30 : i32
    "tpu.region"() ({
      %run_scoped3A = tpu.sem_alloc : memref<!tpu.dma_semaphore, #tpu.memory_space<semaphore_mem>>
      %dma_start3A_85 = arith.constant 0 : i32
      %dma_start3A_86 = tpu.memref_slice %arg12[%add3A_31, %dma_start3A_85] : memref<10112x64xf32, #tpu.memory_space<vmem_shared>> -> memref<128x64xf32, #tpu.memory_space<vmem_shared>>
      %dma_start3A_87 = arith.constant 0 : i32
      %dma_start3A_88 = tpu.memref_slice %arg12[%add3A_31, %dma_start3A_87] : memref<10112x64xf32, #tpu.memory_space<vmem_shared>> -> memref<128x64xf32, #tpu.memory_space<vmem_shared>>
      tpu.enqueue_dma source(%arg11 : memref<128x64xf32, #tpu.memory_space<vmem>>) target(%dma_start3A_88 : memref<128x64xf32, #tpu.memory_space<vmem_shared>>) target_semaphore(%run_scoped3A : memref<!tpu.dma_semaphore, #tpu.memory_space<semaphore_mem>>)
      %dma_wait3A_89 = arith.constant 0 : i32
      %dma_wait3A_90 = tpu.memref_slice %arg12[%add3A_31, %dma_wait3A_89] : memref<10112x64xf32, #tpu.memory_space<vmem_shared>> -> memref<128x64xf32, #tpu.memory_space<vmem_shared>>
      %dma_wait3A_91 = arith.constant 0 : i32
      %dma_wait3A_92 = tpu.memref_slice %arg12[%add3A_31, %dma_wait3A_91] : memref<10112x64xf32, #tpu.memory_space<vmem_shared>> -> memref<128x64xf32, #tpu.memory_space<vmem_shared>>
      tpu.wait_dma2 semaphore(%run_scoped3A : memref<!tpu.dma_semaphore, #tpu.memory_space<semaphore_mem>>) src(%arg11 : memref<128x64xf32, #tpu.memory_space<vmem>>) dst(%dma_wait3A_92 : memref<128x64xf32, #tpu.memory_space<vmem_shared>>)
      tpu.yield
    }) : () -> ()
    %add3A_32 = arith.constant 512 : i32
    %add3A_33 = arith.addi %mul3A_23, %add3A_32 : i32
    "tpu.region"() ({
      %run_scoped3A = tpu.sem_alloc : memref<!tpu.dma_semaphore, #tpu.memory_space<semaphore_mem>>
      %dma_start3A_85 = arith.constant 0 : i32
      %dma_start3A_86 = arith.constant 0 : i32
      %dma_start3A_87 = tpu.memref_slice %arg11[%dma_start3A_85, %dma_start3A_86] : memref<128x64xf32, #tpu.memory_space<vmem>> -> memref<120x64xf32, #tpu.memory_space<vmem>>
      %dma_start3A_88 = arith.constant 0 : i32
      %dma_start3A_89 = tpu.memref_slice %arg12[%add3A_33, %dma_start3A_88] : memref<10112x64xf32, #tpu.memory_space<vmem_shared>> -> memref<120x64xf32, #tpu.memory_space<vmem_shared>>
      %dma_start3A_90 = arith.constant 0 : i32
      %dma_start3A_91 = tpu.memref_slice %arg12[%add3A_33, %dma_start3A_90] : memref<10112x64xf32, #tpu.memory_space<vmem_shared>> -> memref<120x64xf32, #tpu.memory_space<vmem_shared>>
      %dma_start3A_92 = arith.constant 0 : i32
      %dma_start3A_93 = arith.constant 0 : i32
      %dma_start3A_94 = tpu.memref_slice %arg11[%dma_start3A_92, %dma_start3A_93] : memref<128x64xf32, #tpu.memory_space<vmem>> -> memref<120x64xf32, #tpu.memory_space<vmem>>
      tpu.enqueue_dma source(%dma_start3A_94 : memref<120x64xf32, #tpu.memory_space<vmem>>) target(%dma_start3A_91 : memref<120x64xf32, #tpu.memory_space<vmem_shared>>) target_semaphore(%run_scoped3A : memref<!tpu.dma_semaphore, #tpu.memory_space<semaphore_mem>>)
      %dma_wait3A_95 = arith.constant 0 : i32
      %dma_wait3A_96 = arith.constant 0 : i32
      %dma_wait3A_97 = tpu.memref_slice %arg11[%dma_wait3A_95, %dma_wait3A_96] : memref<128x64xf32, #tpu.memory_space<vmem>> -> memref<120x64xf32, #tpu.memory_space<vmem>>
      %dma_wait3A_98 = arith.constant 0 : i32
      %dma_wait3A_99 = tpu.memref_slice %arg12[%add3A_33, %dma_wait3A_98] : memref<10112x64xf32, #tpu.memory_space<vmem_shared>> -> memref<120x64xf32, #tpu.memory_space<vmem_shared>>
      %dma_wait3A_100 = arith.constant 0 : i32
      %dma_wait3A_101 = tpu.memref_slice %arg12[%add3A_33, %dma_wait3A_100] : memref<10112x64xf32, #tpu.memory_space<vmem_shared>> -> memref<120x64xf32, #tpu.memory_space<vmem_shared>>
      %dma_wait3A_102 = arith.constant 0 : i32
      %dma_wait3A_103 = arith.constant 0 : i32
      %dma_wait3A_104 = tpu.memref_slice %arg11[%dma_wait3A_102, %dma_wait3A_103] : memref<128x64xf32, #tpu.memory_space<vmem>> -> memref<120x64xf32, #tpu.memory_space<vmem>>
      tpu.wait_dma2 semaphore(%run_scoped3A : memref<!tpu.dma_semaphore, #tpu.memory_space<semaphore_mem>>) src(%dma_wait3A_104 : memref<120x64xf32, #tpu.memory_space<vmem>>) dst(%dma_wait3A_101 : memref<120x64xf32, #tpu.memory_space<vmem_shared>>)
      tpu.yield
    }) : () -> ()
    %dma_wait3A = arith.constant 0 : i32
    %dma_wait3A_34 = arith.constant 0 : i32
    %dma_wait3A_35 = tpu.memref_slice %arg3[%add3A, %dma_wait3A, %dma_wait3A_34] : memref<32x80x128xi32, #tpu.memory_space<hbm>> -> memref<1x80x128xi32, #tpu.memory_space<hbm>>
    %dma_wait3A_36 = tpu.memref_squeeze %dma_wait3A_35 : memref<1x80x128xi32, #tpu.memory_space<hbm>> -> memref<80x128xi32, #tpu.memory_space<hbm>>
    %dma_wait3A_37 = arith.constant 0 : i32
    %dma_wait3A_38 = arith.constant 0 : i32
    %dma_wait3A_39 = tpu.memref_slice %arg3[%add3A, %dma_wait3A_37, %dma_wait3A_38] : memref<32x80x128xi32, #tpu.memory_space<hbm>> -> memref<1x80x128xi32, #tpu.memory_space<hbm>>
    %dma_wait3A_40 = tpu.memref_squeeze %dma_wait3A_39 : memref<1x80x128xi32, #tpu.memory_space<hbm>> -> memref<80x128xi32, #tpu.memory_space<hbm>>
    tpu.wait_dma2 semaphore(%arg13 : memref<!tpu.dma_semaphore, #tpu.memory_space<semaphore_mem>>) src(%dma_wait3A_40 : memref<80x128xi32, #tpu.memory_space<hbm>>) dst(%arg6 : memref<80x128xi32, #tpu.memory_space<vmem>>)
    %dma_wait3A_41 = arith.constant 0 : i32
    %dma_wait3A_42 = arith.constant 0 : i32
    %dma_wait3A_43 = tpu.memref_slice %arg4[%add3A, %dma_wait3A_41, %dma_wait3A_42] : memref<32x80x128xi32, #tpu.memory_space<hbm>> -> memref<1x80x128xi32, #tpu.memory_space<hbm>>
    %dma_wait3A_44 = tpu.memref_squeeze %dma_wait3A_43 : memref<1x80x128xi32, #tpu.memory_space<hbm>> -> memref<80x128xi32, #tpu.memory_space<hbm>>
    %dma_wait3A_45 = arith.constant 0 : i32
    %dma_wait3A_46 = arith.constant 0 : i32
    %dma_wait3A_47 = tpu.memref_slice %arg4[%add3A, %dma_wait3A_45, %dma_wait3A_46] : memref<32x80x128xi32, #tpu.memory_space<hbm>> -> memref<1x80x128xi32, #tpu.memory_space<hbm>>
    %dma_wait3A_48 = tpu.memref_squeeze %dma_wait3A_47 : memref<1x80x128xi32, #tpu.memory_space<hbm>> -> memref<80x128xi32, #tpu.memory_space<hbm>>
    tpu.wait_dma2 semaphore(%arg14 : memref<!tpu.dma_semaphore, #tpu.memory_space<semaphore_mem>>) src(%dma_wait3A_48 : memref<80x128xi32, #tpu.memory_space<hbm>>) dst(%arg7 : memref<80x128xi32, #tpu.memory_space<vmem>>)
    %dma_start3A_49 = arith.constant 0 : i32
    %dma_start3A_50 = arith.constant 0 : i32
    %dma_start3A_51 = tpu.memref_slice %arg6[%dma_start3A_49, %dma_start3A_50] : memref<80x128xi32, #tpu.memory_space<vmem>> -> memref<1x128xi32, #tpu.memory_space<vmem>>
    %dma_start3A_52 = tpu.memref_squeeze %dma_start3A_51 : memref<1x128xi32, #tpu.memory_space<vmem>> -> memref<128xi32, #tpu.memory_space<vmem>>
    %dma_start3A_53 = arith.constant 0 : i32
    %dma_start3A_54 = arith.constant 0 : i32
    %dma_start3A_55 = tpu.memref_slice %arg2[%dma_start3A_53, %dma_start3A_54] : memref<10000x64xf32, #tpu.memory_space<hbm>> -> memref<10000x64xf32, #tpu.memory_space<hbm>>
    tpu.enqueue_indirect_dma source(%dma_start3A_55 : memref<10000x64xf32, #tpu.memory_space<hbm>>) target(%arg8 : memref<128x64xf32, #tpu.memory_space<vmem>>) offsets(%dma_start3A_52 : memref<128xi32, #tpu.memory_space<vmem>>) semaphore(%arg13 : memref<!tpu.dma_semaphore, #tpu.memory_space<semaphore_mem>>)
    %dma_start3A_56 = arith.constant 1 : i32
    %dma_start3A_57 = arith.constant 0 : i32
    %dma_start3A_58 = tpu.memref_slice %arg6[%dma_start3A_56, %dma_start3A_57] : memref<80x128xi32, #tpu.memory_space<vmem>> -> memref<1x128xi32, #tpu.memory_space<vmem>>
    %dma_start3A_59 = tpu.memref_squeeze %dma_start3A_58 : memref<1x128xi32, #tpu.memory_space<vmem>> -> memref<128xi32, #tpu.memory_space<vmem>>
    %dma_start3A_60 = arith.constant 0 : i32
    %dma_start3A_61 = arith.constant 0 : i32
    %dma_start3A_62 = tpu.memref_slice %arg2[%dma_start3A_60, %dma_start3A_61] : memref<10000x64xf32, #tpu.memory_space<hbm>> -> memref<10000x64xf32, #tpu.memory_space<hbm>>
    tpu.enqueue_indirect_dma source(%dma_start3A_62 : memref<10000x64xf32, #tpu.memory_space<hbm>>) target(%arg9 : memref<128x64xf32, #tpu.memory_space<vmem>>) offsets(%dma_start3A_59 : memref<128xi32, #tpu.memory_space<vmem>>) semaphore(%arg14 : memref<!tpu.dma_semaphore, #tpu.memory_space<semaphore_mem>>)
    %dma_start3A_63 = arith.constant 2 : i32
    %dma_start3A_64 = arith.constant 0 : i32
    %dma_start3A_65 = tpu.memref_slice %arg6[%dma_start3A_63, %dma_start3A_64] : memref<80x128xi32, #tpu.memory_space<vmem>> -> memref<1x128xi32, #tpu.memory_space<vmem>>
    %dma_start3A_66 = tpu.memref_squeeze %dma_start3A_65 : memref<1x128xi32, #tpu.memory_space<vmem>> -> memref<128xi32, #tpu.memory_space<vmem>>
    %dma_start3A_67 = arith.constant 0 : i32
    %dma_start3A_68 = arith.constant 0 : i32
    %dma_start3A_69 = tpu.memref_slice %arg2[%dma_start3A_67, %dma_start3A_68] : memref<10000x64xf32, #tpu.memory_space<hbm>> -> memref<10000x64xf32, #tpu.memory_space<hbm>>
    tpu.enqueue_indirect_dma source(%dma_start3A_69 : memref<10000x64xf32, #tpu.memory_space<hbm>>) target(%arg10 : memref<128x64xf32, #tpu.memory_space<vmem>>) offsets(%dma_start3A_66 : memref<128xi32, #tpu.memory_space<vmem>>) semaphore(%arg15 : memref<!tpu.dma_semaphore, #tpu.memory_space<semaphore_mem>>)
    %dma_start3A_70 = arith.constant 3 : i32
    %dma_start3A_71 = arith.constant 0 : i32
    %dma_start3A_72 = tpu.memref_slice %arg6[%dma_start3A_70, %dma_start3A_71] : memref<80x128xi32, #tpu.memory_space<vmem>> -> memref<1x128xi32, #tpu.memory_space<vmem>>
    %dma_start3A_73 = tpu.memref_squeeze %dma_start3A_72 : memref<1x128xi32, #tpu.memory_space<vmem>> -> memref<128xi32, #tpu.memory_space<vmem>>
    %dma_start3A_74 = arith.constant 0 : i32
    %dma_start3A_75 = arith.constant 0 : i32
    %dma_start3A_76 = tpu.memref_slice %arg2[%dma_start3A_74, %dma_start3A_75] : memref<10000x64xf32, #tpu.memory_space<hbm>> -> memref<10000x64xf32, #tpu.memory_space<hbm>>
    tpu.enqueue_indirect_dma source(%dma_start3A_76 : memref<10000x64xf32, #tpu.memory_space<hbm>>) target(%arg11 : memref<128x64xf32, #tpu.memory_space<vmem>>) offsets(%dma_start3A_73 : memref<128xi32, #tpu.memory_space<vmem>>) semaphore(%arg16 : memref<!tpu.dma_semaphore, #tpu.memory_space<semaphore_mem>>)
    %barrier3A = arith.constant 0 : index
    tpu.barrier barrier_id(%barrier3A)
    %scan3A_77 = arith.constant 0 : i32
    %scan3A_78 = arith.constant 0 : i32
    %scan3A_79 = arith.constant 20 : i32
    %scan3A_80 = arith.addi %scan3A_78, %scan3A_79 : i32
    %scan3A_81 = arith.constant 1 : i32
    %scan3A_82 = scf.for %scan3A_85 = %scan3A_78 to %scan3A_80 step %scan3A_81 iter_args(%scan3A_86 = %scan3A_77) -> (i32)  : i32 {
      %mul3A_87 = arith.constant 4 : i32
      %mul3A_88 = arith.muli %mul3A_87, %scan3A_85 : i32
      %add3A_89 = arith.constant 0 : i32
      %add3A_90 = arith.addi %mul3A_88, %add3A_89 : i32
      %dma_wait3A_91 = arith.constant 0 : i32
      %dma_wait3A_92 = tpu.memref_slice %arg6[%add3A_90, %dma_wait3A_91] : memref<80x128xi32, #tpu.memory_space<vmem>> -> memref<1x128xi32, #tpu.memory_space<vmem>>
      %dma_wait3A_93 = tpu.memref_squeeze %dma_wait3A_92 : memref<1x128xi32, #tpu.memory_space<vmem>> -> memref<128xi32, #tpu.memory_space<vmem>>
      %dma_wait3A_94 = arith.constant 0 : i32
      %dma_wait3A_95 = arith.constant 0 : i32
      %dma_wait3A_96 = tpu.memref_slice %arg2[%dma_wait3A_94, %dma_wait3A_95] : memref<10000x64xf32, #tpu.memory_space<hbm>> -> memref<10000x64xf32, #tpu.memory_space<hbm>>
      tpu.wait_indirect_dma semaphore(%arg13 : memref<!tpu.dma_semaphore, #tpu.memory_space<semaphore_mem>>) src(%dma_wait3A_96 : memref<10000x64xf32, #tpu.memory_space<hbm>>) dst(%arg8 : memref<128x64xf32, #tpu.memory_space<vmem>>)
      "tpu.region"() ({
        %run_scoped3A = tpu.sem_alloc : memref<!tpu.dma_semaphore, #tpu.memory_space<semaphore_mem>>
        %dma_start3A_147 = arith.constant 0 : i32
        %dma_start3A_148 = tpu.memref_slice %arg7[%add3A_90, %dma_start3A_147] : memref<80x128xi32, #tpu.memory_space<vmem>> -> memref<1x128xi32, #tpu.memory_space<vmem>>
        %dma_start3A_149 = tpu.memref_squeeze %dma_start3A_148 : memref<1x128xi32, #tpu.memory_space<vmem>> -> memref<128xi32, #tpu.memory_space<vmem>>
        %dma_start3A_150 = arith.constant 0 : i32
        %dma_start3A_151 = arith.constant 0 : i32
        %dma_start3A_152 = tpu.memref_slice %arg12[%dma_start3A_150, %dma_start3A_151] : memref<10112x64xf32, #tpu.memory_space<vmem_shared>> -> memref<10112x64xf32, #tpu.memory_space<vmem_shared>>
        tpu.enqueue_indirect_dma source(%arg8 : memref<128x64xf32, #tpu.memory_space<vmem>>) target(%dma_start3A_152 : memref<10112x64xf32, #tpu.memory_space<vmem_shared>>) offsets(%dma_start3A_149 : memref<128xi32, #tpu.memory_space<vmem>>) semaphore(%run_scoped3A : memref<!tpu.dma_semaphore, #tpu.memory_space<semaphore_mem>>) {add = true}
        %dma_wait3A_153 = arith.constant 0 : i32
        %dma_wait3A_154 = tpu.memref_slice %arg7[%add3A_90, %dma_wait3A_153] : memref<80x128xi32, #tpu.memory_space<vmem>> -> memref<1x128xi32, #tpu.memory_space<vmem>>
        %dma_wait3A_155 = tpu.memref_squeeze %dma_wait3A_154 : memref<1x128xi32, #tpu.memory_space<vmem>> -> memref<128xi32, #tpu.memory_space<vmem>>
        %dma_wait3A_156 = arith.constant 0 : i32
        %dma_wait3A_157 = arith.constant 0 : i32
        %dma_wait3A_158 = tpu.memref_slice %arg12[%dma_wait3A_156, %dma_wait3A_157] : memref<10112x64xf32, #tpu.memory_space<vmem_shared>> -> memref<10112x64xf32, #tpu.memory_space<vmem_shared>>
        tpu.wait_indirect_dma semaphore(%run_scoped3A : memref<!tpu.dma_semaphore, #tpu.memory_space<semaphore_mem>>) src(%arg8 : memref<128x64xf32, #tpu.memory_space<vmem>>) dst(%dma_wait3A_158 : memref<10112x64xf32, #tpu.memory_space<vmem_shared>>)
        tpu.yield
      }) : () -> ()
      %add3A_97 = arith.constant 4 : i32
      %add3A_98 = arith.addi %add3A_90, %add3A_97 : i32
      %lt3A = arith.constant 80 : i32
      %lt3A_99 = arith.cmpi slt, %add3A_98, %lt3A : i32
      %convert_element_type3A = arith.extui %lt3A_99 : i1 to i32
      %cond3A = arith.constant 0 : i32
      %cond3A_100 = arith.cmpi ne, %convert_element_type3A, %cond3A : i32
      scf.if %cond3A_100 {
        %add3A_147 = arith.constant 4 : i32
        %add3A_148 = arith.addi %add3A_90, %add3A_147 : i32
        %dma_start3A_149 = arith.constant 0 : i32
        %dma_start3A_150 = tpu.memref_slice %arg6[%add3A_148, %dma_start3A_149] : memref<80x128xi32, #tpu.memory_space<vmem>> -> memref<1x128xi32, #tpu.memory_space<vmem>>
        %dma_start3A_151 = tpu.memref_squeeze %dma_start3A_150 : memref<1x128xi32, #tpu.memory_space<vmem>> -> memref<128xi32, #tpu.memory_space<vmem>>
        %dma_start3A_152 = arith.constant 0 : i32
        %dma_start3A_153 = arith.constant 0 : i32
        %dma_start3A_154 = tpu.memref_slice %arg2[%dma_start3A_152, %dma_start3A_153] : memref<10000x64xf32, #tpu.memory_space<hbm>> -> memref<10000x64xf32, #tpu.memory_space<hbm>>
        tpu.enqueue_indirect_dma source(%dma_start3A_154 : memref<10000x64xf32, #tpu.memory_space<hbm>>) target(%arg8 : memref<128x64xf32, #tpu.memory_space<vmem>>) offsets(%dma_start3A_151 : memref<128xi32, #tpu.memory_space<vmem>>) semaphore(%arg13 : memref<!tpu.dma_semaphore, #tpu.memory_space<semaphore_mem>>)
      } else {
      }
      %add3A_101 = arith.constant 1 : i32
      %add3A_102 = arith.addi %mul3A_88, %add3A_101 : i32
      %dma_wait3A_103 = arith.constant 0 : i32
      %dma_wait3A_104 = tpu.memref_slice %arg6[%add3A_102, %dma_wait3A_103] : memref<80x128xi32, #tpu.memory_space<vmem>> -> memref<1x128xi32, #tpu.memory_space<vmem>>
      %dma_wait3A_105 = tpu.memref_squeeze %dma_wait3A_104 : memref<1x128xi32, #tpu.memory_space<vmem>> -> memref<128xi32, #tpu.memory_space<vmem>>
      %dma_wait3A_106 = arith.constant 0 : i32
      %dma_wait3A_107 = arith.constant 0 : i32
      %dma_wait3A_108 = tpu.memref_slice %arg2[%dma_wait3A_106, %dma_wait3A_107] : memref<10000x64xf32, #tpu.memory_space<hbm>> -> memref<10000x64xf32, #tpu.memory_space<hbm>>
      tpu.wait_indirect_dma semaphore(%arg14 : memref<!tpu.dma_semaphore, #tpu.memory_space<semaphore_mem>>) src(%dma_wait3A_108 : memref<10000x64xf32, #tpu.memory_space<hbm>>) dst(%arg9 : memref<128x64xf32, #tpu.memory_space<vmem>>)
      "tpu.region"() ({
        %run_scoped3A = tpu.sem_alloc : memref<!tpu.dma_semaphore, #tpu.memory_space<semaphore_mem>>
        %dma_start3A_147 = arith.constant 0 : i32
        %dma_start3A_148 = tpu.memref_slice %arg7[%add3A_102, %dma_start3A_147] : memref<80x128xi32, #tpu.memory_space<vmem>> -> memref<1x128xi32, #tpu.memory_space<vmem>>
        %dma_start3A_149 = tpu.memref_squeeze %dma_start3A_148 : memref<1x128xi32, #tpu.memory_space<vmem>> -> memref<128xi32, #tpu.memory_space<vmem>>
        %dma_start3A_150 = arith.constant 0 : i32
        %dma_start3A_151 = arith.constant 0 : i32
        %dma_start3A_152 = tpu.memref_slice %arg12[%dma_start3A_150, %dma_start3A_151] : memref<10112x64xf32, #tpu.memory_space<vmem_shared>> -> memref<10112x64xf32, #tpu.memory_space<vmem_shared>>
        tpu.enqueue_indirect_dma source(%arg9 : memref<128x64xf32, #tpu.memory_space<vmem>>) target(%dma_start3A_152 : memref<10112x64xf32, #tpu.memory_space<vmem_shared>>) offsets(%dma_start3A_149 : memref<128xi32, #tpu.memory_space<vmem>>) semaphore(%run_scoped3A : memref<!tpu.dma_semaphore, #tpu.memory_space<semaphore_mem>>) {add = true}
        %dma_wait3A_153 = arith.constant 0 : i32
        %dma_wait3A_154 = tpu.memref_slice %arg7[%add3A_102, %dma_wait3A_153] : memref<80x128xi32, #tpu.memory_space<vmem>> -> memref<1x128xi32, #tpu.memory_space<vmem>>
        %dma_wait3A_155 = tpu.memref_squeeze %dma_wait3A_154 : memref<1x128xi32, #tpu.memory_space<vmem>> -> memref<128xi32, #tpu.memory_space<vmem>>
        %dma_wait3A_156 = arith.constant 0 : i32
        %dma_wait3A_157 = arith.constant 0 : i32
        %dma_wait3A_158 = tpu.memref_slice %arg12[%dma_wait3A_156, %dma_wait3A_157] : memref<10112x64xf32, #tpu.memory_space<vmem_shared>> -> memref<10112x64xf32, #tpu.memory_space<vmem_shared>>
        tpu.wait_indirect_dma semaphore(%run_scoped3A : memref<!tpu.dma_semaphore, #tpu.memory_space<semaphore_mem>>) src(%arg9 : memref<128x64xf32, #tpu.memory_space<vmem>>) dst(%dma_wait3A_158 : memref<10112x64xf32, #tpu.memory_space<vmem_shared>>)
        tpu.yield
      }) : () -> ()
      %add3A_109 = arith.constant 4 : i32
      %add3A_110 = arith.addi %add3A_102, %add3A_109 : i32
      %lt3A_111 = arith.constant 80 : i32
      %lt3A_112 = arith.cmpi slt, %add3A_110, %lt3A_111 : i32
      %convert_element_type3A_113 = arith.extui %lt3A_112 : i1 to i32
      %cond3A_114 = arith.constant 0 : i32
      %cond3A_115 = arith.cmpi ne, %convert_element_type3A_113, %cond3A_114 : i32
      scf.if %cond3A_115 {
        %add3A_147 = arith.constant 4 : i32
        %add3A_148 = arith.addi %add3A_102, %add3A_147 : i32
        %dma_start3A_149 = arith.constant 0 : i32
        %dma_start3A_150 = tpu.memref_slice %arg6[%add3A_148, %dma_start3A_149] : memref<80x128xi32, #tpu.memory_space<vmem>> -> memref<1x128xi32, #tpu.memory_space<vmem>>
        %dma_start3A_151 = tpu.memref_squeeze %dma_start3A_150 : memref<1x128xi32, #tpu.memory_space<vmem>> -> memref<128xi32, #tpu.memory_space<vmem>>
        %dma_start3A_152 = arith.constant 0 : i32
        %dma_start3A_153 = arith.constant 0 : i32
        %dma_start3A_154 = tpu.memref_slice %arg2[%dma_start3A_152, %dma_start3A_153] : memref<10000x64xf32, #tpu.memory_space<hbm>> -> memref<10000x64xf32, #tpu.memory_space<hbm>>
        tpu.enqueue_indirect_dma source(%dma_start3A_154 : memref<10000x64xf32, #tpu.memory_space<hbm>>) target(%arg9 : memref<128x64xf32, #tpu.memory_space<vmem>>) offsets(%dma_start3A_151 : memref<128xi32, #tpu.memory_space<vmem>>) semaphore(%arg14 : memref<!tpu.dma_semaphore, #tpu.memory_space<semaphore_mem>>)
      } else {
      }
      %add3A_116 = arith.constant 2 : i32
      %add3A_117 = arith.addi %mul3A_88, %add3A_116 : i32
      %dma_wait3A_118 = arith.constant 0 : i32
      %dma_wait3A_119 = tpu.memref_slice %arg6[%add3A_117, %dma_wait3A_118] : memref<80x128xi32, #tpu.memory_space<vmem>> -> memref<1x128xi32, #tpu.memory_space<vmem>>
      %dma_wait3A_120 = tpu.memref_squeeze %dma_wait3A_119 : memref<1x128xi32, #tpu.memory_space<vmem>> -> memref<128xi32, #tpu.memory_space<vmem>>
      %dma_wait3A_121 = arith.constant 0 : i32
      %dma_wait3A_122 = arith.constant 0 : i32
      %dma_wait3A_123 = tpu.memref_slice %arg2[%dma_wait3A_121, %dma_wait3A_122] : memref<10000x64xf32, #tpu.memory_space<hbm>> -> memref<10000x64xf32, #tpu.memory_space<hbm>>
      tpu.wait_indirect_dma semaphore(%arg15 : memref<!tpu.dma_semaphore, #tpu.memory_space<semaphore_mem>>) src(%dma_wait3A_123 : memref<10000x64xf32, #tpu.memory_space<hbm>>) dst(%arg10 : memref<128x64xf32, #tpu.memory_space<vmem>>)
      "tpu.region"() ({
        %run_scoped3A = tpu.sem_alloc : memref<!tpu.dma_semaphore, #tpu.memory_space<semaphore_mem>>
        %dma_start3A_147 = arith.constant 0 : i32
        %dma_start3A_148 = tpu.memref_slice %arg7[%add3A_117, %dma_start3A_147] : memref<80x128xi32, #tpu.memory_space<vmem>> -> memref<1x128xi32, #tpu.memory_space<vmem>>
        %dma_start3A_149 = tpu.memref_squeeze %dma_start3A_148 : memref<1x128xi32, #tpu.memory_space<vmem>> -> memref<128xi32, #tpu.memory_space<vmem>>
        %dma_start3A_150 = arith.constant 0 : i32
        %dma_start3A_151 = arith.constant 0 : i32
        %dma_start3A_152 = tpu.memref_slice %arg12[%dma_start3A_150, %dma_start3A_151] : memref<10112x64xf32, #tpu.memory_space<vmem_shared>> -> memref<10112x64xf32, #tpu.memory_space<vmem_shared>>
        tpu.enqueue_indirect_dma source(%arg10 : memref<128x64xf32, #tpu.memory_space<vmem>>) target(%dma_start3A_152 : memref<10112x64xf32, #tpu.memory_space<vmem_shared>>) offsets(%dma_start3A_149 : memref<128xi32, #tpu.memory_space<vmem>>) semaphore(%run_scoped3A : memref<!tpu.dma_semaphore, #tpu.memory_space<semaphore_mem>>) {add = true}
        %dma_wait3A_153 = arith.constant 0 : i32
        %dma_wait3A_154 = tpu.memref_slice %arg7[%add3A_117, %dma_wait3A_153] : memref<80x128xi32, #tpu.memory_space<vmem>> -> memref<1x128xi32, #tpu.memory_space<vmem>>
        %dma_wait3A_155 = tpu.memref_squeeze %dma_wait3A_154 : memref<1x128xi32, #tpu.memory_space<vmem>> -> memref<128xi32, #tpu.memory_space<vmem>>
        %dma_wait3A_156 = arith.constant 0 : i32
        %dma_wait3A_157 = arith.constant 0 : i32
        %dma_wait3A_158 = tpu.memref_slice %arg12[%dma_wait3A_156, %dma_wait3A_157] : memref<10112x64xf32, #tpu.memory_space<vmem_shared>> -> memref<10112x64xf32, #tpu.memory_space<vmem_shared>>
        tpu.wait_indirect_dma semaphore(%run_scoped3A : memref<!tpu.dma_semaphore, #tpu.memory_space<semaphore_mem>>) src(%arg10 : memref<128x64xf32, #tpu.memory_space<vmem>>) dst(%dma_wait3A_158 : memref<10112x64xf32, #tpu.memory_space<vmem_shared>>)
        tpu.yield
      }) : () -> ()
      %add3A_124 = arith.constant 4 : i32
      %add3A_125 = arith.addi %add3A_117, %add3A_124 : i32
      %lt3A_126 = arith.constant 80 : i32
      %lt3A_127 = arith.cmpi slt, %add3A_125, %lt3A_126 : i32
      %convert_element_type3A_128 = arith.extui %lt3A_127 : i1 to i32
      %cond3A_129 = arith.constant 0 : i32
      %cond3A_130 = arith.cmpi ne, %convert_element_type3A_128, %cond3A_129 : i32
      scf.if %cond3A_130 {
        %add3A_147 = arith.constant 4 : i32
        %add3A_148 = arith.addi %add3A_117, %add3A_147 : i32
        %dma_start3A_149 = arith.constant 0 : i32
        %dma_start3A_150 = tpu.memref_slice %arg6[%add3A_148, %dma_start3A_149] : memref<80x128xi32, #tpu.memory_space<vmem>> -> memref<1x128xi32, #tpu.memory_space<vmem>>
        %dma_start3A_151 = tpu.memref_squeeze %dma_start3A_150 : memref<1x128xi32, #tpu.memory_space<vmem>> -> memref<128xi32, #tpu.memory_space<vmem>>
        %dma_start3A_152 = arith.constant 0 : i32
        %dma_start3A_153 = arith.constant 0 : i32
        %dma_start3A_154 = tpu.memref_slice %arg2[%dma_start3A_152, %dma_start3A_153] : memref<10000x64xf32, #tpu.memory_space<hbm>> -> memref<10000x64xf32, #tpu.memory_space<hbm>>
        tpu.enqueue_indirect_dma source(%dma_start3A_154 : memref<10000x64xf32, #tpu.memory_space<hbm>>) target(%arg10 : memref<128x64xf32, #tpu.memory_space<vmem>>) offsets(%dma_start3A_151 : memref<128xi32, #tpu.memory_space<vmem>>) semaphore(%arg15 : memref<!tpu.dma_semaphore, #tpu.memory_space<semaphore_mem>>)
      } else {
      }
      %add3A_131 = arith.constant 3 : i32
      %add3A_132 = arith.addi %mul3A_88, %add3A_131 : i32
      %dma_wait3A_133 = arith.constant 0 : i32
      %dma_wait3A_134 = tpu.memref_slice %arg6[%add3A_132, %dma_wait3A_133] : memref<80x128xi32, #tpu.memory_space<vmem>> -> memref<1x128xi32, #tpu.memory_space<vmem>>
      %dma_wait3A_135 = tpu.memref_squeeze %dma_wait3A_134 : memref<1x128xi32, #tpu.memory_space<vmem>> -> memref<128xi32, #tpu.memory_space<vmem>>
      %dma_wait3A_136 = arith.constant 0 : i32
      %dma_wait3A_137 = arith.constant 0 : i32
      %dma_wait3A_138 = tpu.memref_slice %arg2[%dma_wait3A_136, %dma_wait3A_137] : memref<10000x64xf32, #tpu.memory_space<hbm>> -> memref<10000x64xf32, #tpu.memory_space<hbm>>
      tpu.wait_indirect_dma semaphore(%arg16 : memref<!tpu.dma_semaphore, #tpu.memory_space<semaphore_mem>>) src(%dma_wait3A_138 : memref<10000x64xf32, #tpu.memory_space<hbm>>) dst(%arg11 : memref<128x64xf32, #tpu.memory_space<vmem>>)
      "tpu.region"() ({
        %run_scoped3A = tpu.sem_alloc : memref<!tpu.dma_semaphore, #tpu.memory_space<semaphore_mem>>
        %dma_start3A_147 = arith.constant 0 : i32
        %dma_start3A_148 = tpu.memref_slice %arg7[%add3A_132, %dma_start3A_147] : memref<80x128xi32, #tpu.memory_space<vmem>> -> memref<1x128xi32, #tpu.memory_space<vmem>>
        %dma_start3A_149 = tpu.memref_squeeze %dma_start3A_148 : memref<1x128xi32, #tpu.memory_space<vmem>> -> memref<128xi32, #tpu.memory_space<vmem>>
        %dma_start3A_150 = arith.constant 0 : i32
        %dma_start3A_151 = arith.constant 0 : i32
        %dma_start3A_152 = tpu.memref_slice %arg12[%dma_start3A_150, %dma_start3A_151] : memref<10112x64xf32, #tpu.memory_space<vmem_shared>> -> memref<10112x64xf32, #tpu.memory_space<vmem_shared>>
        tpu.enqueue_indirect_dma source(%arg11 : memref<128x64xf32, #tpu.memory_space<vmem>>) target(%dma_start3A_152 : memref<10112x64xf32, #tpu.memory_space<vmem_shared>>) offsets(%dma_start3A_149 : memref<128xi32, #tpu.memory_space<vmem>>) semaphore(%run_scoped3A : memref<!tpu.dma_semaphore, #tpu.memory_space<semaphore_mem>>) {add = true}
        %dma_wait3A_153 = arith.constant 0 : i32
        %dma_wait3A_154 = tpu.memref_slice %arg7[%add3A_132, %dma_wait3A_153] : memref<80x128xi32, #tpu.memory_space<vmem>> -> memref<1x128xi32, #tpu.memory_space<vmem>>
        %dma_wait3A_155 = tpu.memref_squeeze %dma_wait3A_154 : memref<1x128xi32, #tpu.memory_space<vmem>> -> memref<128xi32, #tpu.memory_space<vmem>>
        %dma_wait3A_156 = arith.constant 0 : i32
        %dma_wait3A_157 = arith.constant 0 : i32
        %dma_wait3A_158 = tpu.memref_slice %arg12[%dma_wait3A_156, %dma_wait3A_157] : memref<10112x64xf32, #tpu.memory_space<vmem_shared>> -> memref<10112x64xf32, #tpu.memory_space<vmem_shared>>
        tpu.wait_indirect_dma semaphore(%run_scoped3A : memref<!tpu.dma_semaphore, #tpu.memory_space<semaphore_mem>>) src(%arg11 : memref<128x64xf32, #tpu.memory_space<vmem>>) dst(%dma_wait3A_158 : memref<10112x64xf32, #tpu.memory_space<vmem_shared>>)
        tpu.yield
      }) : () -> ()
      %add3A_139 = arith.constant 4 : i32
      %add3A_140 = arith.addi %add3A_132, %add3A_139 : i32
      %lt3A_141 = arith.constant 80 : i32
      %lt3A_142 = arith.cmpi slt, %add3A_140, %lt3A_141 : i32
      %convert_element_type3A_143 = arith.extui %lt3A_142 : i1 to i32
      %cond3A_144 = arith.constant 0 : i32
      %cond3A_145 = arith.cmpi ne, %convert_element_type3A_143, %cond3A_144 : i32
      scf.if %cond3A_145 {
        %add3A_147 = arith.constant 4 : i32
        %add3A_148 = arith.addi %add3A_132, %add3A_147 : i32
        %dma_start3A_149 = arith.constant 0 : i32
        %dma_start3A_150 = tpu.memref_slice %arg6[%add3A_148, %dma_start3A_149] : memref<80x128xi32, #tpu.memory_space<vmem>> -> memref<1x128xi32, #tpu.memory_space<vmem>>
        %dma_start3A_151 = tpu.memref_squeeze %dma_start3A_150 : memref<1x128xi32, #tpu.memory_space<vmem>> -> memref<128xi32, #tpu.memory_space<vmem>>
        %dma_start3A_152 = arith.constant 0 : i32
        %dma_start3A_153 = arith.constant 0 : i32
        %dma_start3A_154 = tpu.memref_slice %arg2[%dma_start3A_152, %dma_start3A_153] : memref<10000x64xf32, #tpu.memory_space<hbm>> -> memref<10000x64xf32, #tpu.memory_space<hbm>>
        tpu.enqueue_indirect_dma source(%dma_start3A_154 : memref<10000x64xf32, #tpu.memory_space<hbm>>) target(%arg11 : memref<128x64xf32, #tpu.memory_space<vmem>>) offsets(%dma_start3A_151 : memref<128xi32, #tpu.memory_space<vmem>>) semaphore(%arg16 : memref<!tpu.dma_semaphore, #tpu.memory_space<semaphore_mem>>)
      } else {
      }
      %scan3A_146 = arith.constant 0 : i32
      scf.yield %scan3A_146 : i32
    }
    %scan3A_83 = arith.constant 20 : i32
    %barrier3A_84 = arith.constant 0 : index
    tpu.barrier barrier_id(%barrier3A_84)
    "tpu.region"() ({
      %run_scoped3A = tpu.sem_alloc : memref<!tpu.dma_semaphore, #tpu.memory_space<semaphore_mem>>
      %dma_start3A_85 = arith.constant 0 : i32
      %dma_start3A_86 = tpu.memref_slice %arg5[%arg0, %mul3A_23, %dma_start3A_85] : memref<2x10112x64xf32, #tpu.memory_space<hbm>> -> memref<1x632x64xf32, #tpu.memory_space<hbm>>
      %dma_start3A_87 = tpu.memref_squeeze %dma_start3A_86 : memref<1x632x64xf32, #tpu.memory_space<hbm>> -> memref<632x64xf32, #tpu.memory_space<hbm>>
      %dma_start3A_88 = arith.constant 0 : i32
      %dma_start3A_89 = tpu.memref_slice %arg12[%mul3A_23, %dma_start3A_88] : memref<10112x64xf32, #tpu.memory_space<vmem_shared>> -> memref<632x64xf32, #tpu.memory_space<vmem_shared>>
      tpu.enqueue_dma source(%dma_start3A_89 : memref<632x64xf32, #tpu.memory_space<vmem_shared>>) target(%dma_start3A_87 : memref<632x64xf32, #tpu.memory_space<hbm>>) target_semaphore(%run_scoped3A : memref<!tpu.dma_semaphore, #tpu.memory_space<semaphore_mem>>)
      %dma_wait3A_90 = arith.constant 0 : i32
      %dma_wait3A_91 = tpu.memref_slice %arg5[%arg0, %mul3A_23, %dma_wait3A_90] : memref<2x10112x64xf32, #tpu.memory_space<hbm>> -> memref<1x632x64xf32, #tpu.memory_space<hbm>>
      %dma_wait3A_92 = tpu.memref_squeeze %dma_wait3A_91 : memref<1x632x64xf32, #tpu.memory_space<hbm>> -> memref<632x64xf32, #tpu.memory_space<hbm>>
      %dma_wait3A_93 = arith.constant 0 : i32
      %dma_wait3A_94 = tpu.memref_slice %arg12[%mul3A_23, %dma_wait3A_93] : memref<10112x64xf32, #tpu.memory_space<vmem_shared>> -> memref<632x64xf32, #tpu.memory_space<vmem_shared>>
      tpu.wait_dma2 semaphore(%run_scoped3A : memref<!tpu.dma_semaphore, #tpu.memory_space<semaphore_mem>>) src(%dma_wait3A_94 : memref<632x64xf32, #tpu.memory_space<vmem_shared>>) dst(%dma_wait3A_92 : memref<632x64xf32, #tpu.memory_space<hbm>>)
      tpu.yield
    }) : () -> ()
    return
  }
}

#map = affine_map<(d0, d1) -> (0, 0)>
#map1 = affine_map<(d0, d1) -> (0, 0, 0)>
module attributes {stable_mosaic.version = 14 : i64} {
  func.func @sc_agg(%arg0: i32, %arg1: i32, %arg2: memref<10000x64xf32, #tpu.memory_space<hbm>>, %arg3: memref<32x80x128xi32, #tpu.memory_space<hbm>>, %arg4: memref<32x80x128xi32, #tpu.memory_space<hbm>>, %arg5: memref<2x10112x64xf32, #tpu.memory_space<hbm>>, %arg6: memref<80x128xi32, #tpu.memory_space<vmem>>, %arg7: memref<80x128xi32, #tpu.memory_space<vmem>>, %arg8: memref<128x64xf32, #tpu.memory_space<vmem>>, %arg9: memref<128x64xf32, #tpu.memory_space<vmem>>, %arg10: memref<128x64xf32, #tpu.memory_space<vmem>>, %arg11: memref<128x64xf32, #tpu.memory_space<vmem>>, %arg12: memref<10112x64xf32, #tpu.memory_space<vmem_shared>>, %arg13: memref<!tpu.dma_semaphore, #tpu.memory_space<semaphore_mem>>, %arg14: memref<!tpu.dma_semaphore, #tpu.memory_space<semaphore_mem>>, %arg15: memref<!tpu.dma_semaphore, #tpu.memory_space<semaphore_mem>>, %arg16: memref<!tpu.dma_semaphore, #tpu.memory_space<semaphore_mem>>) attributes {dimension_semantics = [#tpu.dimension_semantics<core_parallel>, #tpu.dimension_semantics<subcore_parallel>], iteration_bounds = array<i64: 2, 16>, scalar_prefetch = 0 : i64, scratch_operands = 11 : i64, tpu.core_type = #tpu.core_type<sc_vector_subcore>, window_params = [{transform_indices = #map}, {transform_indices = #map1}, {transform_indices = #map1}, {transform_indices = #map1}]} {
    %mul3A = arith.constant 2 : i32
    %mul3A_0 = arith.muli %arg1, %mul3A : i32
    %add3A = arith.addi %mul3A_0, %arg0 : i32
    %dma_start3A = arith.constant 0 : i32
    %dma_start3A_1 = arith.constant 0 : i32
    %dma_start3A_2 = tpu.memref_slice %arg3[%add3A, %dma_start3A, %dma_start3A_1] : memref<32x80x128xi32, #tpu.memory_space<hbm>> -> memref<1x80x128xi32, #tpu.memory_space<hbm>>
    %dma_start3A_3 = tpu.memref_squeeze %dma_start3A_2 : memref<1x80x128xi32, #tpu.memory_space<hbm>> -> memref<80x128xi32, #tpu.memory_space<hbm>>
    %dma_start3A_4 = arith.constant 0 : i32
    %dma_start3A_5 = arith.constant 0 : i32
    %dma_start3A_6 = tpu.memref_slice %arg3[%add3A, %dma_start3A_4, %dma_start3A_5] : memref<32x80x128xi32, #tpu.memory_space<hbm>> -> memref<1x80x128xi32, #tpu.memory_space<hbm>>
    %dma_start3A_7 = tpu.memref_squeeze %dma_start3A_6 : memref<1x80x128xi32, #tpu.memory_space<hbm>> -> memref<80x128xi32, #tpu.memory_space<hbm>>
    tpu.enqueue_dma source(%dma_start3A_7 : memref<80x128xi32, #tpu.memory_space<hbm>>) target(%arg6 : memref<80x128xi32, #tpu.memory_space<vmem>>) target_semaphore(%arg13 : memref<!tpu.dma_semaphore, #tpu.memory_space<semaphore_mem>>)
    %dma_start3A_8 = arith.constant 0 : i32
    %dma_start3A_9 = arith.constant 0 : i32
    %dma_start3A_10 = tpu.memref_slice %arg4[%add3A, %dma_start3A_8, %dma_start3A_9] : memref<32x80x128xi32, #tpu.memory_space<hbm>> -> memref<1x80x128xi32, #tpu.memory_space<hbm>>
    %dma_start3A_11 = tpu.memref_squeeze %dma_start3A_10 : memref<1x80x128xi32, #tpu.memory_space<hbm>> -> memref<80x128xi32, #tpu.memory_space<hbm>>
    %dma_start3A_12 = arith.constant 0 : i32
    %dma_start3A_13 = arith.constant 0 : i32
    %dma_start3A_14 = tpu.memref_slice %arg4[%add3A, %dma_start3A_12, %dma_start3A_13] : memref<32x80x128xi32, #tpu.memory_space<hbm>> -> memref<1x80x128xi32, #tpu.memory_space<hbm>>
    %dma_start3A_15 = tpu.memref_squeeze %dma_start3A_14 : memref<1x80x128xi32, #tpu.memory_space<hbm>> -> memref<80x128xi32, #tpu.memory_space<hbm>>
    tpu.enqueue_dma source(%dma_start3A_15 : memref<80x128xi32, #tpu.memory_space<hbm>>) target(%arg7 : memref<80x128xi32, #tpu.memory_space<vmem>>) target_semaphore(%arg14 : memref<!tpu.dma_semaphore, #tpu.memory_space<semaphore_mem>>)
    %scan3A = arith.constant 0 : i32
    %scan3A_16 = arith.constant 0 : i32
    %scan3A_17 = arith.constant 512 : i32
    %scan3A_18 = arith.addi %scan3A_16, %scan3A_17 : i32
    %scan3A_19 = arith.constant 1 : i32
    %scan3A_20 = scf.for %scan3A_85 = %scan3A_16 to %scan3A_18 step %scan3A_19 iter_args(%scan3A_86 = %scan3A) -> (i32)  : i32 {
      %jit3A = arith.constant 4 : i32
      %div3A = arith.divsi %scan3A_85, %jit3A : i32
      %sign3A = arith.constant 0 : i32
      %sign3A_87 = arith.cmpi sgt, %scan3A_85, %sign3A : i32
      %sign3A_88 = arith.extui %sign3A_87 : i1 to i32
      %sign3A_89 = arith.constant 0 : i32
      %sign3A_90 = arith.cmpi slt, %scan3A_85, %sign3A_89 : i32
      %sign3A_91 = arith.extui %sign3A_90 : i1 to i32
      %sign3A_92 = arith.subi %sign3A_88, %sign3A_91 : i32
      %sign3A_93 = arith.constant 0 : i32
      %sign3A_94 = arith.cmpi sgt, %jit3A, %sign3A_93 : i32
      %sign3A_95 = arith.extui %sign3A_94 : i1 to i32
      %sign3A_96 = arith.constant 0 : i32
      %sign3A_97 = arith.cmpi slt, %jit3A, %sign3A_96 : i32
      %sign3A_98 = arith.extui %sign3A_97 : i1 to i32
      %sign3A_99 = arith.subi %sign3A_95, %sign3A_98 : i32
      %ne3A = arith.cmpi ne, %sign3A_92, %sign3A_99 : i32
      %rem3A = arith.remsi %scan3A_85, %jit3A : i32
      %ne3A_100 = arith.constant 0 : i32
      %ne3A_101 = arith.cmpi ne, %rem3A, %ne3A_100 : i32
      %and3A = arith.andi %ne3A, %ne3A_101 : i1
      %sub3A = arith.constant 1 : i32
      %sub3A_102 = arith.subi %div3A, %sub3A : i32
      %select_n3A = arith.select %and3A, %sub3A_102, %div3A : i32
      %jit3A_103 = arith.constant 4 : i32
      %eq3A = arith.constant 0 : i32
      %eq3A_104 = arith.cmpi eq, %jit3A_103, %eq3A : i32
      %jit3A_105 = arith.constant 1 : i32
      %select_n3A_106 = arith.select %eq3A_104, %jit3A_105, %jit3A_103 : i32
      %rem3A_107 = arith.remsi %scan3A_85, %select_n3A_106 : i32
      %ne3A_108 = arith.constant 0 : i32
      %ne3A_109 = arith.cmpi ne, %rem3A_107, %ne3A_108 : i32
      %lt3A = arith.constant 0 : i32
      %lt3A_110 = arith.cmpi slt, %rem3A_107, %lt3A : i32
      %lt3A_111 = arith.constant 0 : i32
      %lt3A_112 = arith.cmpi slt, %select_n3A_106, %lt3A_111 : i32
      %ne3A_113 = arith.xori %lt3A_110, %lt3A_112 : i1
      %and3A_114 = arith.andi %ne3A_113, %ne3A_109 : i1
      %add3A_115 = arith.addi %rem3A_107, %select_n3A_106 : i32
      %select_n3A_116 = arith.select %and3A_114, %add3A_115, %rem3A_107 : i32
      %mul3A_117 = arith.constant 16 : i32
      %mul3A_118 = arith.muli %select_n3A_116, %mul3A_117 : i32
      %broadcast_in_dim3A = arith.constant 0.000000e+00 : f32
      %broadcast_in_dim3A_119 = vector.broadcast %broadcast_in_dim3A : f32 to vector<16xf32>
      %swap3A = arith.index_cast %select_n3A : i32 to index
      %swap3A_120 = arith.index_cast %mul3A_118 : i32 to index
      %swap3A_121 = tpu.vector_load %arg11[%swap3A, %swap3A_120] {strides = array<i32>} : memref<128x64xf32, #tpu.memory_space<vmem>>, vector<1x16xf32>,
      %swap3A_122 = vector.shape_cast %swap3A_121 : vector<1x16xf32> to vector<16xf32>
      %swap3A_123 = vector.shape_cast %broadcast_in_dim3A_119 : vector<16xf32> to vector<1x16xf32>
      tpu.vector_store %arg11[%swap3A, %swap3A_120], %swap3A_123 {strides = array<i32>} : memref<128x64xf32, #tpu.memory_space<vmem>>, vector<1x16xf32>,
      %scan3A_124 = arith.constant 0 : i32
      scf.yield %scan3A_124 : i32
    }
    %scan3A_21 = arith.constant 512 : i32
    %mul3A_22 = arith.constant 632 : i32
    %mul3A_23 = arith.muli %arg1, %mul3A_22 : i32
    %add3A_24 = arith.constant 0 : i32
    %add3A_25 = arith.addi %mul3A_23, %add3A_24 : i32
    "tpu.region"() ({
      %run_scoped3A = tpu.sem_alloc : memref<!tpu.dma_semaphore, #tpu.memory_space<semaphore_mem>>
      %dma_start3A_85 = arith.constant 0 : i32
      %dma_start3A_86 = tpu.memref_slice %arg12[%add3A_25, %dma_start3A_85] : memref<10112x64xf32, #tpu.memory_space<vmem_shared>> -> memref<128x64xf32, #tpu.memory_space<vmem_shared>>
      %dma_start3A_87 = arith.constant 0 : i32
      %dma_start3A_88 = tpu.memref_slice %arg12[%add3A_25, %dma_start3A_87] : memref<10112x64xf32, #tpu.memory_space<vmem_shared>> -> memref<128x64xf32, #tpu.memory_space<vmem_shared>>
      tpu.enqueue_dma source(%arg11 : memref<128x64xf32, #tpu.memory_space<vmem>>) target(%dma_start3A_88 : memref<128x64xf32, #tpu.memory_space<vmem_shared>>) target_semaphore(%run_scoped3A : memref<!tpu.dma_semaphore, #tpu.memory_space<semaphore_mem>>)
      %dma_wait3A_89 = arith.constant 0 : i32
      %dma_wait3A_90 = tpu.memref_slice %arg12[%add3A_25, %dma_wait3A_89] : memref<10112x64xf32, #tpu.memory_space<vmem_shared>> -> memref<128x64xf32, #tpu.memory_space<vmem_shared>>
      %dma_wait3A_91 = arith.constant 0 : i32
      %dma_wait3A_92 = tpu.memref_slice %arg12[%add3A_25, %dma_wait3A_91] : memref<10112x64xf32, #tpu.memory_space<vmem_shared>> -> memref<128x64xf32, #tpu.memory_space<vmem_shared>>
      tpu.wait_dma2 semaphore(%run_scoped3A : memref<!tpu.dma_semaphore, #tpu.memory_space<semaphore_mem>>) src(%arg11 : memref<128x64xf32, #tpu.memory_space<vmem>>) dst(%dma_wait3A_92 : memref<128x64xf32, #tpu.memory_space<vmem_shared>>)
      tpu.yield
    }) : () -> ()
    %add3A_26 = arith.constant 128 : i32
    %add3A_27 = arith.addi %mul3A_23, %add3A_26 : i32
    "tpu.region"() ({
      %run_scoped3A = tpu.sem_alloc : memref<!tpu.dma_semaphore, #tpu.memory_space<semaphore_mem>>
      %dma_start3A_85 = arith.constant 0 : i32
      %dma_start3A_86 = tpu.memref_slice %arg12[%add3A_27, %dma_start3A_85] : memref<10112x64xf32, #tpu.memory_space<vmem_shared>> -> memref<128x64xf32, #tpu.memory_space<vmem_shared>>
      %dma_start3A_87 = arith.constant 0 : i32
      %dma_start3A_88 = tpu.memref_slice %arg12[%add3A_27, %dma_start3A_87] : memref<10112x64xf32, #tpu.memory_space<vmem_shared>> -> memref<128x64xf32, #tpu.memory_space<vmem_shared>>
      tpu.enqueue_dma source(%arg11 : memref<128x64xf32, #tpu.memory_space<vmem>>) target(%dma_start3A_88 : memref<128x64xf32, #tpu.memory_space<vmem_shared>>) target_semaphore(%run_scoped3A : memref<!tpu.dma_semaphore, #tpu.memory_space<semaphore_mem>>)
      %dma_wait3A_89 = arith.constant 0 : i32
      %dma_wait3A_90 = tpu.memref_slice %arg12[%add3A_27, %dma_wait3A_89] : memref<10112x64xf32, #tpu.memory_space<vmem_shared>> -> memref<128x64xf32, #tpu.memory_space<vmem_shared>>
      %dma_wait3A_91 = arith.constant 0 : i32
      %dma_wait3A_92 = tpu.memref_slice %arg12[%add3A_27, %dma_wait3A_91] : memref<10112x64xf32, #tpu.memory_space<vmem_shared>> -> memref<128x64xf32, #tpu.memory_space<vmem_shared>>
      tpu.wait_dma2 semaphore(%run_scoped3A : memref<!tpu.dma_semaphore, #tpu.memory_space<semaphore_mem>>) src(%arg11 : memref<128x64xf32, #tpu.memory_space<vmem>>) dst(%dma_wait3A_92 : memref<128x64xf32, #tpu.memory_space<vmem_shared>>)
      tpu.yield
    }) : () -> ()
    %add3A_28 = arith.constant 256 : i32
    %add3A_29 = arith.addi %mul3A_23, %add3A_28 : i32
    "tpu.region"() ({
      %run_scoped3A = tpu.sem_alloc : memref<!tpu.dma_semaphore, #tpu.memory_space<semaphore_mem>>
      %dma_start3A_85 = arith.constant 0 : i32
      %dma_start3A_86 = tpu.memref_slice %arg12[%add3A_29, %dma_start3A_85] : memref<10112x64xf32, #tpu.memory_space<vmem_shared>> -> memref<128x64xf32, #tpu.memory_space<vmem_shared>>
      %dma_start3A_87 = arith.constant 0 : i32
      %dma_start3A_88 = tpu.memref_slice %arg12[%add3A_29, %dma_start3A_87] : memref<10112x64xf32, #tpu.memory_space<vmem_shared>> -> memref<128x64xf32, #tpu.memory_space<vmem_shared>>
      tpu.enqueue_dma source(%arg11 : memref<128x64xf32, #tpu.memory_space<vmem>>) target(%dma_start3A_88 : memref<128x64xf32, #tpu.memory_space<vmem_shared>>) target_semaphore(%run_scoped3A : memref<!tpu.dma_semaphore, #tpu.memory_space<semaphore_mem>>)
      %dma_wait3A_89 = arith.constant 0 : i32
      %dma_wait3A_90 = tpu.memref_slice %arg12[%add3A_29, %dma_wait3A_89] : memref<10112x64xf32, #tpu.memory_space<vmem_shared>> -> memref<128x64xf32, #tpu.memory_space<vmem_shared>>
      %dma_wait3A_91 = arith.constant 0 : i32
      %dma_wait3A_92 = tpu.memref_slice %arg12[%add3A_29, %dma_wait3A_91] : memref<10112x64xf32, #tpu.memory_space<vmem_shared>> -> memref<128x64xf32, #tpu.memory_space<vmem_shared>>
      tpu.wait_dma2 semaphore(%run_scoped3A : memref<!tpu.dma_semaphore, #tpu.memory_space<semaphore_mem>>) src(%arg11 : memref<128x64xf32, #tpu.memory_space<vmem>>) dst(%dma_wait3A_92 : memref<128x64xf32, #tpu.memory_space<vmem_shared>>)
      tpu.yield
    }) : () -> ()
    %add3A_30 = arith.constant 384 : i32
    %add3A_31 = arith.addi %mul3A_23, %add3A_30 : i32
    "tpu.region"() ({
      %run_scoped3A = tpu.sem_alloc : memref<!tpu.dma_semaphore, #tpu.memory_space<semaphore_mem>>
      %dma_start3A_85 = arith.constant 0 : i32
      %dma_start3A_86 = tpu.memref_slice %arg12[%add3A_31, %dma_start3A_85] : memref<10112x64xf32, #tpu.memory_space<vmem_shared>> -> memref<128x64xf32, #tpu.memory_space<vmem_shared>>
      %dma_start3A_87 = arith.constant 0 : i32
      %dma_start3A_88 = tpu.memref_slice %arg12[%add3A_31, %dma_start3A_87] : memref<10112x64xf32, #tpu.memory_space<vmem_shared>> -> memref<128x64xf32, #tpu.memory_space<vmem_shared>>
      tpu.enqueue_dma source(%arg11 : memref<128x64xf32, #tpu.memory_space<vmem>>) target(%dma_start3A_88 : memref<128x64xf32, #tpu.memory_space<vmem_shared>>) target_semaphore(%run_scoped3A : memref<!tpu.dma_semaphore, #tpu.memory_space<semaphore_mem>>)
      %dma_wait3A_89 = arith.constant 0 : i32
      %dma_wait3A_90 = tpu.memref_slice %arg12[%add3A_31, %dma_wait3A_89] : memref<10112x64xf32, #tpu.memory_space<vmem_shared>> -> memref<128x64xf32, #tpu.memory_space<vmem_shared>>
      %dma_wait3A_91 = arith.constant 0 : i32
      %dma_wait3A_92 = tpu.memref_slice %arg12[%add3A_31, %dma_wait3A_91] : memref<10112x64xf32, #tpu.memory_space<vmem_shared>> -> memref<128x64xf32, #tpu.memory_space<vmem_shared>>
      tpu.wait_dma2 semaphore(%run_scoped3A : memref<!tpu.dma_semaphore, #tpu.memory_space<semaphore_mem>>) src(%arg11 : memref<128x64xf32, #tpu.memory_space<vmem>>) dst(%dma_wait3A_92 : memref<128x64xf32, #tpu.memory_space<vmem_shared>>)
      tpu.yield
    }) : () -> ()
    %add3A_32 = arith.constant 512 : i32
    %add3A_33 = arith.addi %mul3A_23, %add3A_32 : i32
    "tpu.region"() ({
      %run_scoped3A = tpu.sem_alloc : memref<!tpu.dma_semaphore, #tpu.memory_space<semaphore_mem>>
      %dma_start3A_85 = arith.constant 0 : i32
      %dma_start3A_86 = arith.constant 0 : i32
      %dma_start3A_87 = tpu.memref_slice %arg11[%dma_start3A_85, %dma_start3A_86] : memref<128x64xf32, #tpu.memory_space<vmem>> -> memref<120x64xf32, #tpu.memory_space<vmem>>
      %dma_start3A_88 = arith.constant 0 : i32
      %dma_start3A_89 = tpu.memref_slice %arg12[%add3A_33, %dma_start3A_88] : memref<10112x64xf32, #tpu.memory_space<vmem_shared>> -> memref<120x64xf32, #tpu.memory_space<vmem_shared>>
      %dma_start3A_90 = arith.constant 0 : i32
      %dma_start3A_91 = tpu.memref_slice %arg12[%add3A_33, %dma_start3A_90] : memref<10112x64xf32, #tpu.memory_space<vmem_shared>> -> memref<120x64xf32, #tpu.memory_space<vmem_shared>>
      %dma_start3A_92 = arith.constant 0 : i32
      %dma_start3A_93 = arith.constant 0 : i32
      %dma_start3A_94 = tpu.memref_slice %arg11[%dma_start3A_92, %dma_start3A_93] : memref<128x64xf32, #tpu.memory_space<vmem>> -> memref<120x64xf32, #tpu.memory_space<vmem>>
      tpu.enqueue_dma source(%dma_start3A_94 : memref<120x64xf32, #tpu.memory_space<vmem>>) target(%dma_start3A_91 : memref<120x64xf32, #tpu.memory_space<vmem_shared>>) target_semaphore(%run_scoped3A : memref<!tpu.dma_semaphore, #tpu.memory_space<semaphore_mem>>)
      %dma_wait3A_95 = arith.constant 0 : i32
      %dma_wait3A_96 = arith.constant 0 : i32
      %dma_wait3A_97 = tpu.memref_slice %arg11[%dma_wait3A_95, %dma_wait3A_96] : memref<128x64xf32, #tpu.memory_space<vmem>> -> memref<120x64xf32, #tpu.memory_space<vmem>>
      %dma_wait3A_98 = arith.constant 0 : i32
      %dma_wait3A_99 = tpu.memref_slice %arg12[%add3A_33, %dma_wait3A_98] : memref<10112x64xf32, #tpu.memory_space<vmem_shared>> -> memref<120x64xf32, #tpu.memory_space<vmem_shared>>
      %dma_wait3A_100 = arith.constant 0 : i32
      %dma_wait3A_101 = tpu.memref_slice %arg12[%add3A_33, %dma_wait3A_100] : memref<10112x64xf32, #tpu.memory_space<vmem_shared>> -> memref<120x64xf32, #tpu.memory_space<vmem_shared>>
      %dma_wait3A_102 = arith.constant 0 : i32
      %dma_wait3A_103 = arith.constant 0 : i32
      %dma_wait3A_104 = tpu.memref_slice %arg11[%dma_wait3A_102, %dma_wait3A_103] : memref<128x64xf32, #tpu.memory_space<vmem>> -> memref<120x64xf32, #tpu.memory_space<vmem>>
      tpu.wait_dma2 semaphore(%run_scoped3A : memref<!tpu.dma_semaphore, #tpu.memory_space<semaphore_mem>>) src(%dma_wait3A_104 : memref<120x64xf32, #tpu.memory_space<vmem>>) dst(%dma_wait3A_101 : memref<120x64xf32, #tpu.memory_space<vmem_shared>>)
      tpu.yield
    }) : () -> ()
    %dma_wait3A = arith.constant 0 : i32
    %dma_wait3A_34 = arith.constant 0 : i32
    %dma_wait3A_35 = tpu.memref_slice %arg3[%add3A, %dma_wait3A, %dma_wait3A_34] : memref<32x80x128xi32, #tpu.memory_space<hbm>> -> memref<1x80x128xi32, #tpu.memory_space<hbm>>
    %dma_wait3A_36 = tpu.memref_squeeze %dma_wait3A_35 : memref<1x80x128xi32, #tpu.memory_space<hbm>> -> memref<80x128xi32, #tpu.memory_space<hbm>>
    %dma_wait3A_37 = arith.constant 0 : i32
    %dma_wait3A_38 = arith.constant 0 : i32
    %dma_wait3A_39 = tpu.memref_slice %arg3[%add3A, %dma_wait3A_37, %dma_wait3A_38] : memref<32x80x128xi32, #tpu.memory_space<hbm>> -> memref<1x80x128xi32, #tpu.memory_space<hbm>>
    %dma_wait3A_40 = tpu.memref_squeeze %dma_wait3A_39 : memref<1x80x128xi32, #tpu.memory_space<hbm>> -> memref<80x128xi32, #tpu.memory_space<hbm>>
    tpu.wait_dma2 semaphore(%arg13 : memref<!tpu.dma_semaphore, #tpu.memory_space<semaphore_mem>>) src(%dma_wait3A_40 : memref<80x128xi32, #tpu.memory_space<hbm>>) dst(%arg6 : memref<80x128xi32, #tpu.memory_space<vmem>>)
    %dma_wait3A_41 = arith.constant 0 : i32
    %dma_wait3A_42 = arith.constant 0 : i32
    %dma_wait3A_43 = tpu.memref_slice %arg4[%add3A, %dma_wait3A_41, %dma_wait3A_42] : memref<32x80x128xi32, #tpu.memory_space<hbm>> -> memref<1x80x128xi32, #tpu.memory_space<hbm>>
    %dma_wait3A_44 = tpu.memref_squeeze %dma_wait3A_43 : memref<1x80x128xi32, #tpu.memory_space<hbm>> -> memref<80x128xi32, #tpu.memory_space<hbm>>
    %dma_wait3A_45 = arith.constant 0 : i32
    %dma_wait3A_46 = arith.constant 0 : i32
    %dma_wait3A_47 = tpu.memref_slice %arg4[%add3A, %dma_wait3A_45, %dma_wait3A_46] : memref<32x80x128xi32, #tpu.memory_space<hbm>> -> memref<1x80x128xi32, #tpu.memory_space<hbm>>
    %dma_wait3A_48 = tpu.memref_squeeze %dma_wait3A_47 : memref<1x80x128xi32, #tpu.memory_space<hbm>> -> memref<80x128xi32, #tpu.memory_space<hbm>>
    tpu.wait_dma2 semaphore(%arg14 : memref<!tpu.dma_semaphore, #tpu.memory_space<semaphore_mem>>) src(%dma_wait3A_48 : memref<80x128xi32, #tpu.memory_space<hbm>>) dst(%arg7 : memref<80x128xi32, #tpu.memory_space<vmem>>)
    %dma_start3A_49 = arith.constant 0 : i32
    %dma_start3A_50 = arith.constant 0 : i32
    %dma_start3A_51 = tpu.memref_slice %arg6[%dma_start3A_49, %dma_start3A_50] : memref<80x128xi32, #tpu.memory_space<vmem>> -> memref<1x128xi32, #tpu.memory_space<vmem>>
    %dma_start3A_52 = tpu.memref_squeeze %dma_start3A_51 : memref<1x128xi32, #tpu.memory_space<vmem>> -> memref<128xi32, #tpu.memory_space<vmem>>
    %dma_start3A_53 = arith.constant 0 : i32
    %dma_start3A_54 = arith.constant 0 : i32
    %dma_start3A_55 = tpu.memref_slice %arg2[%dma_start3A_53, %dma_start3A_54] : memref<10000x64xf32, #tpu.memory_space<hbm>> -> memref<10000x64xf32, #tpu.memory_space<hbm>>
    tpu.enqueue_indirect_dma source(%dma_start3A_55 : memref<10000x64xf32, #tpu.memory_space<hbm>>) target(%arg8 : memref<128x64xf32, #tpu.memory_space<vmem>>) offsets(%dma_start3A_52 : memref<128xi32, #tpu.memory_space<vmem>>) semaphore(%arg13 : memref<!tpu.dma_semaphore, #tpu.memory_space<semaphore_mem>>)
    %dma_start3A_56 = arith.constant 1 : i32
    %dma_start3A_57 = arith.constant 0 : i32
    %dma_start3A_58 = tpu.memref_slice %arg6[%dma_start3A_56, %dma_start3A_57] : memref<80x128xi32, #tpu.memory_space<vmem>> -> memref<1x128xi32, #tpu.memory_space<vmem>>
    %dma_start3A_59 = tpu.memref_squeeze %dma_start3A_58 : memref<1x128xi32, #tpu.memory_space<vmem>> -> memref<128xi32, #tpu.memory_space<vmem>>
    %dma_start3A_60 = arith.constant 0 : i32
    %dma_start3A_61 = arith.constant 0 : i32
    %dma_start3A_62 = tpu.memref_slice %arg2[%dma_start3A_60, %dma_start3A_61] : memref<10000x64xf32, #tpu.memory_space<hbm>> -> memref<10000x64xf32, #tpu.memory_space<hbm>>
    tpu.enqueue_indirect_dma source(%dma_start3A_62 : memref<10000x64xf32, #tpu.memory_space<hbm>>) target(%arg9 : memref<128x64xf32, #tpu.memory_space<vmem>>) offsets(%dma_start3A_59 : memref<128xi32, #tpu.memory_space<vmem>>) semaphore(%arg14 : memref<!tpu.dma_semaphore, #tpu.memory_space<semaphore_mem>>)
    %dma_start3A_63 = arith.constant 2 : i32
    %dma_start3A_64 = arith.constant 0 : i32
    %dma_start3A_65 = tpu.memref_slice %arg6[%dma_start3A_63, %dma_start3A_64] : memref<80x128xi32, #tpu.memory_space<vmem>> -> memref<1x128xi32, #tpu.memory_space<vmem>>
    %dma_start3A_66 = tpu.memref_squeeze %dma_start3A_65 : memref<1x128xi32, #tpu.memory_space<vmem>> -> memref<128xi32, #tpu.memory_space<vmem>>
    %dma_start3A_67 = arith.constant 0 : i32
    %dma_start3A_68 = arith.constant 0 : i32
    %dma_start3A_69 = tpu.memref_slice %arg2[%dma_start3A_67, %dma_start3A_68] : memref<10000x64xf32, #tpu.memory_space<hbm>> -> memref<10000x64xf32, #tpu.memory_space<hbm>>
    tpu.enqueue_indirect_dma source(%dma_start3A_69 : memref<10000x64xf32, #tpu.memory_space<hbm>>) target(%arg10 : memref<128x64xf32, #tpu.memory_space<vmem>>) offsets(%dma_start3A_66 : memref<128xi32, #tpu.memory_space<vmem>>) semaphore(%arg15 : memref<!tpu.dma_semaphore, #tpu.memory_space<semaphore_mem>>)
    %dma_start3A_70 = arith.constant 3 : i32
    %dma_start3A_71 = arith.constant 0 : i32
    %dma_start3A_72 = tpu.memref_slice %arg6[%dma_start3A_70, %dma_start3A_71] : memref<80x128xi32, #tpu.memory_space<vmem>> -> memref<1x128xi32, #tpu.memory_space<vmem>>
    %dma_start3A_73 = tpu.memref_squeeze %dma_start3A_72 : memref<1x128xi32, #tpu.memory_space<vmem>> -> memref<128xi32, #tpu.memory_space<vmem>>
    %dma_start3A_74 = arith.constant 0 : i32
    %dma_start3A_75 = arith.constant 0 : i32
    %dma_start3A_76 = tpu.memref_slice %arg2[%dma_start3A_74, %dma_start3A_75] : memref<10000x64xf32, #tpu.memory_space<hbm>> -> memref<10000x64xf32, #tpu.memory_space<hbm>>
    tpu.enqueue_indirect_dma source(%dma_start3A_76 : memref<10000x64xf32, #tpu.memory_space<hbm>>) target(%arg11 : memref<128x64xf32, #tpu.memory_space<vmem>>) offsets(%dma_start3A_73 : memref<128xi32, #tpu.memory_space<vmem>>) semaphore(%arg16 : memref<!tpu.dma_semaphore, #tpu.memory_space<semaphore_mem>>)
    %barrier3A = arith.constant 0 : index
    tpu.barrier barrier_id(%barrier3A)
    %scan3A_77 = arith.constant 0 : i32
    %scan3A_78 = arith.constant 0 : i32
    %scan3A_79 = arith.constant 20 : i32
    %scan3A_80 = arith.addi %scan3A_78, %scan3A_79 : i32
    %scan3A_81 = arith.constant 1 : i32
    %scan3A_82 = scf.for %scan3A_85 = %scan3A_78 to %scan3A_80 step %scan3A_81 iter_args(%scan3A_86 = %scan3A_77) -> (i32)  : i32 {
      %mul3A_87 = arith.constant 4 : i32
      %mul3A_88 = arith.muli %mul3A_87, %scan3A_85 : i32
      %add3A_89 = arith.constant 0 : i32
      %add3A_90 = arith.addi %mul3A_88, %add3A_89 : i32
      %dma_wait3A_91 = arith.constant 0 : i32
      %dma_wait3A_92 = tpu.memref_slice %arg6[%add3A_90, %dma_wait3A_91] : memref<80x128xi32, #tpu.memory_space<vmem>> -> memref<1x128xi32, #tpu.memory_space<vmem>>
      %dma_wait3A_93 = tpu.memref_squeeze %dma_wait3A_92 : memref<1x128xi32, #tpu.memory_space<vmem>> -> memref<128xi32, #tpu.memory_space<vmem>>
      %dma_wait3A_94 = arith.constant 0 : i32
      %dma_wait3A_95 = arith.constant 0 : i32
      %dma_wait3A_96 = tpu.memref_slice %arg2[%dma_wait3A_94, %dma_wait3A_95] : memref<10000x64xf32, #tpu.memory_space<hbm>> -> memref<10000x64xf32, #tpu.memory_space<hbm>>
      tpu.wait_indirect_dma semaphore(%arg13 : memref<!tpu.dma_semaphore, #tpu.memory_space<semaphore_mem>>) src(%dma_wait3A_96 : memref<10000x64xf32, #tpu.memory_space<hbm>>) dst(%arg8 : memref<128x64xf32, #tpu.memory_space<vmem>>)
      "tpu.region"() ({
        %run_scoped3A = tpu.sem_alloc : memref<!tpu.dma_semaphore, #tpu.memory_space<semaphore_mem>>
        %dma_start3A_147 = arith.constant 0 : i32
        %dma_start3A_148 = tpu.memref_slice %arg7[%add3A_90, %dma_start3A_147] : memref<80x128xi32, #tpu.memory_space<vmem>> -> memref<1x128xi32, #tpu.memory_space<vmem>>
        %dma_start3A_149 = tpu.memref_squeeze %dma_start3A_148 : memref<1x128xi32, #tpu.memory_space<vmem>> -> memref<128xi32, #tpu.memory_space<vmem>>
        %dma_start3A_150 = arith.constant 0 : i32
        %dma_start3A_151 = arith.constant 0 : i32
        %dma_start3A_152 = tpu.memref_slice %arg12[%dma_start3A_150, %dma_start3A_151] : memref<10112x64xf32, #tpu.memory_space<vmem_shared>> -> memref<10112x64xf32, #tpu.memory_space<vmem_shared>>
        tpu.enqueue_indirect_dma source(%arg8 : memref<128x64xf32, #tpu.memory_space<vmem>>) target(%dma_start3A_152 : memref<10112x64xf32, #tpu.memory_space<vmem_shared>>) offsets(%dma_start3A_149 : memref<128xi32, #tpu.memory_space<vmem>>) semaphore(%run_scoped3A : memref<!tpu.dma_semaphore, #tpu.memory_space<semaphore_mem>>) {add = true}
        %dma_wait3A_153 = arith.constant 0 : i32
        %dma_wait3A_154 = tpu.memref_slice %arg7[%add3A_90, %dma_wait3A_153] : memref<80x128xi32, #tpu.memory_space<vmem>> -> memref<1x128xi32, #tpu.memory_space<vmem>>
        %dma_wait3A_155 = tpu.memref_squeeze %dma_wait3A_154 : memref<1x128xi32, #tpu.memory_space<vmem>> -> memref<128xi32, #tpu.memory_space<vmem>>
        %dma_wait3A_156 = arith.constant 0 : i32
        %dma_wait3A_157 = arith.constant 0 : i32
        %dma_wait3A_158 = tpu.memref_slice %arg12[%dma_wait3A_156, %dma_wait3A_157] : memref<10112x64xf32, #tpu.memory_space<vmem_shared>> -> memref<10112x64xf32, #tpu.memory_space<vmem_shared>>
        tpu.wait_indirect_dma semaphore(%run_scoped3A : memref<!tpu.dma_semaphore, #tpu.memory_space<semaphore_mem>>) src(%arg8 : memref<128x64xf32, #tpu.memory_space<vmem>>) dst(%dma_wait3A_158 : memref<10112x64xf32, #tpu.memory_space<vmem_shared>>)
        tpu.yield
      }) : () -> ()
      %add3A_97 = arith.constant 4 : i32
      %add3A_98 = arith.addi %add3A_90, %add3A_97 : i32
      %lt3A = arith.constant 80 : i32
      %lt3A_99 = arith.cmpi slt, %add3A_98, %lt3A : i32
      %convert_element_type3A = arith.extui %lt3A_99 : i1 to i32
      %cond3A = arith.constant 0 : i32
      %cond3A_100 = arith.cmpi ne, %convert_element_type3A, %cond3A : i32
      scf.if %cond3A_100 {
        %add3A_147 = arith.constant 4 : i32
        %add3A_148 = arith.addi %add3A_90, %add3A_147 : i32
        %dma_start3A_149 = arith.constant 0 : i32
        %dma_start3A_150 = tpu.memref_slice %arg6[%add3A_148, %dma_start3A_149] : memref<80x128xi32, #tpu.memory_space<vmem>> -> memref<1x128xi32, #tpu.memory_space<vmem>>
        %dma_start3A_151 = tpu.memref_squeeze %dma_start3A_150 : memref<1x128xi32, #tpu.memory_space<vmem>> -> memref<128xi32, #tpu.memory_space<vmem>>
        %dma_start3A_152 = arith.constant 0 : i32
        %dma_start3A_153 = arith.constant 0 : i32
        %dma_start3A_154 = tpu.memref_slice %arg2[%dma_start3A_152, %dma_start3A_153] : memref<10000x64xf32, #tpu.memory_space<hbm>> -> memref<10000x64xf32, #tpu.memory_space<hbm>>
        tpu.enqueue_indirect_dma source(%dma_start3A_154 : memref<10000x64xf32, #tpu.memory_space<hbm>>) target(%arg8 : memref<128x64xf32, #tpu.memory_space<vmem>>) offsets(%dma_start3A_151 : memref<128xi32, #tpu.memory_space<vmem>>) semaphore(%arg13 : memref<!tpu.dma_semaphore, #tpu.memory_space<semaphore_mem>>)
      } else {
      }
      %add3A_101 = arith.constant 1 : i32
      %add3A_102 = arith.addi %mul3A_88, %add3A_101 : i32
      %dma_wait3A_103 = arith.constant 0 : i32
      %dma_wait3A_104 = tpu.memref_slice %arg6[%add3A_102, %dma_wait3A_103] : memref<80x128xi32, #tpu.memory_space<vmem>> -> memref<1x128xi32, #tpu.memory_space<vmem>>
      %dma_wait3A_105 = tpu.memref_squeeze %dma_wait3A_104 : memref<1x128xi32, #tpu.memory_space<vmem>> -> memref<128xi32, #tpu.memory_space<vmem>>
      %dma_wait3A_106 = arith.constant 0 : i32
      %dma_wait3A_107 = arith.constant 0 : i32
      %dma_wait3A_108 = tpu.memref_slice %arg2[%dma_wait3A_106, %dma_wait3A_107] : memref<10000x64xf32, #tpu.memory_space<hbm>> -> memref<10000x64xf32, #tpu.memory_space<hbm>>
      tpu.wait_indirect_dma semaphore(%arg14 : memref<!tpu.dma_semaphore, #tpu.memory_space<semaphore_mem>>) src(%dma_wait3A_108 : memref<10000x64xf32, #tpu.memory_space<hbm>>) dst(%arg9 : memref<128x64xf32, #tpu.memory_space<vmem>>)
      "tpu.region"() ({
        %run_scoped3A = tpu.sem_alloc : memref<!tpu.dma_semaphore, #tpu.memory_space<semaphore_mem>>
        %dma_start3A_147 = arith.constant 0 : i32
        %dma_start3A_148 = tpu.memref_slice %arg7[%add3A_102, %dma_start3A_147] : memref<80x128xi32, #tpu.memory_space<vmem>> -> memref<1x128xi32, #tpu.memory_space<vmem>>
        %dma_start3A_149 = tpu.memref_squeeze %dma_start3A_148 : memref<1x128xi32, #tpu.memory_space<vmem>> -> memref<128xi32, #tpu.memory_space<vmem>>
        %dma_start3A_150 = arith.constant 0 : i32
        %dma_start3A_151 = arith.constant 0 : i32
        %dma_start3A_152 = tpu.memref_slice %arg12[%dma_start3A_150, %dma_start3A_151] : memref<10112x64xf32, #tpu.memory_space<vmem_shared>> -> memref<10112x64xf32, #tpu.memory_space<vmem_shared>>
        tpu.enqueue_indirect_dma source(%arg9 : memref<128x64xf32, #tpu.memory_space<vmem>>) target(%dma_start3A_152 : memref<10112x64xf32, #tpu.memory_space<vmem_shared>>) offsets(%dma_start3A_149 : memref<128xi32, #tpu.memory_space<vmem>>) semaphore(%run_scoped3A : memref<!tpu.dma_semaphore, #tpu.memory_space<semaphore_mem>>) {add = true}
        %dma_wait3A_153 = arith.constant 0 : i32
        %dma_wait3A_154 = tpu.memref_slice %arg7[%add3A_102, %dma_wait3A_153] : memref<80x128xi32, #tpu.memory_space<vmem>> -> memref<1x128xi32, #tpu.memory_space<vmem>>
        %dma_wait3A_155 = tpu.memref_squeeze %dma_wait3A_154 : memref<1x128xi32, #tpu.memory_space<vmem>> -> memref<128xi32, #tpu.memory_space<vmem>>
        %dma_wait3A_156 = arith.constant 0 : i32
        %dma_wait3A_157 = arith.constant 0 : i32
        %dma_wait3A_158 = tpu.memref_slice %arg12[%dma_wait3A_156, %dma_wait3A_157] : memref<10112x64xf32, #tpu.memory_space<vmem_shared>> -> memref<10112x64xf32, #tpu.memory_space<vmem_shared>>
        tpu.wait_indirect_dma semaphore(%run_scoped3A : memref<!tpu.dma_semaphore, #tpu.memory_space<semaphore_mem>>) src(%arg9 : memref<128x64xf32, #tpu.memory_space<vmem>>) dst(%dma_wait3A_158 : memref<10112x64xf32, #tpu.memory_space<vmem_shared>>)
        tpu.yield
      }) : () -> ()
      %add3A_109 = arith.constant 4 : i32
      %add3A_110 = arith.addi %add3A_102, %add3A_109 : i32
      %lt3A_111 = arith.constant 80 : i32
      %lt3A_112 = arith.cmpi slt, %add3A_110, %lt3A_111 : i32
      %convert_element_type3A_113 = arith.extui %lt3A_112 : i1 to i32
      %cond3A_114 = arith.constant 0 : i32
      %cond3A_115 = arith.cmpi ne, %convert_element_type3A_113, %cond3A_114 : i32
      scf.if %cond3A_115 {
        %add3A_147 = arith.constant 4 : i32
        %add3A_148 = arith.addi %add3A_102, %add3A_147 : i32
        %dma_start3A_149 = arith.constant 0 : i32
        %dma_start3A_150 = tpu.memref_slice %arg6[%add3A_148, %dma_start3A_149] : memref<80x128xi32, #tpu.memory_space<vmem>> -> memref<1x128xi32, #tpu.memory_space<vmem>>
        %dma_start3A_151 = tpu.memref_squeeze %dma_start3A_150 : memref<1x128xi32, #tpu.memory_space<vmem>> -> memref<128xi32, #tpu.memory_space<vmem>>
        %dma_start3A_152 = arith.constant 0 : i32
        %dma_start3A_153 = arith.constant 0 : i32
        %dma_start3A_154 = tpu.memref_slice %arg2[%dma_start3A_152, %dma_start3A_153] : memref<10000x64xf32, #tpu.memory_space<hbm>> -> memref<10000x64xf32, #tpu.memory_space<hbm>>
        tpu.enqueue_indirect_dma source(%dma_start3A_154 : memref<10000x64xf32, #tpu.memory_space<hbm>>) target(%arg9 : memref<128x64xf32, #tpu.memory_space<vmem>>) offsets(%dma_start3A_151 : memref<128xi32, #tpu.memory_space<vmem>>) semaphore(%arg14 : memref<!tpu.dma_semaphore, #tpu.memory_space<semaphore_mem>>)
      } else {
      }
      %add3A_116 = arith.constant 2 : i32
      %add3A_117 = arith.addi %mul3A_88, %add3A_116 : i32
      %dma_wait3A_118 = arith.constant 0 : i32
      %dma_wait3A_119 = tpu.memref_slice %arg6[%add3A_117, %dma_wait3A_118] : memref<80x128xi32, #tpu.memory_space<vmem>> -> memref<1x128xi32, #tpu.memory_space<vmem>>
      %dma_wait3A_120 = tpu.memref_squeeze %dma_wait3A_119 : memref<1x128xi32, #tpu.memory_space<vmem>> -> memref<128xi32, #tpu.memory_space<vmem>>
      %dma_wait3A_121 = arith.constant 0 : i32
      %dma_wait3A_122 = arith.constant 0 : i32
      %dma_wait3A_123 = tpu.memref_slice %arg2[%dma_wait3A_121, %dma_wait3A_122] : memref<10000x64xf32, #tpu.memory_space<hbm>> -> memref<10000x64xf32, #tpu.memory_space<hbm>>
      tpu.wait_indirect_dma semaphore(%arg15 : memref<!tpu.dma_semaphore, #tpu.memory_space<semaphore_mem>>) src(%dma_wait3A_123 : memref<10000x64xf32, #tpu.memory_space<hbm>>) dst(%arg10 : memref<128x64xf32, #tpu.memory_space<vmem>>)
      "tpu.region"() ({
        %run_scoped3A = tpu.sem_alloc : memref<!tpu.dma_semaphore, #tpu.memory_space<semaphore_mem>>
        %dma_start3A_147 = arith.constant 0 : i32
        %dma_start3A_148 = tpu.memref_slice %arg7[%add3A_117, %dma_start3A_147] : memref<80x128xi32, #tpu.memory_space<vmem>> -> memref<1x128xi32, #tpu.memory_space<vmem>>
        %dma_start3A_149 = tpu.memref_squeeze %dma_start3A_148 : memref<1x128xi32, #tpu.memory_space<vmem>> -> memref<128xi32, #tpu.memory_space<vmem>>
        %dma_start3A_150 = arith.constant 0 : i32
        %dma_start3A_151 = arith.constant 0 : i32
        %dma_start3A_152 = tpu.memref_slice %arg12[%dma_start3A_150, %dma_start3A_151] : memref<10112x64xf32, #tpu.memory_space<vmem_shared>> -> memref<10112x64xf32, #tpu.memory_space<vmem_shared>>
        tpu.enqueue_indirect_dma source(%arg10 : memref<128x64xf32, #tpu.memory_space<vmem>>) target(%dma_start3A_152 : memref<10112x64xf32, #tpu.memory_space<vmem_shared>>) offsets(%dma_start3A_149 : memref<128xi32, #tpu.memory_space<vmem>>) semaphore(%run_scoped3A : memref<!tpu.dma_semaphore, #tpu.memory_space<semaphore_mem>>) {add = true}
        %dma_wait3A_153 = arith.constant 0 : i32
        %dma_wait3A_154 = tpu.memref_slice %arg7[%add3A_117, %dma_wait3A_153] : memref<80x128xi32, #tpu.memory_space<vmem>> -> memref<1x128xi32, #tpu.memory_space<vmem>>
        %dma_wait3A_155 = tpu.memref_squeeze %dma_wait3A_154 : memref<1x128xi32, #tpu.memory_space<vmem>> -> memref<128xi32, #tpu.memory_space<vmem>>
        %dma_wait3A_156 = arith.constant 0 : i32
        %dma_wait3A_157 = arith.constant 0 : i32
        %dma_wait3A_158 = tpu.memref_slice %arg12[%dma_wait3A_156, %dma_wait3A_157] : memref<10112x64xf32, #tpu.memory_space<vmem_shared>> -> memref<10112x64xf32, #tpu.memory_space<vmem_shared>>
        tpu.wait_indirect_dma semaphore(%run_scoped3A : memref<!tpu.dma_semaphore, #tpu.memory_space<semaphore_mem>>) src(%arg10 : memref<128x64xf32, #tpu.memory_space<vmem>>) dst(%dma_wait3A_158 : memref<10112x64xf32, #tpu.memory_space<vmem_shared>>)
        tpu.yield
      }) : () -> ()
      %add3A_124 = arith.constant 4 : i32
      %add3A_125 = arith.addi %add3A_117, %add3A_124 : i32
      %lt3A_126 = arith.constant 80 : i32
      %lt3A_127 = arith.cmpi slt, %add3A_125, %lt3A_126 : i32
      %convert_element_type3A_128 = arith.extui %lt3A_127 : i1 to i32
      %cond3A_129 = arith.constant 0 : i32
      %cond3A_130 = arith.cmpi ne, %convert_element_type3A_128, %cond3A_129 : i32
      scf.if %cond3A_130 {
        %add3A_147 = arith.constant 4 : i32
        %add3A_148 = arith.addi %add3A_117, %add3A_147 : i32
        %dma_start3A_149 = arith.constant 0 : i32
        %dma_start3A_150 = tpu.memref_slice %arg6[%add3A_148, %dma_start3A_149] : memref<80x128xi32, #tpu.memory_space<vmem>> -> memref<1x128xi32, #tpu.memory_space<vmem>>
        %dma_start3A_151 = tpu.memref_squeeze %dma_start3A_150 : memref<1x128xi32, #tpu.memory_space<vmem>> -> memref<128xi32, #tpu.memory_space<vmem>>
        %dma_start3A_152 = arith.constant 0 : i32
        %dma_start3A_153 = arith.constant 0 : i32
        %dma_start3A_154 = tpu.memref_slice %arg2[%dma_start3A_152, %dma_start3A_153] : memref<10000x64xf32, #tpu.memory_space<hbm>> -> memref<10000x64xf32, #tpu.memory_space<hbm>>
        tpu.enqueue_indirect_dma source(%dma_start3A_154 : memref<10000x64xf32, #tpu.memory_space<hbm>>) target(%arg10 : memref<128x64xf32, #tpu.memory_space<vmem>>) offsets(%dma_start3A_151 : memref<128xi32, #tpu.memory_space<vmem>>) semaphore(%arg15 : memref<!tpu.dma_semaphore, #tpu.memory_space<semaphore_mem>>)
      } else {
      }
      %add3A_131 = arith.constant 3 : i32
      %add3A_132 = arith.addi %mul3A_88, %add3A_131 : i32
      %dma_wait3A_133 = arith.constant 0 : i32
      %dma_wait3A_134 = tpu.memref_slice %arg6[%add3A_132, %dma_wait3A_133] : memref<80x128xi32, #tpu.memory_space<vmem>> -> memref<1x128xi32, #tpu.memory_space<vmem>>
      %dma_wait3A_135 = tpu.memref_squeeze %dma_wait3A_134 : memref<1x128xi32, #tpu.memory_space<vmem>> -> memref<128xi32, #tpu.memory_space<vmem>>
      %dma_wait3A_136 = arith.constant 0 : i32
      %dma_wait3A_137 = arith.constant 0 : i32
      %dma_wait3A_138 = tpu.memref_slice %arg2[%dma_wait3A_136, %dma_wait3A_137] : memref<10000x64xf32, #tpu.memory_space<hbm>> -> memref<10000x64xf32, #tpu.memory_space<hbm>>
      tpu.wait_indirect_dma semaphore(%arg16 : memref<!tpu.dma_semaphore, #tpu.memory_space<semaphore_mem>>) src(%dma_wait3A_138 : memref<10000x64xf32, #tpu.memory_space<hbm>>) dst(%arg11 : memref<128x64xf32, #tpu.memory_space<vmem>>)
      "tpu.region"() ({
        %run_scoped3A = tpu.sem_alloc : memref<!tpu.dma_semaphore, #tpu.memory_space<semaphore_mem>>
        %dma_start3A_147 = arith.constant 0 : i32
        %dma_start3A_148 = tpu.memref_slice %arg7[%add3A_132, %dma_start3A_147] : memref<80x128xi32, #tpu.memory_space<vmem>> -> memref<1x128xi32, #tpu.memory_space<vmem>>
        %dma_start3A_149 = tpu.memref_squeeze %dma_start3A_148 : memref<1x128xi32, #tpu.memory_space<vmem>> -> memref<128xi32, #tpu.memory_space<vmem>>
        %dma_start3A_150 = arith.constant 0 : i32
        %dma_start3A_151 = arith.constant 0 : i32
        %dma_start3A_152 = tpu.memref_slice %arg12[%dma_start3A_150, %dma_start3A_151] : memref<10112x64xf32, #tpu.memory_space<vmem_shared>> -> memref<10112x64xf32, #tpu.memory_space<vmem_shared>>
        tpu.enqueue_indirect_dma source(%arg11 : memref<128x64xf32, #tpu.memory_space<vmem>>) target(%dma_start3A_152 : memref<10112x64xf32, #tpu.memory_space<vmem_shared>>) offsets(%dma_start3A_149 : memref<128xi32, #tpu.memory_space<vmem>>) semaphore(%run_scoped3A : memref<!tpu.dma_semaphore, #tpu.memory_space<semaphore_mem>>) {add = true}
        %dma_wait3A_153 = arith.constant 0 : i32
        %dma_wait3A_154 = tpu.memref_slice %arg7[%add3A_132, %dma_wait3A_153] : memref<80x128xi32, #tpu.memory_space<vmem>> -> memref<1x128xi32, #tpu.memory_space<vmem>>
        %dma_wait3A_155 = tpu.memref_squeeze %dma_wait3A_154 : memref<1x128xi32, #tpu.memory_space<vmem>> -> memref<128xi32, #tpu.memory_space<vmem>>
        %dma_wait3A_156 = arith.constant 0 : i32
        %dma_wait3A_157 = arith.constant 0 : i32
        %dma_wait3A_158 = tpu.memref_slice %arg12[%dma_wait3A_156, %dma_wait3A_157] : memref<10112x64xf32, #tpu.memory_space<vmem_shared>> -> memref<10112x64xf32, #tpu.memory_space<vmem_shared>>
        tpu.wait_indirect_dma semaphore(%run_scoped3A : memref<!tpu.dma_semaphore, #tpu.memory_space<semaphore_mem>>) src(%arg11 : memref<128x64xf32, #tpu.memory_space<vmem>>) dst(%dma_wait3A_158 : memref<10112x64xf32, #tpu.memory_space<vmem_shared>>)
        tpu.yield
      }) : () -> ()
      %add3A_139 = arith.constant 4 : i32
      %add3A_140 = arith.addi %add3A_132, %add3A_139 : i32
      %lt3A_141 = arith.constant 80 : i32
      %lt3A_142 = arith.cmpi slt, %add3A_140, %lt3A_141 : i32
      %convert_element_type3A_143 = arith.extui %lt3A_142 : i1 to i32
      %cond3A_144 = arith.constant 0 : i32
      %cond3A_145 = arith.cmpi ne, %convert_element_type3A_143, %cond3A_144 : i32
      scf.if %cond3A_145 {
        %add3A_147 = arith.constant 4 : i32
        %add3A_148 = arith.addi %add3A_132, %add3A_147 : i32
        %dma_start3A_149 = arith.constant 0 : i32
        %dma_start3A_150 = tpu.memref_slice %arg6[%add3A_148, %dma_start3A_149] : memref<80x128xi32, #tpu.memory_space<vmem>> -> memref<1x128xi32, #tpu.memory_space<vmem>>
        %dma_start3A_151 = tpu.memref_squeeze %dma_start3A_150 : memref<1x128xi32, #tpu.memory_space<vmem>> -> memref<128xi32, #tpu.memory_space<vmem>>
        %dma_start3A_152 = arith.constant 0 : i32
        %dma_start3A_153 = arith.constant 0 : i32
        %dma_start3A_154 = tpu.memref_slice %arg2[%dma_start3A_152, %dma_start3A_153] : memref<10000x64xf32, #tpu.memory_space<hbm>> -> memref<10000x64xf32, #tpu.memory_space<hbm>>
        tpu.enqueue_indirect_dma source(%dma_start3A_154 : memref<10000x64xf32, #tpu.memory_space<hbm>>) target(%arg11 : memref<128x64xf32, #tpu.memory_space<vmem>>) offsets(%dma_start3A_151 : memref<128xi32, #tpu.memory_space<vmem>>) semaphore(%arg16 : memref<!tpu.dma_semaphore, #tpu.memory_space<semaphore_mem>>)
      } else {
      }
      %scan3A_146 = arith.constant 0 : i32
      scf.yield %scan3A_146 : i32
    }
    %scan3A_83 = arith.constant 20 : i32
    %barrier3A_84 = arith.constant 0 : index
    tpu.barrier barrier_id(%barrier3A_84)
    "tpu.region"() ({
      %run_scoped3A = tpu.sem_alloc : memref<!tpu.dma_semaphore, #tpu.memory_space<semaphore_mem>>
      %dma_start3A_85 = arith.constant 0 : i32
      %dma_start3A_86 = tpu.memref_slice %arg5[%arg0, %mul3A_23, %dma_start3A_85] : memref<2x10112x64xf32, #tpu.memory_space<hbm>> -> memref<1x632x64xf32, #tpu.memory_space<hbm>>
      %dma_start3A_87 = tpu.memref_squeeze %dma_start3A_86 : memref<1x632x64xf32, #tpu.memory_space<hbm>> -> memref<632x64xf32, #tpu.memory_space<hbm>>
      %dma_start3A_88 = arith.constant 0 : i32
      %dma_start3A_89 = tpu.memref_slice %arg12[%mul3A_23, %dma_start3A_88] : memref<10112x64xf32, #tpu.memory_space<vmem_shared>> -> memref<632x64xf32, #tpu.memory_space<vmem_shared>>
      tpu.enqueue_dma source(%dma_start3A_89 : memref<632x64xf32, #tpu.memory_space<vmem_shared>>) target(%dma_start3A_87 : memref<632x64xf32, #tpu.memory_space<hbm>>) target_semaphore(%run_scoped3A : memref<!tpu.dma_semaphore, #tpu.memory_space<semaphore_mem>>)
      %dma_wait3A_90 = arith.constant 0 : i32
      %dma_wait3A_91 = tpu.memref_slice %arg5[%arg0, %mul3A_23, %dma_wait3A_90] : memref<2x10112x64xf32, #tpu.memory_space<hbm>> -> memref<1x632x64xf32, #tpu.memory_space<hbm>>
      %dma_wait3A_92 = tpu.memref_squeeze %dma_wait3A_91 : memref<1x632x64xf32, #tpu.memory_space<hbm>> -> memref<632x64xf32, #tpu.memory_space<hbm>>
      %dma_wait3A_93 = arith.constant 0 : i32
      %dma_wait3A_94 = tpu.memref_slice %arg12[%mul3A_23, %dma_wait3A_93] : memref<10112x64xf32, #tpu.memory_space<vmem_shared>> -> memref<632x64xf32, #tpu.memory_space<vmem_shared>>
      tpu.wait_dma2 semaphore(%run_scoped3A : memref<!tpu.dma_semaphore, #tpu.memory_space<semaphore_mem>>) src(%dma_wait3A_94 : memref<632x64xf32, #tpu.memory_space<vmem_shared>>) dst(%dma_wait3A_92 : memref<632x64xf32, #tpu.memory_space<hbm>>)
      tpu.yield
    }) : () -> ()
    return
  }
}

module attributes {stable_mosaic.version = 14 : i64} {
  func.func @_mlp_body(%arg0: i32, %arg1: memref<2000x128xf32, #tpu.memory_space<vmem>>, %arg2: memref<2x2000x128xf32, #tpu.memory_space<vmem>>, %arg3: memref<128x64xf32, #tpu.memory_space<vmem>>, %arg4: memref<1x64xf32, #tpu.memory_space<vmem>>, %arg5: memref<64x64xf32, #tpu.memory_space<vmem>>, %arg6: memref<1x64xf32, #tpu.memory_space<vmem>>, %arg7: memref<2000x64xf32, #tpu.memory_space<vmem>>) attributes {dimension_semantics = [#tpu.dimension_semantics<arbitrary>], iteration_bounds = array<i64: 5>, scalar_prefetch = 0 : i64, scratch_operands = 0 : i64, tpu.core_type = #tpu.core_type<tc>, window_params = [{transform_indices = @transform_0, window_bounds = array<i64: 2000, 128>}, {transform_indices = @transform_1, window_bounds = array<i64: 2, 2000, 128>}, {pipeline_mode = #tpu.pipeline_mode<synchronous>, transform_indices = @transform_2, window_bounds = array<i64: 128, 64>}, {pipeline_mode = #tpu.pipeline_mode<synchronous>, transform_indices = @transform_3, window_bounds = array<i64: 1, 64>}, {pipeline_mode = #tpu.pipeline_mode<synchronous>, transform_indices = @transform_4, window_bounds = array<i64: 64, 64>}, {pipeline_mode = #tpu.pipeline_mode<synchronous>, transform_indices = @transform_5, window_bounds = array<i64: 1, 64>}, {transform_indices = @transform_6, window_bounds = array<i64: 2000, 64>}]} {
    %get3A = arith.constant 0 : index
    %get3A_0 = arith.constant 0 : index
    %get3A_1 = vector.load %arg1[%get3A, %get3A_0] : memref<2000x128xf32, #tpu.memory_space<vmem>>, vector<2000x128xf32>
    %get3A_2 = arith.constant 0 : index
    %get3A_3 = arith.constant 0 : index
    %get3A_4 = arith.constant 0 : index
    %get3A_5 = vector.load %arg2[%get3A_2, %get3A_3, %get3A_4] : memref<2x2000x128xf32, #tpu.memory_space<vmem>>, vector<1x2000x128xf32>
    %get3A_6 = vector.shape_cast %get3A_5 : vector<1x2000x128xf32> to vector<2000x128xf32>
    %add3A = arith.addf %get3A_1, %get3A_6 : vector<2000x128xf32>
    %get3A_7 = arith.constant 1 : index
    %get3A_8 = arith.constant 0 : index
    %get3A_9 = arith.constant 0 : index
    %get3A_10 = vector.load %arg2[%get3A_7, %get3A_8, %get3A_9] : memref<2x2000x128xf32, #tpu.memory_space<vmem>>, vector<1x2000x128xf32>
    %get3A_11 = vector.shape_cast %get3A_10 : vector<1x2000x128xf32> to vector<2000x128xf32>
    %add3A_12 = arith.addf %add3A, %get3A_11 : vector<2000x128xf32>
    %get3A_13 = arith.constant 0 : index
    %get3A_14 = arith.constant 0 : index
    %get3A_15 = vector.load %arg3[%get3A_13, %get3A_14] : memref<128x64xf32, #tpu.memory_space<vmem>>, vector<128x64xf32>
    %dot_general3A = arith.constant dense<0.000000e+00> : vector<2000x64xf32>
    %dot_general3A_16 = tpu.matmul %add3A_12, %get3A_15, %dot_general3A {dimension_numbers = #tpu.dot_dimension_numbers<[1], [0], [0], [1], [0, 0, 1, 1], [], []>, transpose_lhs_hint = false} : vector<2000x128xf32>, vector<128x64xf32>, vector<2000x64xf32> -> vector<2000x64xf32>
    %get3A_17 = arith.constant 0 : index
    %get3A_18 = arith.constant 0 : index
    %get3A_19 = vector.load %arg4[%get3A_17, %get3A_18] : memref<1x64xf32, #tpu.memory_space<vmem>>, vector<1x64xf32>
    %add3A_20 = vector.broadcast %get3A_19 : vector<1x64xf32> to vector<2000x64xf32>
    %add3A_21 = arith.addf %dot_general3A_16, %add3A_20 : vector<2000x64xf32>
    %max3A = arith.constant 0.000000e+00 : f32
    %max3A_22 = vector.broadcast %max3A : f32 to vector<2000x64xf32>
    %max3A_23 = arith.maximumf %add3A_21, %max3A_22 : vector<2000x64xf32>
    %get3A_24 = arith.constant 0 : index
    %get3A_25 = arith.constant 0 : index
    %get3A_26 = vector.load %arg5[%get3A_24, %get3A_25] : memref<64x64xf32, #tpu.memory_space<vmem>>, vector<64x64xf32>
    %dot_general3A_27 = arith.constant dense<0.000000e+00> : vector<2000x64xf32>
    %dot_general3A_28 = tpu.matmul %max3A_23, %get3A_26, %dot_general3A_27 {dimension_numbers = #tpu.dot_dimension_numbers<[1], [0], [0], [1], [0, 0, 1, 1], [], []>, transpose_lhs_hint = false} : vector<2000x64xf32>, vector<64x64xf32>, vector<2000x64xf32> -> vector<2000x64xf32>
    %get3A_29 = arith.constant 0 : index
    %get3A_30 = arith.constant 0 : index
    %get3A_31 = vector.load %arg6[%get3A_29, %get3A_30] : memref<1x64xf32, #tpu.memory_space<vmem>>, vector<1x64xf32>
    %add3A_32 = vector.broadcast %get3A_31 : vector<1x64xf32> to vector<2000x64xf32>
    %add3A_33 = arith.addf %dot_general3A_28, %add3A_32 : vector<2000x64xf32>
    %max3A_34 = arith.constant 0.000000e+00 : f32
    %max3A_35 = vector.broadcast %max3A_34 : f32 to vector<2000x64xf32>
    %max3A_36 = arith.maximumf %add3A_33, %max3A_35 : vector<2000x64xf32>
    %swap3A = arith.constant 0 : index
    %swap3A_37 = arith.constant 0 : index
    %swap3A_38 = vector.load %arg7[%swap3A, %swap3A_37] : memref<2000x64xf32, #tpu.memory_space<vmem>>, vector<2000x64xf32>
    tpu.vector_store %arg7[%swap3A, %swap3A_37], %max3A_36 {strides = array<i32>} : memref<2000x64xf32, #tpu.memory_space<vmem>>, vector<2000x64xf32>,
    return
  }
  func.func @transform_0(%arg0: i32) -> (i32, i32) {
    %c0_i32 = arith.constant 0 : i32
    %c0_i32_0 = arith.constant 0 : i32
    return %arg0, %c0_i32 : i32, i32
  }
  func.func @transform_1(%arg0: i32) -> (i32, i32, i32) {
    %c0_i32 = arith.constant 0 : i32
    %c0_i32_0 = arith.constant 0 : i32
    %c0_i32_1 = arith.constant 0 : i32
    return %c0_i32, %arg0, %c0_i32_0 : i32, i32, i32
  }
  func.func @transform_2(%arg0: i32) -> (i32, i32) {
    %c0_i32 = arith.constant 0 : i32
    %c0_i32_0 = arith.constant 0 : i32
    %c0_i32_1 = arith.constant 0 : i32
    return %c0_i32, %c0_i32_0 : i32, i32
  }
  func.func @transform_3(%arg0: i32) -> (i32, i32) {
    %c0_i32 = arith.constant 0 : i32
    %c0_i32_0 = arith.constant 0 : i32
    %c0_i32_1 = arith.constant 0 : i32
    return %c0_i32, %c0_i32_0 : i32, i32
  }
  func.func @transform_4(%arg0: i32) -> (i32, i32) {
    %c0_i32 = arith.constant 0 : i32
    %c0_i32_0 = arith.constant 0 : i32
    %c0_i32_1 = arith.constant 0 : i32
    return %c0_i32, %c0_i32_0 : i32, i32
  }
  func.func @transform_5(%arg0: i32) -> (i32, i32) {
    %c0_i32 = arith.constant 0 : i32
    %c0_i32_0 = arith.constant 0 : i32
    %c0_i32_1 = arith.constant 0 : i32
    return %c0_i32, %c0_i32_0 : i32, i32
  }
  func.func @transform_6(%arg0: i32) -> (i32, i32) {
    %c0_i32 = arith.constant 0 : i32
    %c0_i32_0 = arith.constant 0 : i32
    return %arg0, %c0_i32 : i32, i32
  }
}

module attributes {stable_mosaic.version = 14 : i64} {
  func.func @_mlp_body(%arg0: i32, %arg1: memref<2000x64xf32, #tpu.memory_space<vmem>>, %arg2: memref<2x2000x64xf32, #tpu.memory_space<vmem>>, %arg3: memref<64x64xf32, #tpu.memory_space<vmem>>, %arg4: memref<1x64xf32, #tpu.memory_space<vmem>>, %arg5: memref<64x64xf32, #tpu.memory_space<vmem>>, %arg6: memref<1x64xf32, #tpu.memory_space<vmem>>, %arg7: memref<2000x64xf32, #tpu.memory_space<vmem>>) attributes {dimension_semantics = [#tpu.dimension_semantics<arbitrary>], iteration_bounds = array<i64: 5>, scalar_prefetch = 0 : i64, scratch_operands = 0 : i64, tpu.core_type = #tpu.core_type<tc>, window_params = [{transform_indices = @transform_0, window_bounds = array<i64: 2000, 64>}, {transform_indices = @transform_1, window_bounds = array<i64: 2, 2000, 64>}, {pipeline_mode = #tpu.pipeline_mode<synchronous>, transform_indices = @transform_2, window_bounds = array<i64: 64, 64>}, {pipeline_mode = #tpu.pipeline_mode<synchronous>, transform_indices = @transform_3, window_bounds = array<i64: 1, 64>}, {pipeline_mode = #tpu.pipeline_mode<synchronous>, transform_indices = @transform_4, window_bounds = array<i64: 64, 64>}, {pipeline_mode = #tpu.pipeline_mode<synchronous>, transform_indices = @transform_5, window_bounds = array<i64: 1, 64>}, {transform_indices = @transform_6, window_bounds = array<i64: 2000, 64>}]} {
    %get3A = arith.constant 0 : index
    %get3A_0 = arith.constant 0 : index
    %get3A_1 = vector.load %arg1[%get3A, %get3A_0] : memref<2000x64xf32, #tpu.memory_space<vmem>>, vector<2000x64xf32>
    %get3A_2 = arith.constant 0 : index
    %get3A_3 = arith.constant 0 : index
    %get3A_4 = arith.constant 0 : index
    %get3A_5 = vector.load %arg2[%get3A_2, %get3A_3, %get3A_4] : memref<2x2000x64xf32, #tpu.memory_space<vmem>>, vector<1x2000x64xf32>
    %get3A_6 = vector.shape_cast %get3A_5 : vector<1x2000x64xf32> to vector<2000x64xf32>
    %add3A = arith.addf %get3A_1, %get3A_6 : vector<2000x64xf32>
    %get3A_7 = arith.constant 1 : index
    %get3A_8 = arith.constant 0 : index
    %get3A_9 = arith.constant 0 : index
    %get3A_10 = vector.load %arg2[%get3A_7, %get3A_8, %get3A_9] : memref<2x2000x64xf32, #tpu.memory_space<vmem>>, vector<1x2000x64xf32>
    %get3A_11 = vector.shape_cast %get3A_10 : vector<1x2000x64xf32> to vector<2000x64xf32>
    %add3A_12 = arith.addf %add3A, %get3A_11 : vector<2000x64xf32>
    %get3A_13 = arith.constant 0 : index
    %get3A_14 = arith.constant 0 : index
    %get3A_15 = vector.load %arg3[%get3A_13, %get3A_14] : memref<64x64xf32, #tpu.memory_space<vmem>>, vector<64x64xf32>
    %dot_general3A = arith.constant dense<0.000000e+00> : vector<2000x64xf32>
    %dot_general3A_16 = tpu.matmul %add3A_12, %get3A_15, %dot_general3A {dimension_numbers = #tpu.dot_dimension_numbers<[1], [0], [0], [1], [0, 0, 1, 1], [], []>, transpose_lhs_hint = false} : vector<2000x64xf32>, vector<64x64xf32>, vector<2000x64xf32> -> vector<2000x64xf32>
    %get3A_17 = arith.constant 0 : index
    %get3A_18 = arith.constant 0 : index
    %get3A_19 = vector.load %arg4[%get3A_17, %get3A_18] : memref<1x64xf32, #tpu.memory_space<vmem>>, vector<1x64xf32>
    %add3A_20 = vector.broadcast %get3A_19 : vector<1x64xf32> to vector<2000x64xf32>
    %add3A_21 = arith.addf %dot_general3A_16, %add3A_20 : vector<2000x64xf32>
    %max3A = arith.constant 0.000000e+00 : f32
    %max3A_22 = vector.broadcast %max3A : f32 to vector<2000x64xf32>
    %max3A_23 = arith.maximumf %add3A_21, %max3A_22 : vector<2000x64xf32>
    %get3A_24 = arith.constant 0 : index
    %get3A_25 = arith.constant 0 : index
    %get3A_26 = vector.load %arg5[%get3A_24, %get3A_25] : memref<64x64xf32, #tpu.memory_space<vmem>>, vector<64x64xf32>
    %dot_general3A_27 = arith.constant dense<0.000000e+00> : vector<2000x64xf32>
    %dot_general3A_28 = tpu.matmul %max3A_23, %get3A_26, %dot_general3A_27 {dimension_numbers = #tpu.dot_dimension_numbers<[1], [0], [0], [1], [0, 0, 1, 1], [], []>, transpose_lhs_hint = false} : vector<2000x64xf32>, vector<64x64xf32>, vector<2000x64xf32> -> vector<2000x64xf32>
    %get3A_29 = arith.constant 0 : index
    %get3A_30 = arith.constant 0 : index
    %get3A_31 = vector.load %arg6[%get3A_29, %get3A_30] : memref<1x64xf32, #tpu.memory_space<vmem>>, vector<1x64xf32>
    %add3A_32 = vector.broadcast %get3A_31 : vector<1x64xf32> to vector<2000x64xf32>
    %add3A_33 = arith.addf %dot_general3A_28, %add3A_32 : vector<2000x64xf32>
    %max3A_34 = arith.constant 0.000000e+00 : f32
    %max3A_35 = vector.broadcast %max3A_34 : f32 to vector<2000x64xf32>
    %max3A_36 = arith.maximumf %add3A_33, %max3A_35 : vector<2000x64xf32>
    %swap3A = arith.constant 0 : index
    %swap3A_37 = arith.constant 0 : index
    %swap3A_38 = vector.load %arg7[%swap3A, %swap3A_37] : memref<2000x64xf32, #tpu.memory_space<vmem>>, vector<2000x64xf32>
    tpu.vector_store %arg7[%swap3A, %swap3A_37], %max3A_36 {strides = array<i32>} : memref<2000x64xf32, #tpu.memory_space<vmem>>, vector<2000x64xf32>,
    return
  }
  func.func @transform_0(%arg0: i32) -> (i32, i32) {
    %c0_i32 = arith.constant 0 : i32
    %c0_i32_0 = arith.constant 0 : i32
    return %arg0, %c0_i32 : i32, i32
  }
  func.func @transform_1(%arg0: i32) -> (i32, i32, i32) {
    %c0_i32 = arith.constant 0 : i32
    %c0_i32_0 = arith.constant 0 : i32
    %c0_i32_1 = arith.constant 0 : i32
    return %c0_i32, %arg0, %c0_i32_0 : i32, i32, i32
  }
  func.func @transform_2(%arg0: i32) -> (i32, i32) {
    %c0_i32 = arith.constant 0 : i32
    %c0_i32_0 = arith.constant 0 : i32
    %c0_i32_1 = arith.constant 0 : i32
    return %c0_i32, %c0_i32_0 : i32, i32
  }
  func.func @transform_3(%arg0: i32) -> (i32, i32) {
    %c0_i32 = arith.constant 0 : i32
    %c0_i32_0 = arith.constant 0 : i32
    %c0_i32_1 = arith.constant 0 : i32
    return %c0_i32, %c0_i32_0 : i32, i32
  }
  func.func @transform_4(%arg0: i32) -> (i32, i32) {
    %c0_i32 = arith.constant 0 : i32
    %c0_i32_0 = arith.constant 0 : i32
    %c0_i32_1 = arith.constant 0 : i32
    return %c0_i32, %c0_i32_0 : i32, i32
  }
  func.func @transform_5(%arg0: i32) -> (i32, i32) {
    %c0_i32 = arith.constant 0 : i32
    %c0_i32_0 = arith.constant 0 : i32
    %c0_i32_1 = arith.constant 0 : i32
    return %c0_i32, %c0_i32_0 : i32, i32
  }
  func.func @transform_6(%arg0: i32) -> (i32, i32) {
    %c0_i32 = arith.constant 0 : i32
    %c0_i32_0 = arith.constant 0 : i32
    return %arg0, %c0_i32 : i32, i32
  }
}

module attributes {stable_mosaic.version = 14 : i64} {
  func.func @body(%arg0: i32, %arg1: memref<2000x64xf32, #tpu.memory_space<vmem>>, %arg2: memref<2x2000x64xf32, #tpu.memory_space<vmem>>, %arg3: memref<64x64xf32, #tpu.memory_space<vmem>>, %arg4: memref<1x64xf32, #tpu.memory_space<vmem>>, %arg5: memref<64x64xf32, #tpu.memory_space<vmem>>, %arg6: memref<1x64xf32, #tpu.memory_space<vmem>>, %arg7: memref<64x1xf32, #tpu.memory_space<vmem>>, %arg8: memref<1x1xf32, #tpu.memory_space<vmem>>, %arg9: memref<2000x1xi32, #tpu.memory_space<vmem>>, %arg10: memref<64x1xf32, #tpu.memory_space<vmem>>, %arg11: memref<64x64xf32, #tpu.memory_space<vmem>>) attributes {dimension_semantics = [#tpu.dimension_semantics<arbitrary>], iteration_bounds = array<i64: 5>, scalar_prefetch = 0 : i64, scratch_operands = 1 : i64, tpu.core_type = #tpu.core_type<tc>, window_params = [{transform_indices = @transform_0, window_bounds = array<i64: 2000, 64>}, {transform_indices = @transform_1, window_bounds = array<i64: 2, 2000, 64>}, {pipeline_mode = #tpu.pipeline_mode<synchronous>, transform_indices = @transform_2, window_bounds = array<i64: 64, 64>}, {pipeline_mode = #tpu.pipeline_mode<synchronous>, transform_indices = @transform_3, window_bounds = array<i64: 1, 64>}, {pipeline_mode = #tpu.pipeline_mode<synchronous>, transform_indices = @transform_4, window_bounds = array<i64: 64, 64>}, {pipeline_mode = #tpu.pipeline_mode<synchronous>, transform_indices = @transform_5, window_bounds = array<i64: 1, 64>}, {pipeline_mode = #tpu.pipeline_mode<synchronous>, transform_indices = @transform_6, window_bounds = array<i64: 64, 1>}, {pipeline_mode = #tpu.pipeline_mode<synchronous>, transform_indices = @transform_7, window_bounds = array<i64: 1, 1>}, {transform_indices = @transform_8, window_bounds = array<i64: 2000, 1>}, {pipeline_mode = #tpu.pipeline_mode<synchronous>, transform_indices = @transform_9, window_bounds = array<i64: 64, 1>}]} {
    %get3A = arith.constant 0 : index
    %get3A_0 = arith.constant 0 : index
    %get3A_1 = vector.load %arg1[%get3A, %get3A_0] : memref<2000x64xf32, #tpu.memory_space<vmem>>, vector<2000x64xf32>
    %get3A_2 = arith.constant 0 : index
    %get3A_3 = arith.constant 0 : index
    %get3A_4 = arith.constant 0 : index
    %get3A_5 = vector.load %arg2[%get3A_2, %get3A_3, %get3A_4] : memref<2x2000x64xf32, #tpu.memory_space<vmem>>, vector<1x2000x64xf32>
    %get3A_6 = vector.shape_cast %get3A_5 : vector<1x2000x64xf32> to vector<2000x64xf32>
    %add3A = arith.addf %get3A_1, %get3A_6 : vector<2000x64xf32>
    %get3A_7 = arith.constant 1 : index
    %get3A_8 = arith.constant 0 : index
    %get3A_9 = arith.constant 0 : index
    %get3A_10 = vector.load %arg2[%get3A_7, %get3A_8, %get3A_9] : memref<2x2000x64xf32, #tpu.memory_space<vmem>>, vector<1x2000x64xf32>
    %get3A_11 = vector.shape_cast %get3A_10 : vector<1x2000x64xf32> to vector<2000x64xf32>
    %add3A_12 = arith.addf %add3A, %get3A_11 : vector<2000x64xf32>
    %get3A_13 = arith.constant 0 : index
    %get3A_14 = arith.constant 0 : index
    %get3A_15 = vector.load %arg3[%get3A_13, %get3A_14] : memref<64x64xf32, #tpu.memory_space<vmem>>, vector<64x64xf32>
    %dot_general3A = arith.constant dense<0.000000e+00> : vector<2000x64xf32>
    %dot_general3A_16 = tpu.matmul %add3A_12, %get3A_15, %dot_general3A {dimension_numbers = #tpu.dot_dimension_numbers<[1], [0], [0], [1], [0, 0, 1, 1], [], []>, transpose_lhs_hint = false} : vector<2000x64xf32>, vector<64x64xf32>, vector<2000x64xf32> -> vector<2000x64xf32>
    %get3A_17 = arith.constant 0 : index
    %get3A_18 = arith.constant 0 : index
    %get3A_19 = vector.load %arg4[%get3A_17, %get3A_18] : memref<1x64xf32, #tpu.memory_space<vmem>>, vector<1x64xf32>
    %add3A_20 = vector.broadcast %get3A_19 : vector<1x64xf32> to vector<2000x64xf32>
    %add3A_21 = arith.addf %dot_general3A_16, %add3A_20 : vector<2000x64xf32>
    %max3A = arith.constant 0.000000e+00 : f32
    %max3A_22 = vector.broadcast %max3A : f32 to vector<2000x64xf32>
    %max3A_23 = arith.maximumf %add3A_21, %max3A_22 : vector<2000x64xf32>
    %get3A_24 = arith.constant 0 : index
    %get3A_25 = arith.constant 0 : index
    %get3A_26 = vector.load %arg5[%get3A_24, %get3A_25] : memref<64x64xf32, #tpu.memory_space<vmem>>, vector<64x64xf32>
    %dot_general3A_27 = arith.constant dense<0.000000e+00> : vector<2000x64xf32>
    %dot_general3A_28 = tpu.matmul %max3A_23, %get3A_26, %dot_general3A_27 {dimension_numbers = #tpu.dot_dimension_numbers<[1], [0], [0], [1], [0, 0, 1, 1], [], []>, transpose_lhs_hint = false} : vector<2000x64xf32>, vector<64x64xf32>, vector<2000x64xf32> -> vector<2000x64xf32>
    %get3A_29 = arith.constant 0 : index
    %get3A_30 = arith.constant 0 : index
    %get3A_31 = vector.load %arg6[%get3A_29, %get3A_30] : memref<1x64xf32, #tpu.memory_space<vmem>>, vector<1x64xf32>
    %add3A_32 = vector.broadcast %get3A_31 : vector<1x64xf32> to vector<2000x64xf32>
    %add3A_33 = arith.addf %dot_general3A_28, %add3A_32 : vector<2000x64xf32>
    %max3A_34 = arith.constant 0.000000e+00 : f32
    %max3A_35 = vector.broadcast %max3A_34 : f32 to vector<2000x64xf32>
    %max3A_36 = arith.maximumf %add3A_33, %max3A_35 : vector<2000x64xf32>
    %iota3A = tpu.iota {dimensions = array<i32: 1>} : vector<2000x64xi32>
    %get3A_37 = arith.constant 0 : index
    %get3A_38 = arith.constant 0 : index
    %get3A_39 = vector.load %arg9[%get3A_37, %get3A_38] : memref<2000x1xi32, #tpu.memory_space<vmem>>, vector<2000x1xi32>
    %eq3A = vector.broadcast %get3A_39 : vector<2000x1xi32> to vector<2000x64xi32>
    %eq3A_40 = arith.cmpi eq, %eq3A, %iota3A : vector<2000x64xi32>
    %convert_element_type3A = arith.extui %eq3A_40 : vector<2000x64xi1> to vector<2000x64xi32>
    %convert_element_type3A_41 = arith.sitofp %convert_element_type3A : vector<2000x64xi32> to vector<2000x64xf32>
    %dot_general3A_42 = arith.constant dense<0.000000e+00> : vector<64x64xf32>
    %dot_general3A_43 = tpu.matmul %convert_element_type3A_41, %max3A_36, %dot_general3A_42 {dimension_numbers = #tpu.dot_dimension_numbers<[0], [0], [1], [1], [0, 1, 1, 1], [], []>, precision = #tpu.contract_precision<fp32>, transpose_lhs_hint = false} : vector<2000x64xf32>, vector<2000x64xf32>, vector<64x64xf32> -> vector<64x64xf32>
    %eq3A_44 = arith.constant 0 : i32
    %eq3A_45 = arith.cmpi eq, %arg0, %eq3A_44 : i32
    %convert_element_type3A_46 = arith.extui %eq3A_45 : i1 to i32
    %cond3A = arith.constant 0 : i32
    %cond3A_47 = arith.cmpi ne, %convert_element_type3A_46, %cond3A : i32
    scf.if %cond3A_47 {
      %swap3A = arith.constant 0 : index
      %swap3A_57 = arith.constant 0 : index
      %swap3A_58 = vector.load %arg11[%swap3A, %swap3A_57] : memref<64x64xf32, #tpu.memory_space<vmem>>, vector<64x64xf32>
      tpu.vector_store %arg11[%swap3A, %swap3A_57], %dot_general3A_43 {strides = array<i32>} : memref<64x64xf32, #tpu.memory_space<vmem>>, vector<64x64xf32>,
    } else {
    }
    %ne3A = arith.constant 0 : i32
    %ne3A_48 = arith.cmpi ne, %arg0, %ne3A : i32
    %convert_element_type3A_49 = arith.extui %ne3A_48 : i1 to i32
    %cond3A_50 = arith.constant 0 : i32
    %cond3A_51 = arith.cmpi ne, %convert_element_type3A_49, %cond3A_50 : i32
    scf.if %cond3A_51 {
      %get3A_57 = arith.constant 0 : index
      %get3A_58 = arith.constant 0 : index
      %get3A_59 = vector.load %arg11[%get3A_57, %get3A_58] : memref<64x64xf32, #tpu.memory_space<vmem>>, vector<64x64xf32>
      %add3A_60 = arith.addf %get3A_59, %dot_general3A_43 : vector<64x64xf32>
      %swap3A = arith.constant 0 : index
      %swap3A_61 = arith.constant 0 : index
      %swap3A_62 = vector.load %arg11[%swap3A, %swap3A_61] : memref<64x64xf32, #tpu.memory_space<vmem>>, vector<64x64xf32>
      tpu.vector_store %arg11[%swap3A, %swap3A_61], %add3A_60 {strides = array<i32>} : memref<64x64xf32, #tpu.memory_space<vmem>>, vector<64x64xf32>,
    } else {
    }
    %eq3A_52 = arith.constant 4 : i32
    %eq3A_53 = arith.cmpi eq, %arg0, %eq3A_52 : i32
    %convert_element_type3A_54 = arith.extui %eq3A_53 : i1 to i32
    %cond3A_55 = arith.constant 0 : i32
    %cond3A_56 = arith.cmpi ne, %convert_element_type3A_54, %cond3A_55 : i32
    scf.if %cond3A_56 {
      %get3A_57 = arith.constant 0 : index
      %get3A_58 = arith.constant 0 : index
      %get3A_59 = vector.load %arg11[%get3A_57, %get3A_58] : memref<64x64xf32, #tpu.memory_space<vmem>>, vector<64x64xf32>
      %get3A_60 = arith.constant 0 : index
      %get3A_61 = arith.constant 0 : index
      %get3A_62 = vector.load %arg7[%get3A_60, %get3A_61] : memref<64x1xf32, #tpu.memory_space<vmem>>, vector<64x1xf32>
      %dot_general3A_63 = arith.constant dense<0.000000e+00> : vector<64x1xf32>
      %dot_general3A_64 = tpu.matmul %get3A_59, %get3A_62, %dot_general3A_63 {dimension_numbers = #tpu.dot_dimension_numbers<[1], [0], [0], [1], [0, 0, 1, 1], [], []>, transpose_lhs_hint = false} : vector<64x64xf32>, vector<64x1xf32>, vector<64x1xf32> -> vector<64x1xf32>
      %get3A_65 = arith.constant 0 : index
      %get3A_66 = arith.constant 0 : index
      %get3A_67 = vector.load %arg8[%get3A_65, %get3A_66] : memref<1x1xf32, #tpu.memory_space<vmem>>, vector<1x1xf32>
      %add3A_68 = vector.broadcast %get3A_67 : vector<1x1xf32> to vector<64x1xf32>
      %add3A_69 = arith.addf %dot_general3A_64, %add3A_68 : vector<64x1xf32>
      %swap3A = arith.constant 0 : index
      %swap3A_70 = arith.constant 0 : index
      %swap3A_71 = vector.load %arg10[%swap3A, %swap3A_70] : memref<64x1xf32, #tpu.memory_space<vmem>>, vector<64x1xf32>
      tpu.vector_store %arg10[%swap3A, %swap3A_70], %add3A_69 {strides = array<i32>} : memref<64x1xf32, #tpu.memory_space<vmem>>, vector<64x1xf32>,
    } else {
    }
    return
  }
  func.func @transform_0(%arg0: i32) -> (i32, i32) {
    %c0_i32 = arith.constant 0 : i32
    %c0_i32_0 = arith.constant 0 : i32
    return %arg0, %c0_i32 : i32, i32
  }
  func.func @transform_1(%arg0: i32) -> (i32, i32, i32) {
    %c0_i32 = arith.constant 0 : i32
    %c0_i32_0 = arith.constant 0 : i32
    %c0_i32_1 = arith.constant 0 : i32
    return %c0_i32, %arg0, %c0_i32_0 : i32, i32, i32
  }
  func.func @transform_2(%arg0: i32) -> (i32, i32) {
    %c0_i32 = arith.constant 0 : i32
    %c0_i32_0 = arith.constant 0 : i32
    %c0_i32_1 = arith.constant 0 : i32
    return %c0_i32, %c0_i32_0 : i32, i32
  }
  func.func @transform_3(%arg0: i32) -> (i32, i32) {
    %c0_i32 = arith.constant 0 : i32
    %c0_i32_0 = arith.constant 0 : i32
    %c0_i32_1 = arith.constant 0 : i32
    return %c0_i32, %c0_i32_0 : i32, i32
  }
  func.func @transform_4(%arg0: i32) -> (i32, i32) {
    %c0_i32 = arith.constant 0 : i32
    %c0_i32_0 = arith.constant 0 : i32
    %c0_i32_1 = arith.constant 0 : i32
    return %c0_i32, %c0_i32_0 : i32, i32
  }
  func.func @transform_5(%arg0: i32) -> (i32, i32) {
    %c0_i32 = arith.constant 0 : i32
    %c0_i32_0 = arith.constant 0 : i32
    %c0_i32_1 = arith.constant 0 : i32
    return %c0_i32, %c0_i32_0 : i32, i32
  }
  func.func @transform_6(%arg0: i32) -> (i32, i32) {
    %c0_i32 = arith.constant 0 : i32
    %c0_i32_0 = arith.constant 0 : i32
    %c0_i32_1 = arith.constant 0 : i32
    return %c0_i32, %c0_i32_0 : i32, i32
  }
  func.func @transform_7(%arg0: i32) -> (i32, i32) {
    %c0_i32 = arith.constant 0 : i32
    %c0_i32_0 = arith.constant 0 : i32
    %c0_i32_1 = arith.constant 0 : i32
    return %c0_i32, %c0_i32_0 : i32, i32
  }
  func.func @transform_8(%arg0: i32) -> (i32, i32) {
    %c0_i32 = arith.constant 0 : i32
    %c0_i32_0 = arith.constant 0 : i32
    return %arg0, %c0_i32 : i32, i32
  }
  func.func @transform_9(%arg0: i32) -> (i32, i32) {
    %c0_i32 = arith.constant 0 : i32
    %c0_i32_0 = arith.constant 0 : i32
    %c0_i32_1 = arith.constant 0 : i32
    return %c0_i32, %c0_i32_0 : i32, i32
  }
}

</mosaic_0001>

<sc_bundles>
// kernel: kernel.11.cloned.1.call-start
scs
__scs_entry_jumppad:
0x0: {  	(pc) =	sbr.rel $0x88, $3  }
0x1: {  	(tag) =	ssettag $0x0;
	lr =	simm.s32 $0x1  }
0x2: {  	[smem:$0x3F90] =	sst lr;
	_ =	strace $0xD0000000  }
0x3: {  	_ = 	snop  }
0x4: {  	_ = 	snop  }
0x5: {  	_ = 	snop  }
0x6: {  	_ = 	snop  }
0x7: {  	_ = 	snop  }
__scs_overlays_trampoline_lowered:
0x8: {  	[smem:$0x3F9F] =	sst s0  }
0x9: {  	[smem:$0x3FA0] =	sst s1  }
0xa: {  	[smem:$0x3FA1] =	sst s2  }
0xb: {  	[smem:$0x3FA2] =	sst s3  }
0xc: {  	[smem:$0x3FA3] =	sst s4  }
0xd: {  	[smem:$0x3FA4] =	sst s5  }
0xe: {  	[smem:$0x3FA5] =	sst s6  }
0xf: {  	[smem:$0x3FA6] =	sst s7  }
0x10: {  	[smem:$0x3FA7] =	sst s8  }
0x11: {  	[smem:$0x3FA8] =	sst s9;
	s0 =	simm.s32 @!p0 $0x0  }
0x12: {  	s1 =	sld [smem:$0x3F8E];
	s0 =	simm.s32 @p0 $0x1  }
0x13: {  	[smem:$0x3FA9] =	sst s0;
	s0 =	simm.s32 @!p1 $0x0  }
0x14: {  	s2 =	sld [smem:$0x3F8D];
	s0 =	simm.s32 @p1 $0x1  }
0x15: {  	[smem:$0x3FAA] =	sst s0;
	s0 =	simm.s32 @!p2 $0x0  }
0x16: {  	s3 =	sld [smem:$0x3FDB];
	s0 =	simm.s32 @p2 $0x1  }
0x17: {  	s4 =	simm.s32 $0x1BF5;
	[smem:$0x3FAC] =	sst s0  }
0x18: {  	s0 =	sld [smem:$0x3F8F];
	_ =	swait.ge [sflag:s4], $0x0  }
0x19: {  	s7 =	sld [smem:$0x3F90]  }
0x1a: {  	s8 =	sadd.s32 $0xFFFFE003, lr  }
0x1b: {  	s9 =	sadd.s32 $0xFFFFFEF7, lr;
	s5 =	simm.s32 $0xFFFFFFFF;
	p2 =	slt.u32 s8, $0xFFFFF086  }
0x1c: {  	p1 =	slt.u32 s9, $0xF7A;
	s5 =	simm.s32 @!p2 $0x0  }
0x1d: {  	s5 =	simm.s32 @p1 $0x1;
	p0 =	seq.s32 s7, s2  }
0x1e: {  	s7 =	smul.u32 @!p0 $0xF7A, s2;
	p2 =	seq.s32 @!p0 s5, $0x0  }
0x1f: {  	s9 =	smul.u32 $0xF7A, s1;
	s8 =	simm.s32 @!p0 $0x1BF5;
	p2 =	por !p2, p0  }
0x20: {  	[sflag:s8] =	ssyncset.s32 @!p0 $0xFFFFF086;
	s6 =	sadd.s32 @!p0 s3, s7;
	s7 =	simm.s32 @!p0 $0x108  }
0x21: {  	s3 =	sadd.s32 s3, s9;
	s6 =	sadd.s32 @!p0 $0x88, s6;
	s7 =	simm.s32 @p2 $0x1082  }
0x22: {  	[simem:s7], [sflag:s8] =	dma.local @!p0 [hbm:s6], $0xF7A  }
0x23: {  	s9 =	sor.u32 $0xD0000000, s2;
	s6 =	simm.s32 $0x108;
	_ =	swait.ge @!p0 [sflag:s8], $0x0  }
0x24: {  	s3 =	sadd.s32 $0x88, s3;
	s6 =	simm.s32 @!p1 $0x1082;
	[sflag:s4] =	ssyncset.s32 $0xFFFFF086  }
0x25: {  	[simem:s6], [sflag:s4] =	dma.local [hbm:s3], $0xF7A  }
0x26: {  	[smem:$0x3F90] =	sst s1;
	(tag) =	ssettag s2;
	_ =	strace s9  }
0x27: {  	s1 =	sld [smem:$0x3FA0]  }
0x28: {  	s2 =	sld [smem:$0x3FA1]  }
0x29: {  	s4 =	sld [smem:$0x3FA3]  }
0x2a: {  	p0 =	seq.s32 s5, $0x0;
	s5 =	sld [smem:$0x3FA4]  }
0x2b: {  	s6 =	sld [smem:$0x3FA5]  }
0x2c: {  	s7 =	sld [smem:$0x3FA6]  }
0x2d: {  	s3 =	simm.s32 $0x108;
	s8 =	sld [smem:$0x3FA7]  }
0x2e: {  	s3 =	simm.s32 @!p0 $0x1082;
	s9 =	sld [smem:$0x3FA8]  }
0x2f: {  	lr =	sadd.s32 s0, s3;
	s0 =	sld [smem:$0x3F9F]  }
0x30: {  	s3 =	sld [smem:$0x3FA2]  }
0x31: {  	[smem:$0x3FAB] =	sst s10  }
0x32: {  	s10 =	sld [smem:$0x3FA9];
	_ =	sdelay $0x3  }
0x33: {  	p0 =	seq.s32 s10, $0x1;
	s10 =	sld [smem:$0x3FAB];
	_ =	sdelay $0x3  }
0x34: {  	[smem:$0x3FAB] =	sst s10  }
0x35: {  	s10 =	sld [smem:$0x3FAA];
	_ =	sdelay $0x3  }
0x36: {  	p1 =	seq.s32 s10, $0x1;
	s10 =	sld [smem:$0x3FAB];
	_ =	sdelay $0x3  }
0x37: {  	[smem:$0x3FAB] =	sst s10  }
0x38: {  	s10 =	sld [smem:$0x3FAC]  }
0x39: {  	_ = 	snop;
	(pc) =	sbr.ind lr, $3  }
0x3a: {  	_ = 	snop  }
0x3b: {  	_ = 	snop  }
0x3c: {  	p2 =	seq.s32 s10, $0x1;
	s10 =	sld [smem:$0x3FAB]  }
0x3d: {  	_ =	shalt  }
0x3e: {  	_ =	shalt  }
0x3f: {  	_ =	shalt  }
0x40: {  	_ =	shalt  }
0x41: {  	_ =	shalt  }
0x42: {  	_ =	shalt  }
0x43: {  	_ =	shalt  }
0x44: {  	_ =	shalt  }
0x45: {  	_ =	shalt  }
0x46: {  	_ =	shalt  }
0x47: {  	_ =	shalt  }
0x48: {  	_ =	shalt  }
0x49: {  	_ =	shalt  }
0x4a: {  	_ =	shalt  }
0x4b: {  	_ =	shalt  }
0x4c: {  	_ =	shalt  }
0x4d: {  	_ =	shalt  }
0x4e: {  	_ =	shalt  }
0x4f: {  	_ =	shalt  }
0x50: {  	_ =	shalt  }
0x51: {  	_ =	shalt  }
0x52: {  	_ =	shalt  }
0x53: {  	_ =	shalt  }
0x54: {  	_ =	shalt  }
0x55: {  	_ =	shalt  }
0x56: {  	_ =	shalt  }
0x57: {  	_ =	shalt  }
0x58: {  	_ =	shalt  }
0x59: {  	_ =	shalt  }
0x5a: {  	_ =	shalt  }
0x5b: {  	_ =	shalt  }
0x5c: {  	_ =	shalt  }
0x5d: {  	_ =	shalt  }
0x5e: {  	_ =	shalt  }
0x5f: {  	_ =	shalt  }
0x60: {  	_ =	shalt  }
0x61: {  	_ =	shalt  }
0x62: {  	_ =	shalt  }
0x63: {  	_ =	shalt  }
0x64: {  	_ =	shalt  }
0x65: {  	_ =	shalt  }
0x66: {  	_ =	shalt  }
0x67: {  	_ =	shalt  }
0x68: {  	_ =	shalt  }
0x69: {  	_ =	shalt  }
0x6a: {  	_ =	shalt  }
0x6b: {  	_ =	shalt  }
0x6c: {  	_ =	shalt  }
0x6d: {  	_ =	shalt  }
0x6e: {  	_ =	shalt  }
0x6f: {  	_ =	shalt  }
0x70: {  	_ =	shalt  }
0x71: {  	_ =	shalt  }
0x72: {  	_ =	shalt  }
0x73: {  	_ =	shalt  }
0x74: {  	_ =	shalt  }
0x75: {  	_ =	shalt  }
0x76: {  	_ =	shalt  }
0x77: {  	_ =	shalt  }
0x78: {  	_ =	shalt  }
0x79: {  	_ =	shalt  }
0x7a: {  	_ =	shalt  }
0x7b: {  	_ =	shalt  }
0x7c: {  	_ =	shalt  }
0x7d: {  	_ =	shalt  }
0x7e: {  	_ =	shalt  }
0x7f: {  	_ =	shalt  }
0x80: {  	_ =	shalt  }
0x81: {  	_ =	shalt  }
0x82: {  	_ =	shalt  }
0x83: {  	_ =	shalt  }
0x84: {  	_ =	shalt  }
0x85: {  	_ =	shalt  }
0x86: {  	_ =	shalt  }
0x87: {  	_ =	shalt  }
.Lfunc_end0:
.L_simem_size_0:
called_computation.1_lowered:
.L_overlay_start_0:
0x88: {  	s2 =	sld [smem:$0x3FD9]  }
0x89: {  	s3 =	sld [smem:$0x3FFE];
	_ =	sdelay $0x1  }
0x8a: {  	s1 =	srdreg.scid  }
0x8b: {  	s0 =	sand.u32 $0x1, s1  }
0x8c: {  	s16 =	sshll.u32 s0, $0xA;
	s2 =	sadd.s32 s3, s2  }
0x8d: {  	s2 =	sadd.s32 s2, s16  }
0x8e: {  	[smem:$0x3FB7] =	sst s2  }
0x8f: {  	_ = 	snop  }
0x90: {  	(tm) =	ssettm $0x1  }
0x91: {  	s17 =	sld [smem:$0x3FFB];
	_ =	sdelay $0x3  }
0x92: {  	_ =	strace s17  }
0x93: {  	s2 =	sld [smem:$0x3FFC];
	_ =	sdelay $0x3  }
0x94: {  	_ =	strace s2  }
0x95: {  	s2 =	sld [smem:$0x3FFD];
	_ =	sdelay $0x3  }
0x96: {  	_ =	strace s2  }
0x97: {  	_ =	strace $0x8FFFFFFF  }
0x98: {  	s18 =	sld [smem:$0x3FDB];
	_ =	sdelay $0x1  }
0x99: {  	s19 =	simm.s32 $_scs_section_size  }
0x9a: {  	s4 =	simm.s32 $_size__tile_overlayer_lowered;
	s5 =	simm.s32 $_tile_overlayer_lowered  }
0x9b: {  	s22 =	simm.s32 $0x1BFF;
	s21 =	sshll.u32 s5, $0x1;
	s2 =	sadd.s32 s19, s18  }
0x9c: {  	s6 =	simm.s32 $0x0;
	s20 =	sshll.u32 s4, $0x1;
	s4 =	sadd.s32 s21, s2  }
0x9d: {  	[timem:s6], [sflag:s22] =	dma.local [hbm:s4], s20  }
0x9e: {  	_ =	swait.ge [sflag:s22], s20  }
0x9f: {  	s3 =	ssub.s32 $0x0, s20;
	[sflag:s22] =	ssyncset.done $0x0  }
0xa0: {  	[sflag:s22] =	ssyncadd.s32 s3;
	_ =	sdelay $0x1  }
0xa1: {  	s23 =	simm.s32 $0x1B8B  }
0xa2: {  	_ =	swait.ge [sflag:s23], $0x1  }
0xa3: {  	[sflag:s23] =	ssyncset.done $0x0  }
0xa4: {  	s25 =	simm.s32 $0x1B8E;
	s24 =	sld [smem:$0x3FFE];
	[sflag:s23] =	ssyncadd.s32 $0xFFFFFFFF  }
0xa5: {  	s26 =	simm.s32 $execute0_lowered;
	[smem:$0x3FD2] =	sst s25  }
0xa6: {  	s4 =	sshll.u32 s26, $0x1;
	_ =	strace $0x80000049;
	[dreg:$0x1] =	wrdreg $0xFFFFFFFF  }
0xa7: {  	s28 =	simm.s32 $_size_execute0_lowered;
	s2 =	sadd.s32 s2, s4;
	[dreg:$0x0] =	wrdreg $0x0  }
0xa8: {  	s4 =	sshll.u32 s28, $0x1;
	[dreg:$0x2] =	wrdreg s2  }
0xa9: {  	[dreg:$0x3] =	wrdreg s4  }
0xaa: {  	[dreg:$0x4] =	wrdreg $0xC0  }
0xab: {  	_ =	task [dreg:s6], $0x5FFFF  }
0xac: {  	[dreg:$0x1] =	wrdreg $0xFFFFFFFF  }
0xad: {  	[dreg:$0x0] =	wrdreg $0x60  }
0xae: {  	[dreg:$0x2] =	wrdreg s24  }
0xaf: {  	[dreg:$0x3] =	wrdreg $0xD0000  }
0xb0: {  	[dreg:$0x4] =	wrdreg $0x9  }
0xb1: {  	_ =	task.clear_ibuf [dreg:s6], $0x5FFFF;
	_ =	strace $0x90000049  }
0xb2: {  	s29 =	simm.s32 $0x9;
	_ =	strace $0x8000004B  }
0xb3: {  	_ =	swait.ge [sflag:s29], $0x1  }
0xb4: {  	[sflag:s29] =	ssyncadd.s32 $0xFFFFFFFF  }
0xb5: {  	_ =	strace $0x9000004B  }
0xb6: {  	_ =	sfence  }
0xb7: {  	s30 =	sld [smem:$0x0];
	_ =	sdelay $0x2  }
0xb8: {  	s31 =	sshll.u32 s1, $0xD;
	s1 =	sshrl.u32 s1, $0x2  }
0xb9: {  	s3 =	sand.u32 $0x4000, s31;
	s1 =	sadd.s32 s1, s30  }
0xba: {  	s0 =	sor.u32 s3, s0;
	s1 =	sshll.u32 s1, $0x11  }
0xbb: {  	s0 =	sor.u32 s1, s0  }
0xbc: {  	s0 =	sadd.s32 $0x8F2B, s0  }
0xbd: {  	[sflag:s0] =	ssyncadd.remote.s32 $0x1  }
0xbe: {  	_ =	sfence.sel $0xFFFF  }
0xbf: {  	[dreg:$0x0] =	wrdreg $0xFFFFFFFF;
	(pc) =	sbr.abs _section_cstart, $3  }
0xc0: {  	[dreg:$0x1] =	wrdreg $0xFFFFFFFF  }
0xc1: {  	_ =	task.clear_ibuf [dreg:s6], $0x2FFFF;
	_ =	strace $0x9FFFFFFF  }
0xc2: {  	(tm) =	ssettm $0x7FFFFFFF  }
0xc3: {  	_ =	shalt  }
tec
execute0_lowered:
.L_overlay_start_1:
0x0: {  	(tag) =	ssettag $0x1  }
0x1: {  	s0 =	rddreg [dreg:$0x0]  }
0x2: {  	s2 =	rddreg [dreg:$0x1];
	s1 =	srdreg.scid  }
0x3: {  	s8 =	stileid.u32;
	s3 =	simm.s32 $0x0;
	s15 =	simm.s32 $0xB000  }
0x4: {  	s16 =	simm.s32 $0x5;
	s17 =	simm.s32 $0x1;
	s18 =	simm.s32 $0x2  }
0x5: {  	s19 =	simm.s32 $0x80;
	s20 =	simm.s32 $0x5000;
	s21 =	simm.s32 $0x7000  }
0x6: {  	s23 =	simm.s32 $0x9000;
	s25 =	simm.s32 $0x3;
	s28 =	simm.s32 $0x4E00  }
0x7: {  	s29 =	simm.s32 $0x4E80;
	s30 =	simm.s32 $0x4F00;
	s7 =	smul.u32 $0x9E00, s8  }
0x8: {  	s1 =	sand.u32 $0x1, s1;
	s4 =	sshll.u32 s8, $0x1;
	s8 =	smul.u32 $0x27800, s8  }
0x9: {  	s31 =	simm.s32 $0x4F80;
	[smem:$0x7FF] =	sst s3;
	s5 =	smul.u32 $0x9E000, s1  }
0xa: {  	_ =	strace $0x8000004A;
	s6 =	sor.u32 s1, s4;
	s1 =	ssub.s32 $0x2, s1  }
0xb: {  	s4 =	sadd.s32 $0x2800, s0;
	s6 =	smul.u32 $0x500, s6;
	s26 =	sshrl.u32 s1, $0x1  }
0xc: {  	s8 =	sshrl.u32 s8, $0x2;
	s5 =	sadd.s32 s7, s5;
	s1 =	ssub.s32 s1, s26  }
0xd: {  	s7 =	sadd.s32 s7, s2;
	s11 =	sadd.s32 s8, s2;
	s26 =	simm.s32 $0x4  }
0xe: {  	s5 =	sshrl.u32 s5, $0x3;
	s6 =	sadd.s32 s6, s0;
	s8 =	sadd.s32 $0x2000, s11  }
0xf: {  	s9 =	sadd.s32 $0x4000, s11;
	s10 =	sadd.s32 $0x6000, s11;
	s11 =	sadd.s32 $0x8000, s11  }
0x10: {  	s13 =	smax.u32 s1, $0x1;
	s0 =	sadd.s32 s5, s0;
	s5 =	sadd.s32 $0x65400, s6  }
0x11: {  	v0 =	vimm.f32 $0.0e+00;
	s6 =	sadd.s32 $0x6F400, s6;
	s12 =	sadd.s32 $0x16200, s0;
	s0 =	simm.s32 $0x0  }
.LBB2_1:
0x12: {  	[tilespmem:s3], [sflag:$0x1] =	stream.linear.gather [hbm4b:s5+s3], $0x2800, $0x38;
	[tilespmem:$0x16E00] =	vst v63  }
0x13: {  	s24 =	sand.u32 $0x7F00, s3  }
0x14: {  	s1 =	simm.s32 $0x2800;
	s14 =	sand.u32 $0x30, s3;
	s22 =	sshrl.u32 s24, $0x2  }
0x15: {  	[tilespmem:s1], [sflag:$0x2] =	stream.linear.gather [hbm4b:s6+s3], $0x2800, $0x38;
	[tilespmem:$0x16E00] =	vst v63  }
0x16: {  	s1 =	simm.s32 $0x40;
	s22 =	sor.u32 s14, s22;
	s14 =	simm.s32 $0x0  }
.LBB2_2:
0x17: {  	p0 =	sne.s32 s1, $0x7FC0  }
0x18: {  	[tilespmem:s22+$0xB000] =	vst v0;
	s14 =	sadd.s32 $0x10, s14;
	s22 =	smov.u32 s1;
	s1 =	sadd.s32 $0x40, s1  }
.Ltmp0:
0x19: {  	(pc) =	sbr.rel @p0 .LBB2_2-.Ltmp0, $4  }
0x1a: {  	_ = 	snop  }
0x1b: {  	s22 =	sand.u32 $0x7F00, s22  }
0x1c: {  	s24 =	sand.u32 $0x30, s14;
	s22 =	sshrl.u32 s22, $0x2  }
0x1d: {  	s22 =	sor.u32 s24, s22  }
0x1e: {  	[tilespmem:s22+$0xB000] =	vst v0  }
0x1f: {  	[spmem:s7] =	stream.linear.scatter [tilespmem:s15], [sflag:$0x5], $0x2000, $0x38;
	[tilespmem:$0x16E00] =	vst v63  }
0x20: {  	_ =	swait.ge [sflag:s16], $0x2000  }
0x21: {  	[sflag:s16] =	ssyncset.done $0x0  }
0x22: {  	[sflag:s16] =	ssyncadd.s32 $0xFFFFE000  }
0x23: {  	[spmem:s8] =	stream.linear.scatter [tilespmem:s15], [sflag:$0x5], $0x2000, $0x38;
	[tilespmem:$0x16E00] =	vst v63  }
0x24: {  	_ =	swait.ge [sflag:s16], $0x2000  }
0x25: {  	[sflag:s16] =	ssyncset.done $0x0  }
0x26: {  	[sflag:s16] =	ssyncadd.s32 $0xFFFFE000  }
0x27: {  	[spmem:s9] =	stream.linear.scatter [tilespmem:s15], [sflag:$0x5], $0x2000, $0x38;
	[tilespmem:$0x16E00] =	vst v63  }
0x28: {  	_ =	swait.ge [sflag:s16], $0x2000  }
0x29: {  	[sflag:s16] =	ssyncset.done $0x0  }
0x2a: {  	[sflag:s16] =	ssyncadd.s32 $0xFFFFE000  }
0x2b: {  	[spmem:s10] =	stream.linear.scatter [tilespmem:s15], [sflag:$0x5], $0x2000, $0x38;
	[tilespmem:$0x16E00] =	vst v63  }
0x2c: {  	_ =	swait.ge [sflag:s16], $0x2000  }
0x2d: {  	[sflag:s16] =	ssyncset.done $0x0  }
0x2e: {  	[sflag:s16] =	ssyncadd.s32 $0xFFFFE000  }
0x2f: {  	[spmem:s11] =	stream.linear.scatter [tilespmem:s15], [sflag:$0x5], $0x1E00, $0x38;
	[tilespmem:$0x16E00] =	vst v63  }
0x30: {  	_ =	swait.ge [sflag:s16], $0x1E00  }
0x31: {  	[sflag:s16] =	ssyncset.done $0x0  }
0x32: {  	[sflag:s16] =	ssyncadd.s32 $0xFFFFE200  }
0x33: {  	_ =	swait.ge [sflag:s17], $0x2800  }
0x34: {  	[sflag:s17] =	ssyncset.done $0x0  }
0x35: {  	[sflag:s17] =	ssyncadd.s32 $0xFFFFD800  }
0x36: {  	_ =	swait.ge [sflag:s18], $0x2800  }
0x37: {  	[sflag:s18] =	ssyncset.done $0x0  }
0x38: {  	s1 =	simm.s32 $0x0;
	[sflag:s18] =	ssyncadd.s32 $0xFFFFD800  }
0x39: {  	[tilespmem:s20], [sflag:$0x1] =	stream.indirect.gather [hbm4b:s4+s19], $0x40, s1, s19, $0xb8;
	[tilespmem:$0x16E00] =	vst v63  }
0x3a: {  	_ = 	snop  }
0x3b: {  	[tilespmem:s21], [sflag:$0x2] =	stream.indirect.gather [hbm4b:s4+s19], $0x40, s19, s19, $0xb8;
	[tilespmem:$0x16E00] =	vst v63  }
0x3c: {  	s14 =	simm.s32 $0x100  }
0x3d: {  	[tilespmem:s23], [sflag:$0x3] =	stream.indirect.gather [hbm4b:s4+s19], $0x40, s14, s19, $0xb8;
	[tilespmem:$0x16E00] =	vst v63  }
0x3e: {  	s22 =	simm.s32 $0x180  }
0x3f: {  	[tilespmem:s15], [sflag:$0x4] =	stream.indirect.gather [hbm4b:s4+s19], $0x40, s22, s19, $0xb8;
	[tilespmem:$0x16E00] =	vst v63  }
0x40: {  	[bflag:$0x0] =	sbarrier.arrive $0xFFFF  }
0x41: {  	_ =	swait.ge [sflag:s17], $0x2000  }
0x42: {  	[sflag:s17] =	ssyncset.done $0x0  }
0x43: {  	s24 =	simm.s32 $0x2800;
	[sflag:s17] =	ssyncadd.s32 $0xFFFFE000  }
0x44: {  	[spmem:s2] =	stream.indirect.scatter.add.f32 [tilespmem:s20], [sflag:$0x5], $0x40, s24, s19, $0xb8;
	[tilespmem:$0x16E00] =	vst v63  }
0x45: {  	_ =	swait.ge [sflag:s16], $0x2000  }
0x46: {  	[sflag:s16] =	ssyncset.done $0x0  }
0x47: {  	s14 =	simm.s32 $0x200;
	[sflag:s16] =	ssyncadd.s32 $0xFFFFE000  }
0x48: {  	[tilespmem:s20], [sflag:$0x1] =	stream.indirect.gather [hbm4b:s4+s19], $0x40, s14, s19, $0xb8;
	[tilespmem:$0x16E00] =	vst v63  }
0x49: {  	_ =	swait.ge [sflag:s18], $0x2000  }
0x4a: {  	[sflag:s18] =	ssyncset.done $0x0  }
0x4b: {  	s22 =	simm.s32 $0x2880;
	[sflag:s18] =	ssyncadd.s32 $0xFFFFE000  }
0x4c: {  	[spmem:s2] =	stream.indirect.scatter.add.f32 [tilespmem:s21], [sflag:$0x5], $0x40, s22, s19, $0xb8;
	[tilespmem:$0x16E00] =	vst v63  }
0x4d: {  	_ =	swait.ge [sflag:s16], $0x2000  }
0x4e: {  	[sflag:s16] =	ssyncset.done $0x0  }
0x4f: {  	s24 =	simm.s32 $0x280;
	[sflag:s16] =	ssyncadd.s32 $0xFFFFE000  }
0x50: {  	[tilespmem:s21], [sflag:$0x2] =	stream.indirect.gather [hbm4b:s4+s19], $0x40, s24, s19, $0xb8;
	[tilespmem:$0x16E00] =	vst v63  }
0x51: {  	_ =	swait.ge [sflag:s25], $0x2000  }
0x52: {  	[sflag:s25] =	ssyncset.done $0x0  }
0x53: {  	s14 =	simm.s32 $0x2900;
	[sflag:s25] =	ssyncadd.s32 $0xFFFFE000  }
0x54: {  	[spmem:s2] =	stream.indirect.scatter.add.f32 [tilespmem:s23], [sflag:$0x5], $0x40, s14, s19, $0xb8;
	[tilespmem:$0x16E00] =	vst v63  }
0x55: {  	_ =	swait.ge [sflag:s16], $0x2000  }
0x56: {  	[sflag:s16] =	ssyncset.done $0x0  }
0x57: {  	s22 =	simm.s32 $0x300;
	[sflag:s16] =	ssyncadd.s32 $0xFFFFE000  }
0x58: {  	[tilespmem:s23], [sflag:$0x3] =	stream.indirect.gather [hbm4b:s4+s19], $0x40, s22, s19, $0xb8;
	[tilespmem:$0x16E00] =	vst v63  }
0x59: {  	_ =	swait.ge [sflag:s26], $0x2000  }
0x5a: {  	[sflag:s26] =	ssyncset.done $0x0  }
0x5b: {  	s24 =	simm.s32 $0x2980;
	[sflag:s26] =	ssyncadd.s32 $0xFFFFE000  }
0x5c: {  	[spmem:s2] =	stream.indirect.scatter.add.f32 [tilespmem:s15], [sflag:$0x5], $0x40, s24, s19, $0xb8;
	[tilespmem:$0x16E00] =	vst v63  }
0x5d: {  	_ =	swait.ge [sflag:s16], $0x2000  }
0x5e: {  	[sflag:s16] =	ssyncset.done $0x0  }
0x5f: {  	s1 =	simm.s32 $0x800;
	s14 =	simm.s32 $0x380;
	[sflag:s16] =	ssyncadd.s32 $0xFFFFE000  }
.LBB2_4:
0x60: {  	[tilespmem:s15], [sflag:$0x4] =	stream.indirect.gather [hbm4b:s4+s19], $0x40, s14, s19, $0xb8;
	[tilespmem:$0x16E00] =	vst v63  }
0x61: {  	s14 =	smov.u32 s1  }
0x62: {  	p0 =	sne.s32 s1, $0x9000;
	s1 =	sadd.s32 $0x800, s1;
	_ =	swait.ge [sflag:s17], $0x2000  }
0x63: {  	s14 =	sshra.s32 s14, $0x2;
	[sflag:s17] =	ssyncset.done $0x0  }
0x64: {  	s22 =	sadd.s32 $0x2800, s14;
	[sflag:s17] =	ssyncadd.s32 $0xFFFFE000  }
0x65: {  	[spmem:s2] =	stream.indirect.scatter.add.f32 [tilespmem:s20], [sflag:$0x5], $0x40, s22, s19, $0xb8;
	[tilespmem:$0x16E00] =	vst v63  }
0x66: {  	_ =	swait.ge [sflag:s16], $0x2000  }
0x67: {  	[sflag:s16] =	ssyncset.done $0x0  }
0x68: {  	s22 =	sadd.s32 $0x200, s14;
	[sflag:s16] =	ssyncadd.s32 $0xFFFFE000  }
0x69: {  	[tilespmem:s20], [sflag:$0x1] =	stream.indirect.gather [hbm4b:s4+s19], $0x40, s22, s19, $0xb8;
	[tilespmem:$0x16E00] =	vst v63  }
0x6a: {  	_ =	swait.ge [sflag:s18], $0x2000  }
0x6b: {  	[sflag:s18] =	ssyncset.done $0x0  }
0x6c: {  	s22 =	sadd.s32 $0x2880, s14;
	[sflag:s18] =	ssyncadd.s32 $0xFFFFE000  }
0x6d: {  	[spmem:s2] =	stream.indirect.scatter.add.f32 [tilespmem:s21], [sflag:$0x5], $0x40, s22, s19, $0xb8;
	[tilespmem:$0x16E00] =	vst v63  }
0x6e: {  	_ =	swait.ge [sflag:s16], $0x2000  }
0x6f: {  	[sflag:s16] =	ssyncset.done $0x0  }
0x70: {  	s22 =	sadd.s32 $0x280, s14;
	[sflag:s16] =	ssyncadd.s32 $0xFFFFE000  }
0x71: {  	[tilespmem:s21], [sflag:$0x2] =	stream.indirect.gather [hbm4b:s4+s19], $0x40, s22, s19, $0xb8;
	[tilespmem:$0x16E00] =	vst v63  }
0x72: {  	_ =	swait.ge [sflag:s25], $0x2000  }
0x73: {  	[sflag:s25] =	ssyncset.done $0x0  }
0x74: {  	s22 =	sadd.s32 $0x2900, s14;
	[sflag:s25] =	ssyncadd.s32 $0xFFFFE000  }
0x75: {  	[spmem:s2] =	stream.indirect.scatter.add.f32 [tilespmem:s23], [sflag:$0x5], $0x40, s22, s19, $0xb8;
	[tilespmem:$0x16E00] =	vst v63  }
0x76: {  	_ =	swait.ge [sflag:s16], $0x2000  }
0x77: {  	[sflag:s16] =	ssyncset.done $0x0  }
0x78: {  	s22 =	sadd.s32 $0x300, s14;
	[sflag:s16] =	ssyncadd.s32 $0xFFFFE000  }
0x79: {  	[tilespmem:s23], [sflag:$0x3] =	stream.indirect.gather [hbm4b:s4+s19], $0x40, s22, s19, $0xb8;
	[tilespmem:$0x16E00] =	vst v63  }
0x7a: {  	_ =	swait.ge [sflag:s26], $0x2000  }
0x7b: {  	[sflag:s26] =	ssyncset.done $0x0  }
.Ltmp1:
0x7c: {  	s22 =	sadd.s32 $0x2980, s14;
	[sflag:s26] =	ssyncadd.s32 $0xFFFFE000;
	(pc) =	sbr.rel @p0 .LBB2_4-.Ltmp1, $4  }
0x7d: {  	[spmem:s2] =	stream.indirect.scatter.add.f32 [tilespmem:s15], [sflag:$0x5], $0x40, s22, s19, $0xb8;
	[tilespmem:$0x16E00] =	vst v63  }
0x7e: {  	_ =	swait.ge [sflag:s16], $0x2000  }
0x7f: {  	[sflag:s16] =	ssyncset.done $0x0  }
0x80: {  	s14 =	sadd.s32 $0x380, s14;
	[sflag:s16] =	ssyncadd.s32 $0xFFFFE000  }
0x81: {  	[tilespmem:s15], [sflag:$0x4] =	stream.indirect.gather [hbm4b:s4+s19], $0x40, s14, s19, $0xb8;
	[tilespmem:$0x16E00] =	vst v63  }
0x82: {  	_ =	swait.ge [sflag:s17], $0x2000  }
0x83: {  	[sflag:s17] =	ssyncset.done $0x0  }
0x84: {  	[sflag:s17] =	ssyncadd.s32 $0xFFFFE000  }
0x85: {  	[spmem:s2] =	stream.indirect.scatter.add.f32 [tilespmem:s20], [sflag:$0x5], $0x40, s28, s19, $0xb8;
	[tilespmem:$0x16E00] =	vst v63  }
0x86: {  	_ =	swait.ge [sflag:s16], $0x2000  }
0x87: {  	[sflag:s16] =	ssyncset.done $0x0  }
0x88: {  	[sflag:s16] =	ssyncadd.s32 $0xFFFFE000  }
0x89: {  	_ =	swait.ge [sflag:s18], $0x2000  }
0x8a: {  	[sflag:s18] =	ssyncset.done $0x0  }
0x8b: {  	[sflag:s18] =	ssyncadd.s32 $0xFFFFE000  }
0x8c: {  	[spmem:s2] =	stream.indirect.scatter.add.f32 [tilespmem:s21], [sflag:$0x5], $0x40, s29, s19, $0xb8;
	[tilespmem:$0x16E00] =	vst v63  }
0x8d: {  	_ =	swait.ge [sflag:s16], $0x2000  }
0x8e: {  	[sflag:s16] =	ssyncset.done $0x0  }
0x8f: {  	[sflag:s16] =	ssyncadd.s32 $0xFFFFE000  }
0x90: {  	_ =	swait.ge [sflag:s25], $0x2000  }
0x91: {  	[sflag:s25] =	ssyncset.done $0x0  }
0x92: {  	[sflag:s25] =	ssyncadd.s32 $0xFFFFE000  }
0x93: {  	[spmem:s2] =	stream.indirect.scatter.add.f32 [tilespmem:s23], [sflag:$0x5], $0x40, s30, s19, $0xb8;
	[tilespmem:$0x16E00] =	vst v63  }
0x94: {  	_ =	swait.ge [sflag:s16], $0x2000  }
0x95: {  	[sflag:s16] =	ssyncset.done $0x0  }
0x96: {  	[sflag:s16] =	ssyncadd.s32 $0xFFFFE000  }
0x97: {  	_ =	swait.ge [sflag:s26], $0x2000  }
0x98: {  	[sflag:s26] =	ssyncset.done $0x0  }
0x99: {  	[sflag:s26] =	ssyncadd.s32 $0xFFFFE000  }
0x9a: {  	[spmem:s2] =	stream.indirect.scatter.add.f32 [tilespmem:s15], [sflag:$0x5], $0x40, s31, s19, $0xb8;
	[tilespmem:$0x16E00] =	vst v63  }
0x9b: {  	s1 =	stileid.u32;
	_ =	swait.ge [sflag:s16], $0x2000  }
0x9c: {  	s24 =	sshrl.u32 s7, $0x3;
	s0 =	sadd.s32 $0x1, s0;
	[sflag:s16] =	ssyncset.done $0x0  }
0x9d: {  	s1 =	sshll.u32 s1, $0x6;
	p0 =	sne.s32 s0, s13;
	[sflag:s16] =	ssyncadd.s32 $0xFFFFE000  }
.Ltmp2:
0x9e: {  	s1 =	sor.u32 $0x1C05, s1;
	[bflag:$0x0] =	sbarrier.arrive $0xFFFF;
	(pc) =	sbr.rel @p0 .LBB2_1-.Ltmp2, $4  }
0x9f: {  	[hbm:s12], [sflag:s1] =	dma.local [spmem:s24], $0x13C0  }
0xa0: {  	_ =	swait.ge [sflag:s16], $0x13C0  }
0xa1: {  	[sflag:s16] =	ssyncset.done $0x0  }
0xa2: {  	[sflag:s16] =	ssyncadd.s32 $0xFFFFEC40  }
0xa3: {  	_ =	sfence.sel $0x180000  }
0xa4: {  	[bflag:$0x0] =	sbarrier.arrive $0xFFFF  }
0xa5: {  	_ =	strace $0x9000004A  }
0xa6: {  	s0 =	stileid.u32;
	[bflag:$0x2] =	sbarrier.arrive $0xFFFF  }
0xa7: {  	p0 =	sne.s32 s0, $0x0;
	s0 =	rddreg [dreg:$0x2]  }
0xa8: {  	s0 =	sadd.s32 @!p0 $0x100000, s0  }
0xa9: {  	[sflag:s0] =	ssyncadd.tile.s32 @!p0 $0x1;
	_ =	shalt  }
.Lfunc_end2:
_tile_overlayer_lowered:
.L_overlay_start_2:
0xaa: {  	(tag) =	ssettag $0x2  }
0xab: {  	s0 =	rddreg [dreg:$0x0];
	s2 =	stileid.u32  }
0xac: {  	s1 =	rddreg [dreg:$0x1];
	p0 =	sne.s32 s2, $0x0  }
0xad: {  	s3 =	rddreg [dreg:$0x2];
	[bflag:$0x3] =	sbarrier.arrive $0xFFFF;
	s2 =	simm.s32 @!p0 $0x1C05  }
0xae: {  	[timem:s3], [sflag:s2] =	dma.local @!p0 [hbm:s0], s1  }
0xaf: {  	s0 =	simm.s32 @!p0 $0x5  }
0xb0: {  	_ =	swait.ge @!p0 [sflag:s0], s1  }
0xb1: {  	s1 =	ssub.s32 @!p0 $0x0, s1;
	[sflag:s0] =	ssyncset.done @!p0 $0x0  }
0xb2: {  	[sflag:s0] =	ssyncadd.s32 @!p0 s1  }
0xb3: {  	[bflag:$0x3] =	sbarrier.arrive $0xFFFF  }
0xb4: {  	_ =	shalt  }

// kernel: kernel.14.cloned.1.call-start
scs
__scs_entry_jumppad:
0x0: {  	(pc) =	sbr.rel $0x88, $3  }
0x1: {  	(tag) =	ssettag $0x0;
	lr =	simm.s32 $0x1  }
0x2: {  	[smem:$0x3F90] =	sst lr;
	_ =	strace $0xD0000000  }
0x3: {  	_ = 	snop  }
0x4: {  	_ = 	snop  }
0x5: {  	_ = 	snop  }
0x6: {  	_ = 	snop  }
0x7: {  	_ = 	snop  }
__scs_overlays_trampoline_lowered:
0x8: {  	[smem:$0x3F9F] =	sst s0  }
0x9: {  	[smem:$0x3FA0] =	sst s1  }
0xa: {  	[smem:$0x3FA1] =	sst s2  }
0xb: {  	[smem:$0x3FA2] =	sst s3  }
0xc: {  	[smem:$0x3FA3] =	sst s4  }
0xd: {  	[smem:$0x3FA4] =	sst s5  }
0xe: {  	[smem:$0x3FA5] =	sst s6  }
0xf: {  	[smem:$0x3FA6] =	sst s7  }
0x10: {  	[smem:$0x3FA7] =	sst s8  }
0x11: {  	[smem:$0x3FA8] =	sst s9;
	s0 =	simm.s32 @!p0 $0x0  }
0x12: {  	s1 =	sld [smem:$0x3F8E];
	s0 =	simm.s32 @p0 $0x1  }
0x13: {  	[smem:$0x3FA9] =	sst s0;
	s0 =	simm.s32 @!p1 $0x0  }
0x14: {  	s2 =	sld [smem:$0x3F8D];
	s0 =	simm.s32 @p1 $0x1  }
0x15: {  	[smem:$0x3FAA] =	sst s0;
	s0 =	simm.s32 @!p2 $0x0  }
0x16: {  	s3 =	sld [smem:$0x3FDB];
	s0 =	simm.s32 @p2 $0x1  }
0x17: {  	s4 =	simm.s32 $0x1BF5;
	[smem:$0x3FAC] =	sst s0  }
0x18: {  	s0 =	sld [smem:$0x3F8F];
	_ =	swait.ge [sflag:s4], $0x0  }
0x19: {  	s7 =	sld [smem:$0x3F90]  }
0x1a: {  	s8 =	sadd.s32 $0xFFFFE003, lr  }
0x1b: {  	s9 =	sadd.s32 $0xFFFFFEF7, lr;
	s5 =	simm.s32 $0xFFFFFFFF;
	p2 =	slt.u32 s8, $0xFFFFF086  }
0x1c: {  	p1 =	slt.u32 s9, $0xF7A;
	s5 =	simm.s32 @!p2 $0x0  }
0x1d: {  	s5 =	simm.s32 @p1 $0x1;
	p0 =	seq.s32 s7, s2  }
0x1e: {  	s7 =	smul.u32 @!p0 $0xF7A, s2;
	p2 =	seq.s32 @!p0 s5, $0x0  }
0x1f: {  	s9 =	smul.u32 $0xF7A, s1;
	s8 =	simm.s32 @!p0 $0x1BF5;
	p2 =	por !p2, p0  }
0x20: {  	[sflag:s8] =	ssyncset.s32 @!p0 $0xFFFFF086;
	s6 =	sadd.s32 @!p0 s3, s7;
	s7 =	simm.s32 @!p0 $0x108  }
0x21: {  	s3 =	sadd.s32 s3, s9;
	s6 =	sadd.s32 @!p0 $0x88, s6;
	s7 =	simm.s32 @p2 $0x1082  }
0x22: {  	[simem:s7], [sflag:s8] =	dma.local @!p0 [hbm:s6], $0xF7A  }
0x23: {  	s9 =	sor.u32 $0xD0000000, s2;
	s6 =	simm.s32 $0x108;
	_ =	swait.ge @!p0 [sflag:s8], $0x0  }
0x24: {  	s3 =	sadd.s32 $0x88, s3;
	s6 =	simm.s32 @!p1 $0x1082;
	[sflag:s4] =	ssyncset.s32 $0xFFFFF086  }
0x25: {  	[simem:s6], [sflag:s4] =	dma.local [hbm:s3], $0xF7A  }
0x26: {  	[smem:$0x3F90] =	sst s1;
	(tag) =	ssettag s2;
	_ =	strace s9  }
0x27: {  	s1 =	sld [smem:$0x3FA0]  }
0x28: {  	s2 =	sld [smem:$0x3FA1]  }
0x29: {  	s4 =	sld [smem:$0x3FA3]  }
0x2a: {  	p0 =	seq.s32 s5, $0x0;
	s5 =	sld [smem:$0x3FA4]  }
0x2b: {  	s6 =	sld [smem:$0x3FA5]  }
0x2c: {  	s7 =	sld [smem:$0x3FA6]  }
0x2d: {  	s3 =	simm.s32 $0x108;
	s8 =	sld [smem:$0x3FA7]  }
0x2e: {  	s3 =	simm.s32 @!p0 $0x1082;
	s9 =	sld [smem:$0x3FA8]  }
0x2f: {  	lr =	sadd.s32 s0, s3;
	s0 =	sld [smem:$0x3F9F]  }
0x30: {  	s3 =	sld [smem:$0x3FA2]  }
0x31: {  	[smem:$0x3FAB] =	sst s10  }
0x32: {  	s10 =	sld [smem:$0x3FA9];
	_ =	sdelay $0x3  }
0x33: {  	p0 =	seq.s32 s10, $0x1;
	s10 =	sld [smem:$0x3FAB];
	_ =	sdelay $0x3  }
0x34: {  	[smem:$0x3FAB] =	sst s10  }
0x35: {  	s10 =	sld [smem:$0x3FAA];
	_ =	sdelay $0x3  }
0x36: {  	p1 =	seq.s32 s10, $0x1;
	s10 =	sld [smem:$0x3FAB];
	_ =	sdelay $0x3  }
0x37: {  	[smem:$0x3FAB] =	sst s10  }
0x38: {  	s10 =	sld [smem:$0x3FAC]  }
0x39: {  	_ = 	snop;
	(pc) =	sbr.ind lr, $3  }
0x3a: {  	_ = 	snop  }
0x3b: {  	_ = 	snop  }
0x3c: {  	p2 =	seq.s32 s10, $0x1;
	s10 =	sld [smem:$0x3FAB]  }
0x3d: {  	_ =	shalt  }
0x3e: {  	_ =	shalt  }
0x3f: {  	_ =	shalt  }
0x40: {  	_ =	shalt  }
0x41: {  	_ =	shalt  }
0x42: {  	_ =	shalt  }
0x43: {  	_ =	shalt  }
0x44: {  	_ =	shalt  }
0x45: {  	_ =	shalt  }
0x46: {  	_ =	shalt  }
0x47: {  	_ =	shalt  }
0x48: {  	_ =	shalt  }
0x49: {  	_ =	shalt  }
0x4a: {  	_ =	shalt  }
0x4b: {  	_ =	shalt  }
0x4c: {  	_ =	shalt  }
0x4d: {  	_ =	shalt  }
0x4e: {  	_ =	shalt  }
0x4f: {  	_ =	shalt  }
0x50: {  	_ =	shalt  }
0x51: {  	_ =	shalt  }
0x52: {  	_ =	shalt  }
0x53: {  	_ =	shalt  }
0x54: {  	_ =	shalt  }
0x55: {  	_ =	shalt  }
0x56: {  	_ =	shalt  }
0x57: {  	_ =	shalt  }
0x58: {  	_ =	shalt  }
0x59: {  	_ =	shalt  }
0x5a: {  	_ =	shalt  }
0x5b: {  	_ =	shalt  }
0x5c: {  	_ =	shalt  }
0x5d: {  	_ =	shalt  }
0x5e: {  	_ =	shalt  }
0x5f: {  	_ =	shalt  }
0x60: {  	_ =	shalt  }
0x61: {  	_ =	shalt  }
0x62: {  	_ =	shalt  }
0x63: {  	_ =	shalt  }
0x64: {  	_ =	shalt  }
0x65: {  	_ =	shalt  }
0x66: {  	_ =	shalt  }
0x67: {  	_ =	shalt  }
0x68: {  	_ =	shalt  }
0x69: {  	_ =	shalt  }
0x6a: {  	_ =	shalt  }
0x6b: {  	_ =	shalt  }
0x6c: {  	_ =	shalt  }
0x6d: {  	_ =	shalt  }
0x6e: {  	_ =	shalt  }
0x6f: {  	_ =	shalt  }
0x70: {  	_ =	shalt  }
0x71: {  	_ =	shalt  }
0x72: {  	_ =	shalt  }
0x73: {  	_ =	shalt  }
0x74: {  	_ =	shalt  }
0x75: {  	_ =	shalt  }
0x76: {  	_ =	shalt  }
0x77: {  	_ =	shalt  }
0x78: {  	_ =	shalt  }
0x79: {  	_ =	shalt  }
0x7a: {  	_ =	shalt  }
0x7b: {  	_ =	shalt  }
0x7c: {  	_ =	shalt  }
0x7d: {  	_ =	shalt  }
0x7e: {  	_ =	shalt  }
0x7f: {  	_ =	shalt  }
0x80: {  	_ =	shalt  }
0x81: {  	_ =	shalt  }
0x82: {  	_ =	shalt  }
0x83: {  	_ =	shalt  }
0x84: {  	_ =	shalt  }
0x85: {  	_ =	shalt  }
0x86: {  	_ =	shalt  }
0x87: {  	_ =	shalt  }
.Lfunc_end0:
.L_simem_size_0:
called_computation.2_lowered:
.L_overlay_start_0:
0x88: {  	s2 =	sld [smem:$0x3FD9]  }
0x89: {  	s3 =	sld [smem:$0x3FFE];
	_ =	sdelay $0x1  }
0x8a: {  	s1 =	srdreg.scid  }
0x8b: {  	s0 =	sand.u32 $0x1, s1  }
0x8c: {  	s16 =	sshll.u32 s0, $0xA;
	s2 =	sadd.s32 s3, s2  }
0x8d: {  	s2 =	sadd.s32 s2, s16  }
0x8e: {  	[smem:$0x3FB7] =	sst s2  }
0x8f: {  	_ = 	snop  }
0x90: {  	(tm) =	ssettm $0x1  }
0x91: {  	s17 =	sld [smem:$0x3FFB];
	_ =	sdelay $0x3  }
0x92: {  	_ =	strace s17  }
0x93: {  	s2 =	sld [smem:$0x3FFC];
	_ =	sdelay $0x3  }
0x94: {  	_ =	strace s2  }
0x95: {  	s2 =	sld [smem:$0x3FFD];
	_ =	sdelay $0x3  }
0x96: {  	_ =	strace s2  }
0x97: {  	_ =	strace $0x8FFFFFFF  }
0x98: {  	s18 =	sld [smem:$0x3FDB];
	_ =	sdelay $0x1  }
0x99: {  	s19 =	simm.s32 $_scs_section_size  }
0x9a: {  	s4 =	simm.s32 $_size__tile_overlayer_lowered;
	s5 =	simm.s32 $_tile_overlayer_lowered  }
0x9b: {  	s22 =	simm.s32 $0x1BFF;
	s21 =	sshll.u32 s5, $0x1;
	s2 =	sadd.s32 s19, s18  }
0x9c: {  	s6 =	simm.s32 $0x0;
	s20 =	sshll.u32 s4, $0x1;
	s4 =	sadd.s32 s21, s2  }
0x9d: {  	[timem:s6], [sflag:s22] =	dma.local [hbm:s4], s20  }
0x9e: {  	_ =	swait.ge [sflag:s22], s20  }
0x9f: {  	s3 =	ssub.s32 $0x0, s20;
	[sflag:s22] =	ssyncset.done $0x0  }
0xa0: {  	[sflag:s22] =	ssyncadd.s32 s3;
	_ =	sdelay $0x1  }
0xa1: {  	s23 =	simm.s32 $0x1B8B  }
0xa2: {  	_ =	swait.ge [sflag:s23], $0x1  }
0xa3: {  	[sflag:s23] =	ssyncset.done $0x0  }
0xa4: {  	s25 =	simm.s32 $0x1B8E;
	s24 =	sld [smem:$0x3FFE];
	[sflag:s23] =	ssyncadd.s32 $0xFFFFFFFF  }
0xa5: {  	s26 =	simm.s32 $execute0_lowered;
	[smem:$0x3FD2] =	sst s25  }
0xa6: {  	s4 =	sshll.u32 s26, $0x1;
	_ =	strace $0x8000004C;
	[dreg:$0x1] =	wrdreg $0xFFFFFFFF  }
0xa7: {  	s28 =	simm.s32 $_size_execute0_lowered;
	s2 =	sadd.s32 s2, s4;
	[dreg:$0x0] =	wrdreg $0x0  }
0xa8: {  	s4 =	sshll.u32 s28, $0x1;
	[dreg:$0x2] =	wrdreg s2  }
0xa9: {  	[dreg:$0x3] =	wrdreg s4  }
0xaa: {  	[dreg:$0x4] =	wrdreg $0xC0  }
0xab: {  	_ =	task [dreg:s6], $0x5FFFF  }
0xac: {  	[dreg:$0x1] =	wrdreg $0xFFFFFFFF  }
0xad: {  	[dreg:$0x0] =	wrdreg $0x60  }
0xae: {  	[dreg:$0x2] =	wrdreg s24  }
0xaf: {  	[dreg:$0x3] =	wrdreg $0xD0000  }
0xb0: {  	[dreg:$0x4] =	wrdreg $0x9  }
0xb1: {  	_ =	task.clear_ibuf [dreg:s6], $0x5FFFF;
	_ =	strace $0x9000004C  }
0xb2: {  	s29 =	simm.s32 $0x9;
	_ =	strace $0x8000004E  }
0xb3: {  	_ =	swait.ge [sflag:s29], $0x1  }
0xb4: {  	[sflag:s29] =	ssyncadd.s32 $0xFFFFFFFF  }
0xb5: {  	_ =	strace $0x9000004E  }
0xb6: {  	_ =	sfence  }
0xb7: {  	s30 =	sld [smem:$0x0];
	_ =	sdelay $0x2  }
0xb8: {  	s31 =	sshll.u32 s1, $0xD;
	s1 =	sshrl.u32 s1, $0x2  }
0xb9: {  	s3 =	sand.u32 $0x4000, s31;
	s1 =	sadd.s32 s1, s30  }
0xba: {  	s0 =	sor.u32 s3, s0;
	s1 =	sshll.u32 s1, $0x11  }
0xbb: {  	s0 =	sor.u32 s1, s0  }
0xbc: {  	s0 =	sadd.s32 $0x8F2B, s0  }
0xbd: {  	[sflag:s0] =	ssyncadd.remote.s32 $0x1  }
0xbe: {  	_ =	sfence.sel $0xFFFF  }
0xbf: {  	[dreg:$0x0] =	wrdreg $0xFFFFFFFF;
	(pc) =	sbr.abs _section_cstart, $3  }
0xc0: {  	[dreg:$0x1] =	wrdreg $0xFFFFFFFF  }
0xc1: {  	_ =	task.clear_ibuf [dreg:s6], $0x2FFFF;
	_ =	strace $0x9FFFFFFF  }
0xc2: {  	(tm) =	ssettm $0x7FFFFFFF  }
0xc3: {  	_ =	shalt  }
tec
execute0_lowered:
.L_overlay_start_1:
0x0: {  	(tag) =	ssettag $0x1  }
0x1: {  	s0 =	rddreg [dreg:$0x0]  }
0x2: {  	s2 =	rddreg [dreg:$0x1];
	s1 =	srdreg.scid  }
0x3: {  	s8 =	stileid.u32;
	s3 =	simm.s32 $0x0;
	s15 =	simm.s32 $0xB000  }
0x4: {  	s16 =	simm.s32 $0x5;
	s17 =	simm.s32 $0x1;
	s18 =	simm.s32 $0x2  }
0x5: {  	s19 =	simm.s32 $0x80;
	s20 =	simm.s32 $0x5000;
	s21 =	simm.s32 $0x7000  }
0x6: {  	s23 =	simm.s32 $0x9000;
	s25 =	simm.s32 $0x3;
	s28 =	simm.s32 $0x4E00  }
0x7: {  	s29 =	simm.s32 $0x4E80;
	s30 =	simm.s32 $0x4F00;
	s7 =	smul.u32 $0x9E00, s8  }
0x8: {  	s1 =	sand.u32 $0x1, s1;
	s4 =	sshll.u32 s8, $0x1;
	s8 =	smul.u32 $0x27800, s8  }
0x9: {  	s31 =	simm.s32 $0x4F80;
	[smem:$0x7FF] =	sst s3;
	s5 =	smul.u32 $0x9E000, s1  }
0xa: {  	_ =	strace $0x8000004D;
	s6 =	sor.u32 s1, s4;
	s1 =	ssub.s32 $0x2, s1  }
0xb: {  	s4 =	sadd.s32 $0x2800, s0;
	s6 =	smul.u32 $0x500, s6;
	s26 =	sshrl.u32 s1, $0x1  }
0xc: {  	s8 =	sshrl.u32 s8, $0x2;
	s5 =	sadd.s32 s7, s5;
	s1 =	ssub.s32 s1, s26  }
0xd: {  	s7 =	sadd.s32 s7, s2;
	s11 =	sadd.s32 s8, s2;
	s26 =	simm.s32 $0x4  }
0xe: {  	s5 =	sshrl.u32 s5, $0x3;
	s6 =	sadd.s32 s6, s0;
	s8 =	sadd.s32 $0x2000, s11  }
0xf: {  	s9 =	sadd.s32 $0x4000, s11;
	s10 =	sadd.s32 $0x6000, s11;
	s11 =	sadd.s32 $0x8000, s11  }
0x10: {  	s13 =	smax.u32 s1, $0x1;
	s0 =	sadd.s32 s5, s0;
	s5 =	sadd.s32 $0x65400, s6  }
0x11: {  	v0 =	vimm.f32 $0.0e+00;
	s6 =	sadd.s32 $0x6F400, s6;
	s12 =	sadd.s32 $0x16200, s0;
	s0 =	simm.s32 $0x0  }
.LBB2_1:
0x12: {  	[tilespmem:s3], [sflag:$0x1] =	stream.linear.gather [hbm4b:s5+s3], $0x2800, $0x38;
	[tilespmem:$0x16E00] =	vst v63  }
0x13: {  	s24 =	sand.u32 $0x7F00, s3  }
0x14: {  	s1 =	simm.s32 $0x2800;
	s14 =	sand.u32 $0x30, s3;
	s22 =	sshrl.u32 s24, $0x2  }
0x15: {  	[tilespmem:s1], [sflag:$0x2] =	stream.linear.gather [hbm4b:s6+s3], $0x2800, $0x38;
	[tilespmem:$0x16E00] =	vst v63  }
0x16: {  	s1 =	simm.s32 $0x40;
	s22 =	sor.u32 s14, s22;
	s14 =	simm.s32 $0x0  }
.LBB2_2:
0x17: {  	p0 =	sne.s32 s1, $0x7FC0  }
0x18: {  	[tilespmem:s22+$0xB000] =	vst v0;
	s14 =	sadd.s32 $0x10, s14;
	s22 =	smov.u32 s1;
	s1 =	sadd.s32 $0x40, s1  }
.Ltmp0:
0x19: {  	(pc) =	sbr.rel @p0 .LBB2_2-.Ltmp0, $4  }
0x1a: {  	_ = 	snop  }
0x1b: {  	s22 =	sand.u32 $0x7F00, s22  }
0x1c: {  	s24 =	sand.u32 $0x30, s14;
	s22 =	sshrl.u32 s22, $0x2  }
0x1d: {  	s22 =	sor.u32 s24, s22  }
0x1e: {  	[tilespmem:s22+$0xB000] =	vst v0  }
0x1f: {  	[spmem:s7] =	stream.linear.scatter [tilespmem:s15], [sflag:$0x5], $0x2000, $0x38;
	[tilespmem:$0x16E00] =	vst v63  }
0x20: {  	_ =	swait.ge [sflag:s16], $0x2000  }
0x21: {  	[sflag:s16] =	ssyncset.done $0x0  }
0x22: {  	[sflag:s16] =	ssyncadd.s32 $0xFFFFE000  }
0x23: {  	[spmem:s8] =	stream.linear.scatter [tilespmem:s15], [sflag:$0x5], $0x2000, $0x38;
	[tilespmem:$0x16E00] =	vst v63  }
0x24: {  	_ =	swait.ge [sflag:s16], $0x2000  }
0x25: {  	[sflag:s16] =	ssyncset.done $0x0  }
0x26: {  	[sflag:s16] =	ssyncadd.s32 $0xFFFFE000  }
0x27: {  	[spmem:s9] =	stream.linear.scatter [tilespmem:s15], [sflag:$0x5], $0x2000, $0x38;
	[tilespmem:$0x16E00] =	vst v63  }
0x28: {  	_ =	swait.ge [sflag:s16], $0x2000  }
0x29: {  	[sflag:s16] =	ssyncset.done $0x0  }
0x2a: {  	[sflag:s16] =	ssyncadd.s32 $0xFFFFE000  }
0x2b: {  	[spmem:s10] =	stream.linear.scatter [tilespmem:s15], [sflag:$0x5], $0x2000, $0x38;
	[tilespmem:$0x16E00] =	vst v63  }
0x2c: {  	_ =	swait.ge [sflag:s16], $0x2000  }
0x2d: {  	[sflag:s16] =	ssyncset.done $0x0  }
0x2e: {  	[sflag:s16] =	ssyncadd.s32 $0xFFFFE000  }
0x2f: {  	[spmem:s11] =	stream.linear.scatter [tilespmem:s15], [sflag:$0x5], $0x1E00, $0x38;
	[tilespmem:$0x16E00] =	vst v63  }
0x30: {  	_ =	swait.ge [sflag:s16], $0x1E00  }
0x31: {  	[sflag:s16] =	ssyncset.done $0x0  }
0x32: {  	[sflag:s16] =	ssyncadd.s32 $0xFFFFE200  }
0x33: {  	_ =	swait.ge [sflag:s17], $0x2800  }
0x34: {  	[sflag:s17] =	ssyncset.done $0x0  }
0x35: {  	[sflag:s17] =	ssyncadd.s32 $0xFFFFD800  }
0x36: {  	_ =	swait.ge [sflag:s18], $0x2800  }
0x37: {  	[sflag:s18] =	ssyncset.done $0x0  }
0x38: {  	s1 =	simm.s32 $0x0;
	[sflag:s18] =	ssyncadd.s32 $0xFFFFD800  }
0x39: {  	[tilespmem:s20], [sflag:$0x1] =	stream.indirect.gather [hbm4b:s4+s19], $0x40, s1, s19, $0xb8;
	[tilespmem:$0x16E00] =	vst v63  }
0x3a: {  	_ = 	snop  }
0x3b: {  	[tilespmem:s21], [sflag:$0x2] =	stream.indirect.gather [hbm4b:s4+s19], $0x40, s19, s19, $0xb8;
	[tilespmem:$0x16E00] =	vst v63  }
0x3c: {  	s14 =	simm.s32 $0x100  }
0x3d: {  	[tilespmem:s23], [sflag:$0x3] =	stream.indirect.gather [hbm4b:s4+s19], $0x40, s14, s19, $0xb8;
	[tilespmem:$0x16E00] =	vst v63  }
0x3e: {  	s22 =	simm.s32 $0x180  }
0x3f: {  	[tilespmem:s15], [sflag:$0x4] =	stream.indirect.gather [hbm4b:s4+s19], $0x40, s22, s19, $0xb8;
	[tilespmem:$0x16E00] =	vst v63  }
0x40: {  	[bflag:$0x0] =	sbarrier.arrive $0xFFFF  }
0x41: {  	_ =	swait.ge [sflag:s17], $0x2000  }
0x42: {  	[sflag:s17] =	ssyncset.done $0x0  }
0x43: {  	s24 =	simm.s32 $0x2800;
	[sflag:s17] =	ssyncadd.s32 $0xFFFFE000  }
0x44: {  	[spmem:s2] =	stream.indirect.scatter.add.f32 [tilespmem:s20], [sflag:$0x5], $0x40, s24, s19, $0xb8;
	[tilespmem:$0x16E00] =	vst v63  }
0x45: {  	_ =	swait.ge [sflag:s16], $0x2000  }
0x46: {  	[sflag:s16] =	ssyncset.done $0x0  }
0x47: {  	s14 =	simm.s32 $0x200;
	[sflag:s16] =	ssyncadd.s32 $0xFFFFE000  }
0x48: {  	[tilespmem:s20], [sflag:$0x1] =	stream.indirect.gather [hbm4b:s4+s19], $0x40, s14, s19, $0xb8;
	[tilespmem:$0x16E00] =	vst v63  }
0x49: {  	_ =	swait.ge [sflag:s18], $0x2000  }
0x4a: {  	[sflag:s18] =	ssyncset.done $0x0  }
0x4b: {  	s22 =	simm.s32 $0x2880;
	[sflag:s18] =	ssyncadd.s32 $0xFFFFE000  }
0x4c: {  	[spmem:s2] =	stream.indirect.scatter.add.f32 [tilespmem:s21], [sflag:$0x5], $0x40, s22, s19, $0xb8;
	[tilespmem:$0x16E00] =	vst v63  }
0x4d: {  	_ =	swait.ge [sflag:s16], $0x2000  }
0x4e: {  	[sflag:s16] =	ssyncset.done $0x0  }
0x4f: {  	s24 =	simm.s32 $0x280;
	[sflag:s16] =	ssyncadd.s32 $0xFFFFE000  }
0x50: {  	[tilespmem:s21], [sflag:$0x2] =	stream.indirect.gather [hbm4b:s4+s19], $0x40, s24, s19, $0xb8;
	[tilespmem:$0x16E00] =	vst v63  }
0x51: {  	_ =	swait.ge [sflag:s25], $0x2000  }
0x52: {  	[sflag:s25] =	ssyncset.done $0x0  }
0x53: {  	s14 =	simm.s32 $0x2900;
	[sflag:s25] =	ssyncadd.s32 $0xFFFFE000  }
0x54: {  	[spmem:s2] =	stream.indirect.scatter.add.f32 [tilespmem:s23], [sflag:$0x5], $0x40, s14, s19, $0xb8;
	[tilespmem:$0x16E00] =	vst v63  }
0x55: {  	_ =	swait.ge [sflag:s16], $0x2000  }
0x56: {  	[sflag:s16] =	ssyncset.done $0x0  }
0x57: {  	s22 =	simm.s32 $0x300;
	[sflag:s16] =	ssyncadd.s32 $0xFFFFE000  }
0x58: {  	[tilespmem:s23], [sflag:$0x3] =	stream.indirect.gather [hbm4b:s4+s19], $0x40, s22, s19, $0xb8;
	[tilespmem:$0x16E00] =	vst v63  }
0x59: {  	_ =	swait.ge [sflag:s26], $0x2000  }
0x5a: {  	[sflag:s26] =	ssyncset.done $0x0  }
0x5b: {  	s24 =	simm.s32 $0x2980;
	[sflag:s26] =	ssyncadd.s32 $0xFFFFE000  }
0x5c: {  	[spmem:s2] =	stream.indirect.scatter.add.f32 [tilespmem:s15], [sflag:$0x5], $0x40, s24, s19, $0xb8;
	[tilespmem:$0x16E00] =	vst v63  }
0x5d: {  	_ =	swait.ge [sflag:s16], $0x2000  }
0x5e: {  	[sflag:s16] =	ssyncset.done $0x0  }
0x5f: {  	s1 =	simm.s32 $0x800;
	s14 =	simm.s32 $0x380;
	[sflag:s16] =	ssyncadd.s32 $0xFFFFE000  }
.LBB2_4:
0x60: {  	[tilespmem:s15], [sflag:$0x4] =	stream.indirect.gather [hbm4b:s4+s19], $0x40, s14, s19, $0xb8;
	[tilespmem:$0x16E00] =	vst v63  }
0x61: {  	s14 =	smov.u32 s1  }
0x62: {  	p0 =	sne.s32 s1, $0x9000;
	s1 =	sadd.s32 $0x800, s1;
	_ =	swait.ge [sflag:s17], $0x2000  }
0x63: {  	s14 =	sshra.s32 s14, $0x2;
	[sflag:s17] =	ssyncset.done $0x0  }
0x64: {  	s22 =	sadd.s32 $0x2800, s14;
	[sflag:s17] =	ssyncadd.s32 $0xFFFFE000  }
0x65: {  	[spmem:s2] =	stream.indirect.scatter.add.f32 [tilespmem:s20], [sflag:$0x5], $0x40, s22, s19, $0xb8;
	[tilespmem:$0x16E00] =	vst v63  }
0x66: {  	_ =	swait.ge [sflag:s16], $0x2000  }
0x67: {  	[sflag:s16] =	ssyncset.done $0x0  }
0x68: {  	s22 =	sadd.s32 $0x200, s14;
	[sflag:s16] =	ssyncadd.s32 $0xFFFFE000  }
0x69: {  	[tilespmem:s20], [sflag:$0x1] =	stream.indirect.gather [hbm4b:s4+s19], $0x40, s22, s19, $0xb8;
	[tilespmem:$0x16E00] =	vst v63  }
0x6a: {  	_ =	swait.ge [sflag:s18], $0x2000  }
0x6b: {  	[sflag:s18] =	ssyncset.done $0x0  }
0x6c: {  	s22 =	sadd.s32 $0x2880, s14;
	[sflag:s18] =	ssyncadd.s32 $0xFFFFE000  }
0x6d: {  	[spmem:s2] =	stream.indirect.scatter.add.f32 [tilespmem:s21], [sflag:$0x5], $0x40, s22, s19, $0xb8;
	[tilespmem:$0x16E00] =	vst v63  }
0x6e: {  	_ =	swait.ge [sflag:s16], $0x2000  }
0x6f: {  	[sflag:s16] =	ssyncset.done $0x0  }
0x70: {  	s22 =	sadd.s32 $0x280, s14;
	[sflag:s16] =	ssyncadd.s32 $0xFFFFE000  }
0x71: {  	[tilespmem:s21], [sflag:$0x2] =	stream.indirect.gather [hbm4b:s4+s19], $0x40, s22, s19, $0xb8;
	[tilespmem:$0x16E00] =	vst v63  }
0x72: {  	_ =	swait.ge [sflag:s25], $0x2000  }
0x73: {  	[sflag:s25] =	ssyncset.done $0x0  }
0x74: {  	s22 =	sadd.s32 $0x2900, s14;
	[sflag:s25] =	ssyncadd.s32 $0xFFFFE000  }
0x75: {  	[spmem:s2] =	stream.indirect.scatter.add.f32 [tilespmem:s23], [sflag:$0x5], $0x40, s22, s19, $0xb8;
	[tilespmem:$0x16E00] =	vst v63  }
0x76: {  	_ =	swait.ge [sflag:s16], $0x2000  }
0x77: {  	[sflag:s16] =	ssyncset.done $0x0  }
0x78: {  	s22 =	sadd.s32 $0x300, s14;
	[sflag:s16] =	ssyncadd.s32 $0xFFFFE000  }
0x79: {  	[tilespmem:s23], [sflag:$0x3] =	stream.indirect.gather [hbm4b:s4+s19], $0x40, s22, s19, $0xb8;
	[tilespmem:$0x16E00] =	vst v63  }
0x7a: {  	_ =	swait.ge [sflag:s26], $0x2000  }
0x7b: {  	[sflag:s26] =	ssyncset.done $0x0  }
.Ltmp1:
0x7c: {  	s22 =	sadd.s32 $0x2980, s14;
	[sflag:s26] =	ssyncadd.s32 $0xFFFFE000;
	(pc) =	sbr.rel @p0 .LBB2_4-.Ltmp1, $4  }
0x7d: {  	[spmem:s2] =	stream.indirect.scatter.add.f32 [tilespmem:s15], [sflag:$0x5], $0x40, s22, s19, $0xb8;
	[tilespmem:$0x16E00] =	vst v63  }
0x7e: {  	_ =	swait.ge [sflag:s16], $0x2000  }
0x7f: {  	[sflag:s16] =	ssyncset.done $0x0  }
0x80: {  	s14 =	sadd.s32 $0x380, s14;
	[sflag:s16] =	ssyncadd.s32 $0xFFFFE000  }
0x81: {  	[tilespmem:s15], [sflag:$0x4] =	stream.indirect.gather [hbm4b:s4+s19], $0x40, s14, s19, $0xb8;
	[tilespmem:$0x16E00] =	vst v63  }
0x82: {  	_ =	swait.ge [sflag:s17], $0x2000  }
0x83: {  	[sflag:s17] =	ssyncset.done $0x0  }
0x84: {  	[sflag:s17] =	ssyncadd.s32 $0xFFFFE000  }
0x85: {  	[spmem:s2] =	stream.indirect.scatter.add.f32 [tilespmem:s20], [sflag:$0x5], $0x40, s28, s19, $0xb8;
	[tilespmem:$0x16E00] =	vst v63  }
0x86: {  	_ =	swait.ge [sflag:s16], $0x2000  }
0x87: {  	[sflag:s16] =	ssyncset.done $0x0  }
0x88: {  	[sflag:s16] =	ssyncadd.s32 $0xFFFFE000  }
0x89: {  	_ =	swait.ge [sflag:s18], $0x2000  }
0x8a: {  	[sflag:s18] =	ssyncset.done $0x0  }
0x8b: {  	[sflag:s18] =	ssyncadd.s32 $0xFFFFE000  }
0x8c: {  	[spmem:s2] =	stream.indirect.scatter.add.f32 [tilespmem:s21], [sflag:$0x5], $0x40, s29, s19, $0xb8;
	[tilespmem:$0x16E00] =	vst v63  }
0x8d: {  	_ =	swait.ge [sflag:s16], $0x2000  }
0x8e: {  	[sflag:s16] =	ssyncset.done $0x0  }
0x8f: {  	[sflag:s16] =	ssyncadd.s32 $0xFFFFE000  }
0x90: {  	_ =	swait.ge [sflag:s25], $0x2000  }
0x91: {  	[sflag:s25] =	ssyncset.done $0x0  }
0x92: {  	[sflag:s25] =	ssyncadd.s32 $0xFFFFE000  }
0x93: {  	[spmem:s2] =	stream.indirect.scatter.add.f32 [tilespmem:s23], [sflag:$0x5], $0x40, s30, s19, $0xb8;
	[tilespmem:$0x16E00] =	vst v63  }
0x94: {  	_ =	swait.ge [sflag:s16], $0x2000  }
0x95: {  	[sflag:s16] =	ssyncset.done $0x0  }
0x96: {  	[sflag:s16] =	ssyncadd.s32 $0xFFFFE000  }
0x97: {  	_ =	swait.ge [sflag:s26], $0x2000  }
0x98: {  	[sflag:s26] =	ssyncset.done $0x0  }
0x99: {  	[sflag:s26] =	ssyncadd.s32 $0xFFFFE000  }
0x9a: {  	[spmem:s2] =	stream.indirect.scatter.add.f32 [tilespmem:s15], [sflag:$0x5], $0x40, s31, s19, $0xb8;
	[tilespmem:$0x16E00] =	vst v63  }
0x9b: {  	s1 =	stileid.u32;
	_ =	swait.ge [sflag:s16], $0x2000  }
0x9c: {  	s24 =	sshrl.u32 s7, $0x3;
	s0 =	sadd.s32 $0x1, s0;
	[sflag:s16] =	ssyncset.done $0x0  }
0x9d: {  	s1 =	sshll.u32 s1, $0x6;
	p0 =	sne.s32 s0, s13;
	[sflag:s16] =	ssyncadd.s32 $0xFFFFE000  }
.Ltmp2:
0x9e: {  	s1 =	sor.u32 $0x1C05, s1;
	[bflag:$0x0] =	sbarrier.arrive $0xFFFF;
	(pc) =	sbr.rel @p0 .LBB2_1-.Ltmp2, $4  }
0x9f: {  	[hbm:s12], [sflag:s1] =	dma.local [spmem:s24], $0x13C0  }
0xa0: {  	_ =	swait.ge [sflag:s16], $0x13C0  }
0xa1: {  	[sflag:s16] =	ssyncset.done $0x0  }
0xa2: {  	[sflag:s16] =	ssyncadd.s32 $0xFFFFEC40  }
0xa3: {  	_ =	sfence.sel $0x180000  }
0xa4: {  	[bflag:$0x0] =	sbarrier.arrive $0xFFFF  }
0xa5: {  	_ =	strace $0x9000004D  }
0xa6: {  	s0 =	stileid.u32;
	[bflag:$0x2] =	sbarrier.arrive $0xFFFF  }
0xa7: {  	p0 =	sne.s32 s0, $0x0;
	s0 =	rddreg [dreg:$0x2]  }
0xa8: {  	s0 =	sadd.s32 @!p0 $0x100000, s0  }
0xa9: {  	[sflag:s0] =	ssyncadd.tile.s32 @!p0 $0x1;
	_ =	shalt  }
.Lfunc_end2:
_tile_overlayer_lowered:
.L_overlay_start_2:
0xaa: {  	(tag) =	ssettag $0x2  }
0xab: {  	s0 =	rddreg [dreg:$0x0];
	s2 =	stileid.u32  }
0xac: {  	s1 =	rddreg [dreg:$0x1];
	p0 =	sne.s32 s2, $0x0  }
0xad: {  	s3 =	rddreg [dreg:$0x2];
	[bflag:$0x3] =	sbarrier.arrive $0xFFFF;
	s2 =	simm.s32 @!p0 $0x1C05  }
0xae: {  	[timem:s3], [sflag:s2] =	dma.local @!p0 [hbm:s0], s1  }
0xaf: {  	s0 =	simm.s32 @!p0 $0x5  }
0xb0: {  	_ =	swait.ge @!p0 [sflag:s0], s1  }
0xb1: {  	s1 =	ssub.s32 @!p0 $0x0, s1;
	[sflag:s0] =	ssyncset.done @!p0 $0x0  }
0xb2: {  	[sflag:s0] =	ssyncadd.s32 @!p0 s1  }
0xb3: {  	[bflag:$0x3] =	sbarrier.arrive $0xFFFF  }
0xb4: {  	_ =	shalt  }

// kernel: kernel.8.cloned.1.call-start
scs
__scs_entry_jumppad:
0x0: {  	(pc) =	sbr.rel $0x88, $3  }
0x1: {  	(tag) =	ssettag $0x0;
	lr =	simm.s32 $0x1  }
0x2: {  	[smem:$0x3F90] =	sst lr;
	_ =	strace $0xD0000000  }
0x3: {  	_ = 	snop  }
0x4: {  	_ = 	snop  }
0x5: {  	_ = 	snop  }
0x6: {  	_ = 	snop  }
0x7: {  	_ = 	snop  }
__scs_overlays_trampoline_lowered:
0x8: {  	[smem:$0x3F9F] =	sst s0  }
0x9: {  	[smem:$0x3FA0] =	sst s1  }
0xa: {  	[smem:$0x3FA1] =	sst s2  }
0xb: {  	[smem:$0x3FA2] =	sst s3  }
0xc: {  	[smem:$0x3FA3] =	sst s4  }
0xd: {  	[smem:$0x3FA4] =	sst s5  }
0xe: {  	[smem:$0x3FA5] =	sst s6  }
0xf: {  	[smem:$0x3FA6] =	sst s7  }
0x10: {  	[smem:$0x3FA7] =	sst s8  }
0x11: {  	[smem:$0x3FA8] =	sst s9;
	s0 =	simm.s32 @!p0 $0x0  }
0x12: {  	s1 =	sld [smem:$0x3F8E];
	s0 =	simm.s32 @p0 $0x1  }
0x13: {  	[smem:$0x3FA9] =	sst s0;
	s0 =	simm.s32 @!p1 $0x0  }
0x14: {  	s2 =	sld [smem:$0x3F8D];
	s0 =	simm.s32 @p1 $0x1  }
0x15: {  	[smem:$0x3FAA] =	sst s0;
	s0 =	simm.s32 @!p2 $0x0  }
0x16: {  	s3 =	sld [smem:$0x3FDB];
	s0 =	simm.s32 @p2 $0x1  }
0x17: {  	s4 =	simm.s32 $0x1BF5;
	[smem:$0x3FAC] =	sst s0  }
0x18: {  	s0 =	sld [smem:$0x3F8F];
	_ =	swait.ge [sflag:s4], $0x0  }
0x19: {  	s7 =	sld [smem:$0x3F90]  }
0x1a: {  	s8 =	sadd.s32 $0xFFFFE003, lr  }
0x1b: {  	s9 =	sadd.s32 $0xFFFFFEF7, lr;
	s5 =	simm.s32 $0xFFFFFFFF;
	p2 =	slt.u32 s8, $0xFFFFF086  }
0x1c: {  	p1 =	slt.u32 s9, $0xF7A;
	s5 =	simm.s32 @!p2 $0x0  }
0x1d: {  	s5 =	simm.s32 @p1 $0x1;
	p0 =	seq.s32 s7, s2  }
0x1e: {  	s7 =	smul.u32 @!p0 $0xF7A, s2;
	p2 =	seq.s32 @!p0 s5, $0x0  }
0x1f: {  	s9 =	smul.u32 $0xF7A, s1;
	s8 =	simm.s32 @!p0 $0x1BF5;
	p2 =	por !p2, p0  }
0x20: {  	[sflag:s8] =	ssyncset.s32 @!p0 $0xFFFFF086;
	s6 =	sadd.s32 @!p0 s3, s7;
	s7 =	simm.s32 @!p0 $0x108  }
0x21: {  	s3 =	sadd.s32 s3, s9;
	s6 =	sadd.s32 @!p0 $0x88, s6;
	s7 =	simm.s32 @p2 $0x1082  }
0x22: {  	[simem:s7], [sflag:s8] =	dma.local @!p0 [hbm:s6], $0xF7A  }
0x23: {  	s9 =	sor.u32 $0xD0000000, s2;
	s6 =	simm.s32 $0x108;
	_ =	swait.ge @!p0 [sflag:s8], $0x0  }
0x24: {  	s3 =	sadd.s32 $0x88, s3;
	s6 =	simm.s32 @!p1 $0x1082;
	[sflag:s4] =	ssyncset.s32 $0xFFFFF086  }
0x25: {  	[simem:s6], [sflag:s4] =	dma.local [hbm:s3], $0xF7A  }
0x26: {  	[smem:$0x3F90] =	sst s1;
	(tag) =	ssettag s2;
	_ =	strace s9  }
0x27: {  	s1 =	sld [smem:$0x3FA0]  }
0x28: {  	s2 =	sld [smem:$0x3FA1]  }
0x29: {  	s4 =	sld [smem:$0x3FA3]  }
0x2a: {  	p0 =	seq.s32 s5, $0x0;
	s5 =	sld [smem:$0x3FA4]  }
0x2b: {  	s6 =	sld [smem:$0x3FA5]  }
0x2c: {  	s7 =	sld [smem:$0x3FA6]  }
0x2d: {  	s3 =	simm.s32 $0x108;
	s8 =	sld [smem:$0x3FA7]  }
0x2e: {  	s3 =	simm.s32 @!p0 $0x1082;
	s9 =	sld [smem:$0x3FA8]  }
0x2f: {  	lr =	sadd.s32 s0, s3;
	s0 =	sld [smem:$0x3F9F]  }
0x30: {  	s3 =	sld [smem:$0x3FA2]  }
0x31: {  	[smem:$0x3FAB] =	sst s10  }
0x32: {  	s10 =	sld [smem:$0x3FA9];
	_ =	sdelay $0x3  }
0x33: {  	p0 =	seq.s32 s10, $0x1;
	s10 =	sld [smem:$0x3FAB];
	_ =	sdelay $0x3  }
0x34: {  	[smem:$0x3FAB] =	sst s10  }
0x35: {  	s10 =	sld [smem:$0x3FAA];
	_ =	sdelay $0x3  }
0x36: {  	p1 =	seq.s32 s10, $0x1;
	s10 =	sld [smem:$0x3FAB];
	_ =	sdelay $0x3  }
0x37: {  	[smem:$0x3FAB] =	sst s10  }
0x38: {  	s10 =	sld [smem:$0x3FAC]  }
0x39: {  	_ = 	snop;
	(pc) =	sbr.ind lr, $3  }
0x3a: {  	_ = 	snop  }
0x3b: {  	_ = 	snop  }
0x3c: {  	p2 =	seq.s32 s10, $0x1;
	s10 =	sld [smem:$0x3FAB]  }
0x3d: {  	_ =	shalt  }
0x3e: {  	_ =	shalt  }
0x3f: {  	_ =	shalt  }
0x40: {  	_ =	shalt  }
0x41: {  	_ =	shalt  }
0x42: {  	_ =	shalt  }
0x43: {  	_ =	shalt  }
0x44: {  	_ =	shalt  }
0x45: {  	_ =	shalt  }
0x46: {  	_ =	shalt  }
0x47: {  	_ =	shalt  }
0x48: {  	_ =	shalt  }
0x49: {  	_ =	shalt  }
0x4a: {  	_ =	shalt  }
0x4b: {  	_ =	shalt  }
0x4c: {  	_ =	shalt  }
0x4d: {  	_ =	shalt  }
0x4e: {  	_ =	shalt  }
0x4f: {  	_ =	shalt  }
0x50: {  	_ =	shalt  }
0x51: {  	_ =	shalt  }
0x52: {  	_ =	shalt  }
0x53: {  	_ =	shalt  }
0x54: {  	_ =	shalt  }
0x55: {  	_ =	shalt  }
0x56: {  	_ =	shalt  }
0x57: {  	_ =	shalt  }
0x58: {  	_ =	shalt  }
0x59: {  	_ =	shalt  }
0x5a: {  	_ =	shalt  }
0x5b: {  	_ =	shalt  }
0x5c: {  	_ =	shalt  }
0x5d: {  	_ =	shalt  }
0x5e: {  	_ =	shalt  }
0x5f: {  	_ =	shalt  }
0x60: {  	_ =	shalt  }
0x61: {  	_ =	shalt  }
0x62: {  	_ =	shalt  }
0x63: {  	_ =	shalt  }
0x64: {  	_ =	shalt  }
0x65: {  	_ =	shalt  }
0x66: {  	_ =	shalt  }
0x67: {  	_ =	shalt  }
0x68: {  	_ =	shalt  }
0x69: {  	_ =	shalt  }
0x6a: {  	_ =	shalt  }
0x6b: {  	_ =	shalt  }
0x6c: {  	_ =	shalt  }
0x6d: {  	_ =	shalt  }
0x6e: {  	_ =	shalt  }
0x6f: {  	_ =	shalt  }
0x70: {  	_ =	shalt  }
0x71: {  	_ =	shalt  }
0x72: {  	_ =	shalt  }
0x73: {  	_ =	shalt  }
0x74: {  	_ =	shalt  }
0x75: {  	_ =	shalt  }
0x76: {  	_ =	shalt  }
0x77: {  	_ =	shalt  }
0x78: {  	_ =	shalt  }
0x79: {  	_ =	shalt  }
0x7a: {  	_ =	shalt  }
0x7b: {  	_ =	shalt  }
0x7c: {  	_ =	shalt  }
0x7d: {  	_ =	shalt  }
0x7e: {  	_ =	shalt  }
0x7f: {  	_ =	shalt  }
0x80: {  	_ =	shalt  }
0x81: {  	_ =	shalt  }
0x82: {  	_ =	shalt  }
0x83: {  	_ =	shalt  }
0x84: {  	_ =	shalt  }
0x85: {  	_ =	shalt  }
0x86: {  	_ =	shalt  }
0x87: {  	_ =	shalt  }
.Lfunc_end0:
.L_simem_size_0:
called_computation_lowered:
.L_overlay_start_0:
0x88: {  	s2 =	sld [smem:$0x3FD9]  }
0x89: {  	s3 =	sld [smem:$0x3FFE];
	_ =	sdelay $0x1  }
0x8a: {  	s1 =	srdreg.scid  }
0x8b: {  	s0 =	sand.u32 $0x1, s1  }
0x8c: {  	s17 =	sshll.u32 s0, $0xA;
	s2 =	sadd.s32 s3, s2  }
0x8d: {  	s2 =	sadd.s32 s2, s17  }
0x8e: {  	[smem:$0x3FB7] =	sst s2  }
0x8f: {  	_ = 	snop  }
0x90: {  	s2 =	sld [smem:$0x3FC9];
	(tm) =	ssettm $0x1  }
0x91: {  	s18 =	sld [smem:$0x3FFB];
	_ =	sdelay $0x3  }
0x92: {  	_ =	strace s18  }
0x93: {  	s3 =	sld [smem:$0x3FFC];
	_ =	sdelay $0x3  }
0x94: {  	_ =	strace s3  }
0x95: {  	s3 =	sld [smem:$0x3FFD];
	_ =	sdelay $0x3  }
0x96: {  	_ =	strace s3  }
0x97: {  	_ =	strace $0x8FFFFFFF  }
0x98: {  	s19 =	sld [smem:$0x3FDB];
	_ =	sdelay $0x1  }
0x99: {  	s4 =	simm.s32 $_scs_section_size  }
0x9a: {  	s5 =	simm.s32 $_size__tile_overlayer_lowered;
	s6 =	simm.s32 $_tile_overlayer_lowered  }
0x9b: {  	s22 =	simm.s32 $0x1BFF;
	s21 =	sshll.u32 s6, $0x1;
	s3 =	sadd.s32 s4, s19  }
0x9c: {  	s7 =	simm.s32 $0x0;
	s20 =	sshll.u32 s5, $0x1;
	s5 =	sadd.s32 s21, s3  }
0x9d: {  	[timem:s7], [sflag:s22] =	dma.local [hbm:s5], s20  }
0x9e: {  	_ =	swait.ge [sflag:s22], s20  }
0x9f: {  	s4 =	ssub.s32 $0x0, s20;
	[sflag:s22] =	ssyncset.done $0x0  }
0xa0: {  	[sflag:s22] =	ssyncadd.s32 s4;
	_ =	sdelay $0x1  }
0xa1: {  	s23 =	simm.s32 $0x1B8B  }
0xa2: {  	_ =	swait.ge [sflag:s23], $0x1  }
0xa3: {  	[sflag:s23] =	ssyncset.done $0x0  }
0xa4: {  	s25 =	simm.s32 $0x1B8E;
	s24 =	sld [smem:$0x3FFE];
	[sflag:s23] =	ssyncadd.s32 $0xFFFFFFFF  }
0xa5: {  	s26 =	simm.s32 $execute0_lowered;
	[smem:$0x3FD2] =	sst s25  }
0xa6: {  	s5 =	sshll.u32 s26, $0x1;
	_ =	strace $0x80000046;
	[dreg:$0x1] =	wrdreg $0xFFFFFFFF  }
0xa7: {  	s28 =	simm.s32 $_size_execute0_lowered;
	s3 =	sadd.s32 s3, s5;
	[dreg:$0x0] =	wrdreg $0x0  }
0xa8: {  	s5 =	sshll.u32 s28, $0x1;
	[dreg:$0x2] =	wrdreg s3  }
0xa9: {  	[dreg:$0x3] =	wrdreg s5  }
0xaa: {  	[dreg:$0x4] =	wrdreg $0xC0  }
0xab: {  	_ =	task [dreg:s7], $0x5FFFF  }
0xac: {  	[dreg:$0x1] =	wrdreg $0xFFFFFFFF  }
0xad: {  	[dreg:$0x0] =	wrdreg $0x60  }
0xae: {  	[dreg:$0x2] =	wrdreg s2  }
0xaf: {  	[dreg:$0x3] =	wrdreg s24  }
0xb0: {  	[dreg:$0x4] =	wrdreg $0xBEC00  }
0xb1: {  	[dreg:$0x5] =	wrdreg $0x9  }
0xb2: {  	_ =	task.clear_ibuf [dreg:s7], $0x6FFFF;
	_ =	strace $0x90000046  }
0xb3: {  	s29 =	simm.s32 $0x9;
	_ =	strace $0x80000048  }
0xb4: {  	_ =	swait.ge [sflag:s29], $0x1  }
0xb5: {  	[sflag:s29] =	ssyncadd.s32 $0xFFFFFFFF  }
0xb6: {  	_ =	strace $0x90000048  }
0xb7: {  	_ =	sfence  }
0xb8: {  	s30 =	sld [smem:$0x0];
	_ =	sdelay $0x2  }
0xb9: {  	s31 =	sshll.u32 s1, $0xD;
	s1 =	sshrl.u32 s1, $0x2  }
0xba: {  	s3 =	sand.u32 $0x4000, s31;
	s1 =	sadd.s32 s1, s30  }
0xbb: {  	s0 =	sor.u32 s3, s0;
	s1 =	sshll.u32 s1, $0x11  }
0xbc: {  	s0 =	sor.u32 s1, s0  }
0xbd: {  	s0 =	sadd.s32 $0x8F2B, s0  }
0xbe: {  	[sflag:s0] =	ssyncadd.remote.s32 $0x1  }
0xbf: {  	_ =	sfence.sel $0xFFFF  }
0xc0: {  	[dreg:$0x0] =	wrdreg $0xFFFFFFFF;
	(pc) =	sbr.abs _section_cstart, $3  }
0xc1: {  	[dreg:$0x1] =	wrdreg $0xFFFFFFFF  }
0xc2: {  	_ =	task.clear_ibuf [dreg:s7], $0x2FFFF;
	_ =	strace $0x9FFFFFFF  }
0xc3: {  	(tm) =	ssettm $0x7FFFFFFF  }
tec
execute0_lowered:
.L_overlay_start_1:
0x0: {  	(tag) =	ssettag $0x1  }
0x1: {  	s1 =	rddreg [dreg:$0x0]  }
0x2: {  	s5 =	rddreg [dreg:$0x1]  }
0x3: {  	s3 =	rddreg [dreg:$0x2]  }
0x4: {  	s0 =	rddreg [dreg:$0x3];
	s4 =	simm.s32 $0x0;
	s6 =	srdreg.scid  }
0x5: {  	s2 =	stileid.u32;
	s15 =	simm.s32 $0x2760;
	s16 =	simm.s32 $0x86C0  }
0x6: {  	s17 =	simm.s32 $0x3;
	s18 =	simm.s32 $0x1;
	s19 =	simm.s32 $0x2  }
0x7: {  	s20 =	simm.s32 $0x70;
	s21 =	simm.s32 $0x4EC0;
	s22 =	simm.s32 $0x4DE0  }
0x8: {  	s23 =	simm.s32 $0x4E50;
	s24 =	simm.s32 $0x0;
	s8 =	smul.u32 $0x13C00, s2  }
0x9: {  	s6 =	sand.u32 $0x1, s6;
	s7 =	sshll.u32 s2, $0x1;
	s10 =	smul.u32 $0x4F000, s2  }
0xa: {  	[smem:$0x7FF] =	sst s4;
	s7 =	sor.u32 s6, s7;
	s9 =	smul.u32 $0x13C000, s6  }
0xb: {  	_ =	strace $0x80000047;
	s6 =	ssub.s32 $0x2, s6;
	s7 =	smul.u32 $0x4EC, s7  }
0xc: {  	s11 =	sshrl.u32 s6, $0x1;
	s31 =	sshrl.u32 s10, $0x2;
	s9 =	sadd.s32 s8, s9  }
0xd: {  	s14 =	ssub.s32 s6, s11;
	s12 =	sadd.s32 s31, s3;
	s7 =	sadd.s32 s7, s5  }
0xe: {  	s9 =	sshrl.u32 s9, $0x3;
	s10 =	sadd.s32 $0xA800, s12;
	s11 =	sadd.s32 $0xE000, s12  }
0xf: {  	s14 =	smax.u32 s14, $0x1;
	s13 =	sadd.s32 s9, s5;
	s5 =	sadd.s32 $0x2800, s7  }
0x10: {  	s6 =	sadd.s32 $0xC600, s7;
	s7 =	sadd.s32 s8, s3;
	s8 =	sadd.s32 $0x3800, s12  }
0x11: {  	v0 =	vimm.f32 $0.0e+00;
	s9 =	sadd.s32 $0x7000, s12;
	s12 =	sadd.s32 $0x11800, s12;
	s13 =	sadd.s32 $0x16400, s13  }
.LBB2_1:
0x12: {  	[tilespmem:s4], [sflag:$0x1] =	stream.linear.gather [hbm4b:s5+s4], $0x2760, $0x38;
	[tilespmem:$0x1FAC0] =	vst v63  }
0x13: {  	s25 =	sand.u32 $0xFE00, s4  }
0x14: {  	s26 =	sand.u32 $0x70, s4;
	s28 =	sshrl.u32 s25, $0x2  }
0x15: {  	[tilespmem:s15], [sflag:$0x2] =	stream.linear.gather [hbm4b:s6+s4], $0x2760, $0x38;
	[tilespmem:$0x1FAC0] =	vst v63  }
0x16: {  	s25 =	simm.s32 $0x40;
	s28 =	sor.u32 s26, s28;
	s26 =	simm.s32 $0x0  }
.LBB2_2:
0x17: {  	p0 =	sne.s32 s25, $0xDFC0  }
0x18: {  	[tilespmem:s28+$0x86C0] =	vst v0;
	s26 =	sadd.s32 $0x10, s26;
	s28 =	smov.u32 s25;
	s25 =	sadd.s32 $0x40, s25  }
.Ltmp0:
0x19: {  	(pc) =	sbr.rel @p0 .LBB2_2-.Ltmp0, $4  }
0x1a: {  	_ = 	snop  }
0x1b: {  	s28 =	sand.u32 $0xFE00, s28  }
0x1c: {  	s29 =	sand.u32 $0x70, s26;
	s28 =	sshrl.u32 s28, $0x2  }
0x1d: {  	s28 =	sor.u32 s29, s28  }
0x1e: {  	[tilespmem:s28+$0x86C0] =	vst v0  }
0x1f: {  	[spmem:s7] =	stream.linear.scatter [tilespmem:s16], [sflag:$0x3], $0x3800, $0x38;
	[tilespmem:$0x1FAC0] =	vst v63  }
0x20: {  	_ =	swait.ge [sflag:s17], $0x3800  }
0x21: {  	[sflag:s17] =	ssyncset.done $0x0  }
0x22: {  	[sflag:s17] =	ssyncadd.s32 $0xFFFFC800  }
0x23: {  	[spmem:s8] =	stream.linear.scatter [tilespmem:s16], [sflag:$0x3], $0x3800, $0x38;
	[tilespmem:$0x1FAC0] =	vst v63  }
0x24: {  	_ =	swait.ge [sflag:s17], $0x3800  }
0x25: {  	[sflag:s17] =	ssyncset.done $0x0  }
0x26: {  	[sflag:s17] =	ssyncadd.s32 $0xFFFFC800  }
0x27: {  	[spmem:s9] =	stream.linear.scatter [tilespmem:s16], [sflag:$0x3], $0x3800, $0x38;
	[tilespmem:$0x1FAC0] =	vst v63  }
0x28: {  	_ =	swait.ge [sflag:s17], $0x3800  }
0x29: {  	[sflag:s17] =	ssyncset.done $0x0  }
0x2a: {  	[sflag:s17] =	ssyncadd.s32 $0xFFFFC800  }
0x2b: {  	[spmem:s10] =	stream.linear.scatter [tilespmem:s16], [sflag:$0x3], $0x3800, $0x38;
	[tilespmem:$0x1FAC0] =	vst v63  }
0x2c: {  	_ =	swait.ge [sflag:s17], $0x3800  }
0x2d: {  	[sflag:s17] =	ssyncset.done $0x0  }
0x2e: {  	[sflag:s17] =	ssyncadd.s32 $0xFFFFC800  }
0x2f: {  	[spmem:s11] =	stream.linear.scatter [tilespmem:s16], [sflag:$0x3], $0x3800, $0x38;
	[tilespmem:$0x1FAC0] =	vst v63  }
0x30: {  	_ =	swait.ge [sflag:s17], $0x3800  }
0x31: {  	[sflag:s17] =	ssyncset.done $0x0  }
0x32: {  	[sflag:s17] =	ssyncadd.s32 $0xFFFFC800  }
0x33: {  	[spmem:s12] =	stream.linear.scatter [tilespmem:s16], [sflag:$0x3], $0x2400, $0x38;
	[tilespmem:$0x1FAC0] =	vst v63  }
0x34: {  	_ =	swait.ge [sflag:s17], $0x2400  }
0x35: {  	[sflag:s17] =	ssyncset.done $0x0  }
0x36: {  	[sflag:s17] =	ssyncadd.s32 $0xFFFFDC00  }
0x37: {  	_ =	swait.ge [sflag:s18], $0x2760  }
0x38: {  	[sflag:s18] =	ssyncset.done $0x0  }
0x39: {  	[sflag:s18] =	ssyncadd.s32 $0xFFFFD8A0  }
0x3a: {  	_ =	swait.ge [sflag:s19], $0x2760  }
0x3b: {  	[sflag:s19] =	ssyncset.done $0x0  }
0x3c: {  	s25 =	simm.s32 $0x0;
	[sflag:s19] =	ssyncadd.s32 $0xFFFFD8A0  }
0x3d: {  	[tilespmem:s21], [sflag:$0x1] =	stream.indirect.gather [hbm4b:s1+s20], $0x80, s25, s20, $0xb8;
	[tilespmem:$0x1FAC0] =	vst v63  }
0x3e: {  	_ = 	snop  }
0x3f: {  	[tilespmem:s16], [sflag:$0x2] =	stream.indirect.gather [hbm4b:s1+s20], $0x80, s20, s20, $0xb8;
	[tilespmem:$0x1FAC0] =	vst v63  }
0x40: {  	[bflag:$0x0] =	sbarrier.arrive $0xFFFF  }
0x41: {  	_ =	swait.ge [sflag:s18], $0x3800  }
0x42: {  	[sflag:s18] =	ssyncset.done $0x0  }
0x43: {  	s29 =	simm.s32 $0x2760;
	[sflag:s18] =	ssyncadd.s32 $0xFFFFC800  }
0x44: {  	[spmem:s3] =	stream.indirect.scatter.add.f32 [tilespmem:s21], [sflag:$0x3], $0x80, s29, s20, $0xb8;
	[tilespmem:$0x1FAC0] =	vst v63  }
0x45: {  	_ =	swait.ge [sflag:s17], $0x3800  }
0x46: {  	[sflag:s17] =	ssyncset.done $0x0  }
0x47: {  	s30 =	simm.s32 $0xE0;
	[sflag:s17] =	ssyncadd.s32 $0xFFFFC800  }
0x48: {  	[tilespmem:s21], [sflag:$0x1] =	stream.indirect.gather [hbm4b:s1+s20], $0x80, s30, s20, $0xb8;
	[tilespmem:$0x1FAC0] =	vst v63  }
0x49: {  	_ =	swait.ge [sflag:s19], $0x3800  }
0x4a: {  	[sflag:s19] =	ssyncset.done $0x0  }
0x4b: {  	s31 =	simm.s32 $0x27D0;
	[sflag:s19] =	ssyncadd.s32 $0xFFFFC800  }
0x4c: {  	[spmem:s3] =	stream.indirect.scatter.add.f32 [tilespmem:s16], [sflag:$0x3], $0x80, s31, s20, $0xb8;
	[tilespmem:$0x1FAC0] =	vst v63  }
0x4d: {  	_ =	swait.ge [sflag:s17], $0x3800  }
0x4e: {  	[sflag:s17] =	ssyncset.done $0x0  }
0x4f: {  	s26 =	simm.s32 $0x150;
	s25 =	simm.s32 $0x380;
	[sflag:s17] =	ssyncadd.s32 $0xFFFFC800  }
.LBB2_4:
0x50: {  	[tilespmem:s16], [sflag:$0x2] =	stream.indirect.gather [hbm4b:s1+s20], $0x80, s26, s20, $0xb8;
	[tilespmem:$0x1FAC0] =	vst v63  }
0x51: {  	s26 =	smov.u32 s25  }
0x52: {  	p0 =	sne.s32 s25, $0x9680;
	s25 =	sadd.s32 $0x380, s25;
	_ =	swait.ge [sflag:s18], $0x3800  }
0x53: {  	s26 =	sshra.s32 s26, $0x2;
	[sflag:s18] =	ssyncset.done $0x0  }
0x54: {  	s28 =	sadd.s32 $0x2760, s26;
	[sflag:s18] =	ssyncadd.s32 $0xFFFFC800  }
0x55: {  	[spmem:s3] =	stream.indirect.scatter.add.f32 [tilespmem:s21], [sflag:$0x3], $0x80, s28, s20, $0xb8;
	[tilespmem:$0x1FAC0] =	vst v63  }
0x56: {  	_ =	swait.ge [sflag:s17], $0x3800  }
0x57: {  	[sflag:s17] =	ssyncset.done $0x0  }
0x58: {  	s28 =	sadd.s32 $0xE0, s26;
	[sflag:s17] =	ssyncadd.s32 $0xFFFFC800  }
0x59: {  	[tilespmem:s21], [sflag:$0x1] =	stream.indirect.gather [hbm4b:s1+s20], $0x80, s28, s20, $0xb8;
	[tilespmem:$0x1FAC0] =	vst v63  }
0x5a: {  	_ =	swait.ge [sflag:s19], $0x3800  }
0x5b: {  	[sflag:s19] =	ssyncset.done $0x0  }
.Ltmp1:
0x5c: {  	s28 =	sadd.s32 $0x27D0, s26;
	[sflag:s19] =	ssyncadd.s32 $0xFFFFC800;
	(pc) =	sbr.rel @p0 .LBB2_4-.Ltmp1, $4  }
0x5d: {  	[spmem:s3] =	stream.indirect.scatter.add.f32 [tilespmem:s16], [sflag:$0x3], $0x80, s28, s20, $0xb8;
	[tilespmem:$0x1FAC0] =	vst v63  }
0x5e: {  	_ =	swait.ge [sflag:s17], $0x3800  }
0x5f: {  	[sflag:s17] =	ssyncset.done $0x0  }
0x60: {  	s26 =	sadd.s32 $0x150, s26;
	[sflag:s17] =	ssyncadd.s32 $0xFFFFC800  }
0x61: {  	[tilespmem:s16], [sflag:$0x2] =	stream.indirect.gather [hbm4b:s1+s20], $0x80, s26, s20, $0xb8;
	[tilespmem:$0x1FAC0] =	vst v63  }
0x62: {  	_ =	swait.ge [sflag:s18], $0x3800  }
0x63: {  	[sflag:s18] =	ssyncset.done $0x0  }
0x64: {  	[sflag:s18] =	ssyncadd.s32 $0xFFFFC800  }
0x65: {  	[spmem:s3] =	stream.indirect.scatter.add.f32 [tilespmem:s21], [sflag:$0x3], $0x80, s22, s20, $0xb8;
	[tilespmem:$0x1FAC0] =	vst v63  }
0x66: {  	_ =	swait.ge [sflag:s17], $0x3800  }
0x67: {  	[sflag:s17] =	ssyncset.done $0x0  }
0x68: {  	[sflag:s17] =	ssyncadd.s32 $0xFFFFC800  }
0x69: {  	_ =	swait.ge [sflag:s19], $0x3800  }
0x6a: {  	[sflag:s19] =	ssyncset.done $0x0  }
0x6b: {  	[sflag:s19] =	ssyncadd.s32 $0xFFFFC800  }
0x6c: {  	[spmem:s3] =	stream.indirect.scatter.add.f32 [tilespmem:s16], [sflag:$0x3], $0x80, s23, s20, $0xb8;
	[tilespmem:$0x1FAC0] =	vst v63  }
0x6d: {  	_ =	swait.ge [sflag:s17], $0x3800  }
0x6e: {  	s25 =	sshll.u32 s2, $0x6;
	s24 =	sadd.s32 $0x1, s24;
	[sflag:s17] =	ssyncset.done $0x0  }
0x6f: {  	s31 =	sshrl.u32 s7, $0x3;
	p0 =	sne.s32 s24, s14;
	[sflag:s17] =	ssyncadd.s32 $0xFFFFC800  }
.Ltmp2:
0x70: {  	s25 =	sor.u32 $0x1C03, s25;
	[bflag:$0x0] =	sbarrier.arrive $0xFFFF;
	(pc) =	sbr.rel @p0 .LBB2_1-.Ltmp2, $4  }
0x71: {  	[hbm:s13], [sflag:s25] =	dma.local [spmem:s31], $0x2780  }
0x72: {  	_ =	swait.ge [sflag:s17], $0x2780  }
0x73: {  	[sflag:s17] =	ssyncset.done $0x0  }
0x74: {  	[sflag:s17] =	ssyncadd.s32 $0xFFFFD880  }
0x75: {  	_ =	sfence.sel $0x180000  }
0x76: {  	[bflag:$0x0] =	sbarrier.arrive $0xFFFF  }
0x77: {  	p0 =	sne.s32 s2, $0x0;
	_ =	strace $0x90000047  }
0x78: {  	s0 =	sadd.s32 @!p0 $0x100000, s0;
	[bflag:$0x2] =	sbarrier.arrive $0xFFFF  }
0x79: {  	[sflag:s0] =	ssyncadd.tile.s32 @!p0 $0x1;
	_ =	shalt  }
.Lfunc_end2:
_tile_overlayer_lowered:
.L_overlay_start_2:
0x7a: {  	(tag) =	ssettag $0x2  }
0x7b: {  	s0 =	rddreg [dreg:$0x0];
	s2 =	stileid.u32  }
0x7c: {  	s1 =	rddreg [dreg:$0x1];
	p0 =	sne.s32 s2, $0x0  }
0x7d: {  	s3 =	rddreg [dreg:$0x2];
	[bflag:$0x3] =	sbarrier.arrive $0xFFFF;
	s2 =	simm.s32 @!p0 $0x1C03  }
0x7e: {  	[timem:s3], [sflag:s2] =	dma.local @!p0 [hbm:s0], s1  }
0x7f: {  	s0 =	simm.s32 @!p0 $0x3  }
0x80: {  	_ =	swait.ge @!p0 [sflag:s0], s1  }
0x81: {  	s1 =	ssub.s32 @!p0 $0x0, s1;
	[sflag:s0] =	ssyncset.done @!p0 $0x0  }
0x82: {  	[sflag:s0] =	ssyncadd.s32 @!p0 s1  }
0x83: {  	[bflag:$0x3] =	sbarrier.arrive $0xFFFF  }
0x84: {  	_ =	shalt  }

</sc_bundles>
